<compile_context>
chip_gen: v7x
topology: tpu7x:2x2x1
jax: 0.10.2.dev20260603
libtpu: 0.0.44.dev20260713+nightly
codegen_flags: <defaults>
</compile_context>

<pallas_src>
import functools

import jax
import jax.numpy as jnp
from jax import lax
from jax.experimental import pallas as pl
from jax.experimental.pallas import tpu as pltpu
from jax.experimental.pallas import tpu_sc as plsc

N = 10000
NP = 10240
E = 320000
EP = 327680
D = 128
NG = 8
NC = 2
NS = 16
NW = NC * NS
EPW = EP // NW
CHUNK = 128
ROWS_PER_TILE = NP // NS

_BI = 512
_BJ = 1024



def _sc_mesh():
    return plsc.VectorSubcoreMesh(core_axis_name="c", subcore_axis_name="s",
                                  num_cores=NC, num_subcores=NS)


def _sc_deg(dste, ones_c, zeros_c):
    @functools.partial(
        pl.kernel,
        out_type=jax.ShapeDtypeStruct((NC, NP, D), jnp.float32),
        mesh=_sc_mesh(),
        scratch_types=[
            pltpu.VMEM((CHUNK,), jnp.int32),
            pltpu.VMEM((CHUNK, D), jnp.float32),
            pltpu.VMEM((64, D), jnp.float32),
            pltpu.VMEM_SHARED((NP, D), jnp.float32),
            pltpu.SemaphoreType.DMA,
        ],
    )
    def deg_kernel(dst_hbm, ones_hbm, z_hbm, out_hbm, idx_v, ones_v, zb_v,
                   acc_sh, sem):
        cid = lax.axis_index("c")
        sid = lax.axis_index("s")
        w = cid * NS + sid

        pltpu.sync_copy(ones_hbm, ones_v)
        pltpu.sync_copy(z_hbm, zb_v)

        def zcp(t, carry):
            pltpu.sync_copy(zb_v, acc_sh.at[pl.ds(sid * ROWS_PER_TILE + t * 64, 64)])
            return carry
        lax.fori_loop(0, ROWS_PER_TILE // 64, zcp, 0)
        plsc.subcore_barrier()

        def step(cix, carry):
            base = w * EPW + cix * CHUNK
            pltpu.sync_copy(dst_hbm.at[pl.ds(base, CHUNK)], idx_v)
            pltpu.sync_copy(ones_v, acc_sh.at[idx_v], add=True)
            return carry
        lax.fori_loop(0, EPW // CHUNK, step, 0)
        plsc.subcore_barrier()

        pltpu.sync_copy(acc_sh.at[pl.ds(sid * ROWS_PER_TILE, ROWS_PER_TILE)],
                        out_hbm.at[cid, pl.ds(sid * ROWS_PER_TILE, ROWS_PER_TILE)])

    return deg_kernel(dste, ones_c, zeros_c)


_K0 = 117
_K1 = 43
_E0 = _K0 * CHUNK * NS
_NBUF = 2


def _sc_agg(y, srce, dste, zeros_d):
    @functools.partial(
        pl.kernel,
        out_type=jax.ShapeDtypeStruct((NC, NP, D), jnp.float32),
        mesh=_sc_mesh(),
        scratch_types=[
            pltpu.VMEM((_NBUF, CHUNK), jnp.int32),
            pltpu.VMEM((_NBUF, CHUNK), jnp.int32),
            pltpu.VMEM((_NBUF, CHUNK, D), jnp.float32),
            pltpu.VMEM((64, D), jnp.float32),
            pltpu.VMEM_SHARED((NP, D), jnp.float32),
            pltpu.SemaphoreType.DMA,
        ],
    )
    def agg_kernel(y_hbm, src_hbm, dst_hbm, z_hbm, out_hbm,
                   sidx_v, didx_v, rows_v, zb_v, acc_sh, sem):
        cid = lax.axis_index("c")
        sid = lax.axis_index("s")

        pltpu.sync_copy(z_hbm, zb_v)

        def zcp(t, carry):
            pltpu.sync_copy(zb_v, acc_sh.at[pl.ds(sid * ROWS_PER_TILE + t * 64, 64)])
            return carry
        lax.fori_loop(0, ROWS_PER_TILE // 64, zcp, 0)
        plsc.subcore_barrier()

        nch = jnp.where(cid == 0, _K0, _K1)
        tstart = jnp.where(cid == 0, sid * (_K0 * CHUNK),
                           _E0 + sid * (_K1 * CHUNK))

        lag = _NBUF - 1

        def step(cix, carry):
            par = lax.rem(cix, _NBUF)

            @pl.when(cix < nch)
            def _():
                base = tstart + cix * CHUNK
                pltpu.sync_copy(src_hbm.at[pl.ds(base, CHUNK)], sidx_v.at[par])
                pltpu.sync_copy(dst_hbm.at[pl.ds(base, CHUNK)], didx_v.at[par])
                pltpu.async_copy(y_hbm.at[sidx_v.at[par]], rows_v.at[par], sem)

            @pl.when(cix >= lag)
            def _():
                prv = lax.rem(cix + 1, _NBUF)
                pltpu.make_async_copy(y_hbm.at[sidx_v.at[prv]],
                                      rows_v.at[prv], sem).wait()
                pltpu.sync_copy(rows_v.at[prv], acc_sh.at[didx_v.at[prv]],
                                add=True)
            return carry
        lax.fori_loop(0, nch + lag, step, 0)
        plsc.subcore_barrier()

        pltpu.sync_copy(acc_sh.at[pl.ds(sid * ROWS_PER_TILE, ROWS_PER_TILE)],
                        out_hbm.at[cid, pl.ds(sid * ROWS_PER_TILE, ROWS_PER_TILE)])

    return agg_kernel(y, srce, dste, zeros_d)



_BM = 256


def _mm(xp, W):
    def body(x_ref, w_ref, o_ref):
        o_ref[...] = jnp.dot(x_ref[...], w_ref[...],
                             preferred_element_type=jnp.float32)
    return pl.pallas_call(
        body,
        grid=(NP // _BM,),
        in_specs=[pl.BlockSpec((_BM, D), lambda i: (i, 0)),
                  pl.BlockSpec((D, D), lambda i: (0, 0))],
        out_specs=pl.BlockSpec((_BM, D), lambda i: (i, 0)),
        out_shape=jax.ShapeDtypeStruct((NP, D), jnp.float32),
    )(xp, W)


def _scale(xw, degp):
    def body(xw_ref, dg_ref, y_ref, dv_ref):
        deg = dg_ref[0, :, 0:1] + dg_ref[1, :, 0:1] + 1.0
        dv = lax.rsqrt(deg)
        y_ref[...] = xw_ref[...] * dv
        dv_ref[...] = dv
    return pl.pallas_call(
        body,
        grid=(NP // _BM,),
        in_specs=[pl.BlockSpec((_BM, D), lambda i: (i, 0)),
                  pl.BlockSpec((NC, _BM, D), lambda i: (0, i, 0))],
        out_specs=[pl.BlockSpec((_BM, D), lambda i: (i, 0)),
                   pl.BlockSpec((_BM, 1), lambda i: (i, 0))],
        out_shape=[jax.ShapeDtypeStruct((NP, D), jnp.float32),
                   jax.ShapeDtypeStruct((NP, 1), jnp.float32)],
    )(xw, degp)


def _layer(aggp, y, dinv, b, W2):
    def body(ag_ref, y_ref, dv_ref, b_ref, w_ref, o_ref):
        dv = dv_ref[...]
        h = jnp.maximum(dv * (ag_ref[0] + ag_ref[1] + y_ref[...]) + b_ref[...],
                        0.0)
        o_ref[...] = jnp.dot(h, w_ref[...],
                             preferred_element_type=jnp.float32) * dv
    return pl.pallas_call(
        body,
        grid=(NP // _BM,),
        in_specs=[pl.BlockSpec((NC, _BM, D), lambda i: (0, i, 0)),
                  pl.BlockSpec((_BM, D), lambda i: (i, 0)),
                  pl.BlockSpec((_BM, 1), lambda i: (i, 0)),
                  pl.BlockSpec((1, D), lambda i: (0, 0)),
                  pl.BlockSpec((D, D), lambda i: (0, 0))],
        out_specs=pl.BlockSpec((_BM, D), lambda i: (i, 0)),
        out_shape=jax.ShapeDtypeStruct((NP, D), jnp.float32),
    )(aggp, y, dinv, b, W2)


def _score(aggp, y, dinv, b, prow):
    def body(ag_ref, y_ref, dv_ref, b_ref, p_ref, val_ref, s_ref):
        dv = dv_ref[...]
        h = jnp.maximum(dv * (ag_ref[0] + ag_ref[1] + y_ref[...]) + b_ref[...],
                        0.0)
        pv = p_ref[...]
        pn = jnp.sqrt(jnp.sum(pv * pv))
        s = jnp.tanh(jnp.sum(h * pv, axis=1, keepdims=True) / pn)
        val_ref[...] = h * s
        s_ref[...] = s
    return pl.pallas_call(
        body,
        grid=(NP // _BM,),
        in_specs=[pl.BlockSpec((NC, _BM, D), lambda i: (0, i, 0)),
                  pl.BlockSpec((_BM, D), lambda i: (i, 0)),
                  pl.BlockSpec((_BM, 1), lambda i: (i, 0)),
                  pl.BlockSpec((1, D), lambda i: (0, 0)),
                  pl.BlockSpec((1, D), lambda i: (0, 0))],
        out_specs=[pl.BlockSpec((_BM, D), lambda i: (i, 0)),
                   pl.BlockSpec((_BM, 1), lambda i: (i, 0))],
        out_shape=[jax.ShapeDtypeStruct((NP, D), jnp.float32),
                   jax.ShapeDtypeStruct((NP, 1), jnp.float32)],
    )(aggp, y, dinv, b, prow)


def _counts(brow):
    def body(b_ref, o_ref):
        j = pl.program_id(0)

        @pl.when(j == 0)
        def _():
            o_ref[...] = jnp.zeros_like(o_ref)

        g = lax.broadcasted_iota(jnp.int32, (NG, _BJ), 0)
        eq = (b_ref[...] == g)
        o_ref[...] += jnp.sum(eq.astype(jnp.float32), axis=1, keepdims=True)
    return pl.pallas_call(
        body,
        grid=(NP // _BJ,),
        in_specs=[pl.BlockSpec((1, _BJ), lambda j: (0, j))],
        out_specs=pl.BlockSpec((NG, 1), lambda j: (0, 0)),
        out_shape=jax.ShapeDtypeStruct((NG, 1), jnp.float32),
    )(brow)


def _rank(scol, srow, bcol, brow):
    nbj = NP // _BJ

    def body(sc_ref, sr_ref, bc_ref, br_ref, o_ref):
        i = pl.program_id(0)
        bc = bc_ref[...]
        sc = sc_ref[...]
        bc_min = bc_ref[0, 0]
        bc_max = bc_ref[_BI - 1, 0]
        o_ref[...] = jnp.zeros_like(o_ref)
        for jj in range(nbj):
            br_min = br_ref[0, jj * _BJ]
            br_max = br_ref[0, jj * _BJ + _BJ - 1]
            overlap = (bc_max >= br_min) & (bc_min <= br_max)

            left = (jj + 1) * _BJ - 1 < i * _BI
            right = jj * _BJ > i * _BI + _BI - 1
            sl = slice(jj * _BJ, (jj + 1) * _BJ)

            @pl.when(overlap & left)
            def _(sl=sl):
                m = (br_ref[0:1, sl] == bc) & (sr_ref[0:1, sl] >= sc)
                o_ref[...] += jnp.sum(m.astype(jnp.float32), axis=1,
                                      keepdims=True)

            @pl.when(overlap & right)
            def _(sl=sl):
                m = (br_ref[0:1, sl] == bc) & (sr_ref[0:1, sl] > sc)
                o_ref[...] += jnp.sum(m.astype(jnp.float32), axis=1,
                                      keepdims=True)

            @pl.when(overlap & jnp.logical_not(left | right))
            def _(sl=sl, jj=jj):
                sr = sr_ref[0:1, sl]
                ii = i * _BI + lax.broadcasted_iota(jnp.int32, (_BI, _BJ), 0)
                jt = jj * _BJ + lax.broadcasted_iota(jnp.int32, (_BI, _BJ), 1)
                before = (sr > sc) | ((sr == sc) & (jt < ii))
                m = (br_ref[0:1, sl] == bc) & before
                o_ref[...] += jnp.sum(m.astype(jnp.float32), axis=1,
                                      keepdims=True)

    return pl.pallas_call(
        body,
        grid=(NP // _BI,),
        in_specs=[pl.BlockSpec((_BI, 1), lambda i: (i, 0)),
                  pl.BlockSpec((1, NP), lambda i: (0, 0)),
                  pl.BlockSpec((_BI, 1), lambda i: (i, 0)),
                  pl.BlockSpec((1, NP), lambda i: (0, 0))],
        out_specs=pl.BlockSpec((_BI, 1), lambda i: (i, 0)),
        out_shape=jax.ShapeDtypeStruct((NP, 1), jnp.float32),
    )(scol, srow, bcol, brow)


def _pool(val, brow, rrow, ncnt, Wl, bl):
    nblk = NP // _BM

    def body(v_ref, b_ref, r_ref, n_ref, wl_ref, bl_ref, o_ref, acc_ref):
        i = pl.program_id(0)

        @pl.when(i == 0)
        def _():
            acc_ref[...] = jnp.zeros_like(acc_ref)

        km = jnp.ceil(0.5 * n_ref[...])
        g = lax.broadcasted_iota(jnp.int32, (NG, _BM), 0)
        sel = (b_ref[...] == g) & (r_ref[...] < km)
        M = sel.astype(jnp.float32)
        acc_ref[...] += jnp.dot(M, v_ref[...],
                                preferred_element_type=jnp.float32)

        @pl.when(i == nblk - 1)
        def _():
            pooled = acc_ref[...] / jnp.maximum(km, 1.0)
            logits = jnp.dot(pooled, wl_ref[...],
                             preferred_element_type=jnp.float32) + bl_ref[...]
            mx = jnp.max(logits, axis=1, keepdims=True)
            lse = jnp.log(jnp.sum(jnp.exp(logits - mx), axis=1,
                                  keepdims=True)) + mx
            o_ref[...] = logits - lse

    return pl.pallas_call(
        body,
        grid=(nblk,),
        in_specs=[pl.BlockSpec((_BM, D), lambda i: (i, 0)),
                  pl.BlockSpec((1, _BM), lambda i: (0, i)),
                  pl.BlockSpec((1, _BM), lambda i: (0, i)),
                  pl.BlockSpec((NG, 1), lambda i: (0, 0)),
                  pl.BlockSpec((D, 10), lambda i: (0, 0)),
                  pl.BlockSpec((1, 10), lambda i: (0, 0))],
        out_specs=pl.BlockSpec((NG, 10), lambda i: (0, 0)),
        out_shape=jax.ShapeDtypeStruct((NG, 10), jnp.float32),
        scratch_shapes=[pltpu.VMEM((NG, D), jnp.float32)],
    )(val, brow, rrow, ncnt, Wl, bl)



def kernel(x, edge_index, batch, W1, b1, W2, b2, p, Wl, bl):
    src = edge_index[0]
    dst = edge_index[1]
    epad = jnp.full((EP - E,), NP - 1, dtype=jnp.int32)
    srce = jnp.concatenate([src, epad])
    dste = jnp.concatenate([dst, epad])
    xp = jnp.concatenate([x, jnp.zeros((NP - N, D), jnp.float32)], axis=0)
    batchp = jnp.concatenate([batch, jnp.full((NP - N,), NG, jnp.int32)])
    bcol = batchp.reshape(NP, 1)
    brow = batchp.reshape(1, NP)

    ones_c = jnp.ones((CHUNK, D), jnp.float32)
    zeros_d = jnp.zeros((64, D), jnp.float32)

    degp = _sc_deg(dste, ones_c, zeros_d)
    xw1 = _mm(xp, W1)
    y1, dinv = _scale(xw1, degp)
    aggp1 = _sc_agg(y1, srce, dste, zeros_d)
    y2 = _layer(aggp1, y1, dinv, b1.reshape(1, D), W2)
    aggp2 = _sc_agg(y2, srce, dste, zeros_d)
    val, s = _score(aggp2, y2, dinv, b2.reshape(1, D), p.reshape(1, D))
    ncnt = _counts(brow)
    rank = _rank(s, s.reshape(1, NP), bcol, brow)
    out = _pool(val, brow, rank.reshape(1, NP), ncnt, Wl, bl.reshape(1, 10))
    return out

# --- scband reference (transcript-rebuilt; emitter-appended) ---
"""Pipeline reference for scband-conv-gnn-39599598469674 (READ-ONLY COPY).

The authoritative reference and input builder live on the scoring server;
editing this copy changes nothing except your own understanding.
"""

import jax, jax.numpy as jnp
import numpy as np

N_NODES = 10000
N_EDGES = 320000
D_IN = 128
D_H = 128
D_OUT = 10
N_GRAPHS = 8
RATIO = 0.5


def gcn_conv(x, src, dst, W, b):
    # PyG GCNConv: add self-loops, symmetric normalization, aggregate at dst (target)
    N = x.shape[0]
    loop = jnp.arange(N, dtype=src.dtype)
    src2 = jnp.concatenate([src, loop])
    dst2 = jnp.concatenate([dst, loop])
    xw = x @ W
    deg = jax.ops.segment_sum(jnp.ones(src2.shape[0], dtype=xw.dtype), dst2, num_segments=N)
    dinv = jnp.where(deg > 0, 1.0 / jnp.sqrt(deg), 0.0)
    norm = dinv[src2] * dinv[dst2]
    out = jax.ops.segment_sum(xw[src2] * norm[:, None], dst2, num_segments=N)
    return out + b


def forward(x, edge_index, batch, W1, b1, W2, b2, p, Wl, bl):
    src = edge_index[0]
    dst = edge_index[1]
    # loop over zip(convs, pools) -> exactly 2 iterations (4 convs, 2 pools)
    h = jax.nn.relu(gcn_conv(x, src, dst, W1, b1))          # i = 0, no pool
    h = jax.nn.relu(gcn_conv(h, src, dst, W2, b2))          # i = 1, then TopKPooling
    # TopKPooling(ratio=0.5): score = tanh((x . p) / ||p||), keep ceil(0.5*n_g) per graph
    score = jnp.tanh((h @ p) / jnp.linalg.norm(p))
    N = batch.shape[0]
    n_g = jax.ops.segment_sum(jnp.ones(N, dtype=jnp.int32), batch, num_segments=N_GRAPHS)
    k_g = jnp.ceil(RATIO * n_g.astype(jnp.float32)).astype(jnp.int32)
    # stable sort by descending score (ties broken by node index, matching per-graph argsort)
    sidx = jnp.argsort(-score)
    oh = jax.nn.one_hot(batch[sidx], N_GRAPHS, dtype=jnp.int32)
    rank_sorted = jnp.take_along_axis(jnp.cumsum(oh, axis=0), batch[sidx][:, None], axis=1)[:, 0] - 1
    rank = jnp.zeros(N, dtype=jnp.int32).at[sidx].set(rank_sorted)
    sel = rank < k_g[batch]
    # stable reorder to (batch asc, score desc, index asc), selected nodes first
    o1 = sidx[jnp.argsort(batch[sidx])]
    o2 = o1[jnp.argsort(jnp.where(sel[o1], 0, 1))]
    selo = sel[o2]
    xp = jnp.where(selo[:, None], h[o2] * score[o2][:, None], 0.0)
    bp = jnp.where(selo, batch[o2], 0)
    # global_mean_pool over pooled nodes (pooled edge_index is dead code in original forward)
    counts = jax.ops.segment_sum(jnp.where(selo, 1.0, 0.0).astype(xp.dtype), bp, num_segments=N_GRAPHS)
    pooled = jax.ops.segment_sum(xp, bp, num_segments=N_GRAPHS) / jnp.maximum(counts, 1.0)[:, None]
    out = pooled @ Wl + bl
    return jax.nn.log_softmax(out, axis=1)


def setup_inputs(seed: int = 0):
    key = jax.random.key(seed)
    ks = jax.random.split(key, 12)
    x = jax.random.normal(ks[0], (N_NODES, D_IN), dtype=jnp.float32)
    edge_index = jax.random.randint(ks[1], (2, N_EDGES), 0, N_NODES, dtype=jnp.int32)
    batch = jnp.sort(jax.random.randint(ks[2], (N_NODES,), 0, N_GRAPHS, dtype=jnp.int32))
    W1 = jax.random.normal(ks[3], (D_IN, D_H), dtype=jnp.float32) * (1.0 / np.sqrt(D_IN))
    b1 = jax.random.normal(ks[4], (D_H,), dtype=jnp.float32) * 0.01
    W2 = jax.random.normal(ks[5], (D_H, D_H), dtype=jnp.float32) * (1.0 / np.sqrt(D_H))
    b2 = jax.random.normal(ks[6], (D_H,), dtype=jnp.float32) * 0.01
    p = jax.random.normal(ks[7], (D_H,), dtype=jnp.float32) * (1.0 / np.sqrt(D_H))
    Wl = jax.random.normal(ks[8], (D_H, D_OUT), dtype=jnp.float32) * (1.0 / np.sqrt(D_H))
    bl = jax.random.normal(ks[9], (D_OUT,), dtype=jnp.float32) * 0.01
    return {"x": x, "edge_index": edge_index, "batch": batch, "W1": W1, "b1": b1,
            "W2": W2, "b2": b2, "p": p, "Wl": Wl, "bl": bl}


def reference(x, edge_index, batch, W1, b1, W2, b2, p, Wl, bl):
    return forward(x, edge_index, batch, W1, b1, W2, b2, p, Wl, bl)

if __name__ == "__main__":
    import jax
    _d = setup_inputs()
    print(jax.jit(kernel)(*tuple(_d.values())))

</pallas_src>

<mosaic_0001>
#map = affine_map<(d0, d1) -> (0, 0)>
#map1 = affine_map<(d0, d1) -> (0)>
#map2 = affine_map<(d0, d1) -> (0, 0, 0)>
module attributes {stable_mosaic.version = 14 : i64} {
  func.func @agg_kernel(%arg0: i32, %arg1: i32, %arg2: memref<10240x128xf32, #tpu.memory_space<hbm>>, %arg3: memref<327680xi32, #tpu.memory_space<hbm>>, %arg4: memref<327680xi32, #tpu.memory_space<hbm>>, %arg5: memref<64x128xf32, #tpu.memory_space<hbm>>, %arg6: memref<2x10240x128xf32, #tpu.memory_space<hbm>>, %arg7: memref<2x128xi32, #tpu.memory_space<vmem>>, %arg8: memref<2x128xi32, #tpu.memory_space<vmem>>, %arg9: memref<2x128x128xf32, #tpu.memory_space<vmem>>, %arg10: memref<64x128xf32, #tpu.memory_space<vmem>>, %arg11: memref<10240x128xf32, #tpu.memory_space<vmem_shared>>, %arg12: memref<!tpu.dma_semaphore, #tpu.memory_space<semaphore_mem>>) attributes {dimension_semantics = [#tpu.dimension_semantics<core_parallel>, #tpu.dimension_semantics<subcore_parallel>], iteration_bounds = array<i64: 2, 16>, scalar_prefetch = 0 : i64, scratch_operands = 6 : i64, tpu.core_type = #tpu.core_type<sc_vector_subcore>, window_params = [{transform_indices = #map}, {transform_indices = #map1}, {transform_indices = #map1}, {transform_indices = #map}, {transform_indices = #map2}]} {
    "tpu.region"() ({
      %run_scoped3A = tpu.sem_alloc : memref<!tpu.dma_semaphore, #tpu.memory_space<semaphore_mem>>
      tpu.enqueue_dma source(%arg5 : memref<64x128xf32, #tpu.memory_space<hbm>>) target(%arg10 : memref<64x128xf32, #tpu.memory_space<vmem>>) target_semaphore(%run_scoped3A : memref<!tpu.dma_semaphore, #tpu.memory_space<semaphore_mem>>)
      tpu.wait_dma2 semaphore(%run_scoped3A : memref<!tpu.dma_semaphore, #tpu.memory_space<semaphore_mem>>) src(%arg5 : memref<64x128xf32, #tpu.memory_space<hbm>>) dst(%arg10 : memref<64x128xf32, #tpu.memory_space<vmem>>)
      tpu.yield
    }) : () -> ()
    %scan3A = arith.constant 0 : i32
    %scan3A_0 = arith.constant 0 : i32
    %scan3A_1 = arith.constant 10 : i32
    %scan3A_2 = arith.addi %scan3A_0, %scan3A_1 : i32
    %scan3A_3 = arith.constant 1 : i32
    scf.for %scan3A_30 = %scan3A_0 to %scan3A_2 step %scan3A_3  : i32 {
      %mul3A_31 = arith.constant 640 : i32
      %mul3A_32 = arith.muli %arg1, %mul3A_31 : i32
      %mul3A_33 = arith.constant 64 : i32
      %mul3A_34 = arith.muli %scan3A_30, %mul3A_33 : i32
      %add3A_35 = arith.addi %mul3A_32, %mul3A_34 : i32
      "tpu.region"() ({
        %run_scoped3A = tpu.sem_alloc : memref<!tpu.dma_semaphore, #tpu.memory_space<semaphore_mem>>
        %dma_start3A = arith.constant 0 : i32
        %dma_start3A_36 = tpu.memref_slice %arg11[%add3A_35, %dma_start3A] : memref<10240x128xf32, #tpu.memory_space<vmem_shared>> -> memref<64x128xf32, #tpu.memory_space<vmem_shared>>
        %dma_start3A_37 = arith.constant 0 : i32
        %dma_start3A_38 = tpu.memref_slice %arg11[%add3A_35, %dma_start3A_37] : memref<10240x128xf32, #tpu.memory_space<vmem_shared>> -> memref<64x128xf32, #tpu.memory_space<vmem_shared>>
        tpu.enqueue_dma source(%arg10 : memref<64x128xf32, #tpu.memory_space<vmem>>) target(%dma_start3A_38 : memref<64x128xf32, #tpu.memory_space<vmem_shared>>) target_semaphore(%run_scoped3A : memref<!tpu.dma_semaphore, #tpu.memory_space<semaphore_mem>>)
        %dma_wait3A = arith.constant 0 : i32
        %dma_wait3A_39 = tpu.memref_slice %arg11[%add3A_35, %dma_wait3A] : memref<10240x128xf32, #tpu.memory_space<vmem_shared>> -> memref<64x128xf32, #tpu.memory_space<vmem_shared>>
        %dma_wait3A_40 = arith.constant 0 : i32
        %dma_wait3A_41 = tpu.memref_slice %arg11[%add3A_35, %dma_wait3A_40] : memref<10240x128xf32, #tpu.memory_space<vmem_shared>> -> memref<64x128xf32, #tpu.memory_space<vmem_shared>>
        tpu.wait_dma2 semaphore(%run_scoped3A : memref<!tpu.dma_semaphore, #tpu.memory_space<semaphore_mem>>) src(%arg10 : memref<64x128xf32, #tpu.memory_space<vmem>>) dst(%dma_wait3A_41 : memref<64x128xf32, #tpu.memory_space<vmem_shared>>)
        tpu.yield
      }) : () -> ()
    }
    %scan3A_4 = arith.constant 10 : i32
    %barrier3A = arith.constant 0 : index
    tpu.barrier barrier_id(%barrier3A)
    %eq3A = arith.constant 0 : i32
    %eq3A_5 = arith.cmpi eq, %arg0, %eq3A : i32
    %jit3A = arith.constant 117 : i32
    %jit3A_6 = arith.constant 43 : i32
    %select_n3A = arith.select %eq3A_5, %jit3A, %jit3A_6 : i32
    %eq3A_7 = arith.constant 0 : i32
    %eq3A_8 = arith.cmpi eq, %arg0, %eq3A_7 : i32
    %mul3A = arith.constant 14976 : i32
    %mul3A_9 = arith.muli %arg1, %mul3A : i32
    %mul3A_10 = arith.constant 5504 : i32
    %mul3A_11 = arith.muli %arg1, %mul3A_10 : i32
    %add3A = arith.constant 239616 : i32
    %add3A_12 = arith.addi %add3A, %mul3A_11 : i32
    %select_n3A_13 = arith.select %eq3A_8, %mul3A_9, %add3A_12 : i32
    %add3A_14 = arith.constant 1 : i32
    %add3A_15 = arith.addi %select_n3A, %add3A_14 : i32
    %while3A = arith.constant 0 : i32
    %while3A_16 = arith.constant 0 : i32
    %while3A_17 = arith.subi %add3A_15, %while3A_16 : i32
    %while3A_18 = arith.addi %while3A_16, %while3A_17 : i32
    %while3A_19 = arith.constant 1 : i32
    %while3A_20 = arith.divsi %while3A_17, %while3A_19 : i32
    %while3A_21 = arith.muli %while3A_20, %while3A_19 : i32
    %while3A_22 = arith.addi %while3A_16, %while3A_21 : i32
    %while3A_23 = arith.constant 1 : i32
    scf.for %while3A_30 = %while3A_16 to %while3A_22 step %while3A_23  : i32 {
      %rem3A = arith.constant 2 : i32
      %rem3A_31 = arith.remsi %while3A_30, %rem3A : i32
      %lt3A = arith.cmpi slt, %while3A_30, %select_n3A : i32
      %convert_element_type3A = arith.extui %lt3A : i1 to i32
      %cond3A = arith.constant 0 : i32
      %cond3A_32 = arith.cmpi ne, %convert_element_type3A, %cond3A : i32
      scf.if %cond3A_32 {
        %mul3A_37 = arith.constant 128 : i32
        %mul3A_38 = arith.muli %while3A_30, %mul3A_37 : i32
        %add3A_39 = arith.addi %select_n3A_13, %mul3A_38 : i32
        "tpu.region"() ({
          %run_scoped3A = tpu.sem_alloc : memref<!tpu.dma_semaphore, #tpu.memory_space<semaphore_mem>>
          %dma_start3A_49 = arith.constant 0 : i32
          %dma_start3A_50 = tpu.memref_slice %arg7[%rem3A_31, %dma_start3A_49] : memref<2x128xi32, #tpu.memory_space<vmem>> -> memref<1x128xi32, #tpu.memory_space<vmem>>
          %dma_start3A_51 = tpu.memref_squeeze %dma_start3A_50 : memref<1x128xi32, #tpu.memory_space<vmem>> -> memref<128xi32, #tpu.memory_space<vmem>>
          %dma_start3A_52 = tpu.memref_slice %arg3[%add3A_39] : memref<327680xi32, #tpu.memory_space<hbm>> -> memref<128xi32, #tpu.memory_space<hbm>>
          %dma_start3A_53 = arith.constant 0 : i32
          %dma_start3A_54 = tpu.memref_slice %arg7[%rem3A_31, %dma_start3A_53] : memref<2x128xi32, #tpu.memory_space<vmem>> -> memref<1x128xi32, #tpu.memory_space<vmem>>
          %dma_start3A_55 = tpu.memref_squeeze %dma_start3A_54 : memref<1x128xi32, #tpu.memory_space<vmem>> -> memref<128xi32, #tpu.memory_space<vmem>>
          %dma_start3A_56 = tpu.memref_slice %arg3[%add3A_39] : memref<327680xi32, #tpu.memory_space<hbm>> -> memref<128xi32, #tpu.memory_space<hbm>>
          tpu.enqueue_dma source(%dma_start3A_56 : memref<128xi32, #tpu.memory_space<hbm>>) target(%dma_start3A_55 : memref<128xi32, #tpu.memory_space<vmem>>) target_semaphore(%run_scoped3A : memref<!tpu.dma_semaphore, #tpu.memory_space<semaphore_mem>>)
          %dma_wait3A = arith.constant 0 : i32
          %dma_wait3A_57 = tpu.memref_slice %arg7[%rem3A_31, %dma_wait3A] : memref<2x128xi32, #tpu.memory_space<vmem>> -> memref<1x128xi32, #tpu.memory_space<vmem>>
          %dma_wait3A_58 = tpu.memref_squeeze %dma_wait3A_57 : memref<1x128xi32, #tpu.memory_space<vmem>> -> memref<128xi32, #tpu.memory_space<vmem>>
          %dma_wait3A_59 = tpu.memref_slice %arg3[%add3A_39] : memref<327680xi32, #tpu.memory_space<hbm>> -> memref<128xi32, #tpu.memory_space<hbm>>
          %dma_wait3A_60 = arith.constant 0 : i32
          %dma_wait3A_61 = tpu.memref_slice %arg7[%rem3A_31, %dma_wait3A_60] : memref<2x128xi32, #tpu.memory_space<vmem>> -> memref<1x128xi32, #tpu.memory_space<vmem>>
          %dma_wait3A_62 = tpu.memref_squeeze %dma_wait3A_61 : memref<1x128xi32, #tpu.memory_space<vmem>> -> memref<128xi32, #tpu.memory_space<vmem>>
          %dma_wait3A_63 = tpu.memref_slice %arg3[%add3A_39] : memref<327680xi32, #tpu.memory_space<hbm>> -> memref<128xi32, #tpu.memory_space<hbm>>
          tpu.wait_dma2 semaphore(%run_scoped3A : memref<!tpu.dma_semaphore, #tpu.memory_space<semaphore_mem>>) src(%dma_wait3A_63 : memref<128xi32, #tpu.memory_space<hbm>>) dst(%dma_wait3A_62 : memref<128xi32, #tpu.memory_space<vmem>>)
          tpu.yield
        }) : () -> ()
        "tpu.region"() ({
          %run_scoped3A = tpu.sem_alloc : memref<!tpu.dma_semaphore, #tpu.memory_space<semaphore_mem>>
          %dma_start3A_49 = arith.constant 0 : i32
          %dma_start3A_50 = tpu.memref_slice %arg8[%rem3A_31, %dma_start3A_49] : memref<2x128xi32, #tpu.memory_space<vmem>> -> memref<1x128xi32, #tpu.memory_space<vmem>>
          %dma_start3A_51 = tpu.memref_squeeze %dma_start3A_50 : memref<1x128xi32, #tpu.memory_space<vmem>> -> memref<128xi32, #tpu.memory_space<vmem>>
          %dma_start3A_52 = tpu.memref_slice %arg4[%add3A_39] : memref<327680xi32, #tpu.memory_space<hbm>> -> memref<128xi32, #tpu.memory_space<hbm>>
          %dma_start3A_53 = arith.constant 0 : i32
          %dma_start3A_54 = tpu.memref_slice %arg8[%rem3A_31, %dma_start3A_53] : memref<2x128xi32, #tpu.memory_space<vmem>> -> memref<1x128xi32, #tpu.memory_space<vmem>>
          %dma_start3A_55 = tpu.memref_squeeze %dma_start3A_54 : memref<1x128xi32, #tpu.memory_space<vmem>> -> memref<128xi32, #tpu.memory_space<vmem>>
          %dma_start3A_56 = tpu.memref_slice %arg4[%add3A_39] : memref<327680xi32, #tpu.memory_space<hbm>> -> memref<128xi32, #tpu.memory_space<hbm>>
          tpu.enqueue_dma source(%dma_start3A_56 : memref<128xi32, #tpu.memory_space<hbm>>) target(%dma_start3A_55 : memref<128xi32, #tpu.memory_space<vmem>>) target_semaphore(%run_scoped3A : memref<!tpu.dma_semaphore, #tpu.memory_space<semaphore_mem>>)
          %dma_wait3A = arith.constant 0 : i32
          %dma_wait3A_57 = tpu.memref_slice %arg8[%rem3A_31, %dma_wait3A] : memref<2x128xi32, #tpu.memory_space<vmem>> -> memref<1x128xi32, #tpu.memory_space<vmem>>
          %dma_wait3A_58 = tpu.memref_squeeze %dma_wait3A_57 : memref<1x128xi32, #tpu.memory_space<vmem>> -> memref<128xi32, #tpu.memory_space<vmem>>
          %dma_wait3A_59 = tpu.memref_slice %arg4[%add3A_39] : memref<327680xi32, #tpu.memory_space<hbm>> -> memref<128xi32, #tpu.memory_space<hbm>>
          %dma_wait3A_60 = arith.constant 0 : i32
          %dma_wait3A_61 = tpu.memref_slice %arg8[%rem3A_31, %dma_wait3A_60] : memref<2x128xi32, #tpu.memory_space<vmem>> -> memref<1x128xi32, #tpu.memory_space<vmem>>
          %dma_wait3A_62 = tpu.memref_squeeze %dma_wait3A_61 : memref<1x128xi32, #tpu.memory_space<vmem>> -> memref<128xi32, #tpu.memory_space<vmem>>
          %dma_wait3A_63 = tpu.memref_slice %arg4[%add3A_39] : memref<327680xi32, #tpu.memory_space<hbm>> -> memref<128xi32, #tpu.memory_space<hbm>>
          tpu.wait_dma2 semaphore(%run_scoped3A : memref<!tpu.dma_semaphore, #tpu.memory_space<semaphore_mem>>) src(%dma_wait3A_63 : memref<128xi32, #tpu.memory_space<hbm>>) dst(%dma_wait3A_62 : memref<128xi32, #tpu.memory_space<vmem>>)
          tpu.yield
        }) : () -> ()
        %dma_start3A = arith.constant 0 : i32
        %dma_start3A_40 = arith.constant 0 : i32
        %dma_start3A_41 = tpu.memref_slice %arg9[%rem3A_31, %dma_start3A, %dma_start3A_40] : memref<2x128x128xf32, #tpu.memory_space<vmem>> -> memref<1x128x128xf32, #tpu.memory_space<vmem>>
        %dma_start3A_42 = tpu.memref_squeeze %dma_start3A_41 : memref<1x128x128xf32, #tpu.memory_space<vmem>> -> memref<128x128xf32, #tpu.memory_space<vmem>>
        %dma_start3A_43 = arith.constant 0 : i32
        %dma_start3A_44 = tpu.memref_slice %arg7[%rem3A_31, %dma_start3A_43] : memref<2x128xi32, #tpu.memory_space<vmem>> -> memref<1x128xi32, #tpu.memory_space<vmem>>
        %dma_start3A_45 = tpu.memref_squeeze %dma_start3A_44 : memref<1x128xi32, #tpu.memory_space<vmem>> -> memref<128xi32, #tpu.memory_space<vmem>>
        %dma_start3A_46 = arith.constant 0 : i32
        %dma_start3A_47 = arith.constant 0 : i32
        %dma_start3A_48 = tpu.memref_slice %arg2[%dma_start3A_46, %dma_start3A_47] : memref<10240x128xf32, #tpu.memory_space<hbm>> -> memref<10240x128xf32, #tpu.memory_space<hbm>>
        tpu.enqueue_indirect_dma source(%dma_start3A_48 : memref<10240x128xf32, #tpu.memory_space<hbm>>) target(%dma_start3A_42 : memref<128x128xf32, #tpu.memory_space<vmem>>) offsets(%dma_start3A_45 : memref<128xi32, #tpu.memory_space<vmem>>) semaphore(%arg12 : memref<!tpu.dma_semaphore, #tpu.memory_space<semaphore_mem>>)
      } else {
      }
      %ge3A = arith.constant 1 : i32
      %ge3A_33 = arith.cmpi sge, %while3A_30, %ge3A : i32
      %convert_element_type3A_34 = arith.extui %ge3A_33 : i1 to i32
      %cond3A_35 = arith.constant 0 : i32
      %cond3A_36 = arith.cmpi ne, %convert_element_type3A_34, %cond3A_35 : i32
      scf.if %cond3A_36 {
        %add3A_37 = arith.constant 1 : i32
        %add3A_38 = arith.addi %while3A_30, %add3A_37 : i32
        %rem3A_39 = arith.constant 2 : i32
        %rem3A_40 = arith.remsi %add3A_38, %rem3A_39 : i32
        %dma_wait3A = arith.constant 0 : i32
        %dma_wait3A_41 = arith.constant 0 : i32
        %dma_wait3A_42 = tpu.memref_slice %arg9[%rem3A_40, %dma_wait3A, %dma_wait3A_41] : memref<2x128x128xf32, #tpu.memory_space<vmem>> -> memref<1x128x128xf32, #tpu.memory_space<vmem>>
        %dma_wait3A_43 = tpu.memref_squeeze %dma_wait3A_42 : memref<1x128x128xf32, #tpu.memory_space<vmem>> -> memref<128x128xf32, #tpu.memory_space<vmem>>
        %dma_wait3A_44 = arith.constant 0 : i32
        %dma_wait3A_45 = tpu.memref_slice %arg7[%rem3A_40, %dma_wait3A_44] : memref<2x128xi32, #tpu.memory_space<vmem>> -> memref<1x128xi32, #tpu.memory_space<vmem>>
        %dma_wait3A_46 = tpu.memref_squeeze %dma_wait3A_45 : memref<1x128xi32, #tpu.memory_space<vmem>> -> memref<128xi32, #tpu.memory_space<vmem>>
        %dma_wait3A_47 = arith.constant 0 : i32
        %dma_wait3A_48 = arith.constant 0 : i32
        %dma_wait3A_49 = tpu.memref_slice %arg2[%dma_wait3A_47, %dma_wait3A_48] : memref<10240x128xf32, #tpu.memory_space<hbm>> -> memref<10240x128xf32, #tpu.memory_space<hbm>>
        tpu.wait_indirect_dma semaphore(%arg12 : memref<!tpu.dma_semaphore, #tpu.memory_space<semaphore_mem>>) src(%dma_wait3A_49 : memref<10240x128xf32, #tpu.memory_space<hbm>>) dst(%dma_wait3A_43 : memref<128x128xf32, #tpu.memory_space<vmem>>)
        "tpu.region"() ({
          %run_scoped3A = tpu.sem_alloc : memref<!tpu.dma_semaphore, #tpu.memory_space<semaphore_mem>>
          %dma_start3A = arith.constant 0 : i32
          %dma_start3A_50 = arith.constant 0 : i32
          %dma_start3A_51 = tpu.memref_slice %arg9[%rem3A_40, %dma_start3A, %dma_start3A_50] : memref<2x128x128xf32, #tpu.memory_space<vmem>> -> memref<1x128x128xf32, #tpu.memory_space<vmem>>
          %dma_start3A_52 = tpu.memref_squeeze %dma_start3A_51 : memref<1x128x128xf32, #tpu.memory_space<vmem>> -> memref<128x128xf32, #tpu.memory_space<vmem>>
          %dma_start3A_53 = arith.constant 0 : i32
          %dma_start3A_54 = tpu.memref_slice %arg8[%rem3A_40, %dma_start3A_53] : memref<2x128xi32, #tpu.memory_space<vmem>> -> memref<1x128xi32, #tpu.memory_space<vmem>>
          %dma_start3A_55 = tpu.memref_squeeze %dma_start3A_54 : memref<1x128xi32, #tpu.memory_space<vmem>> -> memref<128xi32, #tpu.memory_space<vmem>>
          %dma_start3A_56 = arith.constant 0 : i32
          %dma_start3A_57 = arith.constant 0 : i32
          %dma_start3A_58 = tpu.memref_slice %arg11[%dma_start3A_56, %dma_start3A_57] : memref<10240x128xf32, #tpu.memory_space<vmem_shared>> -> memref<10240x128xf32, #tpu.memory_space<vmem_shared>>
          tpu.enqueue_indirect_dma source(%dma_start3A_52 : memref<128x128xf32, #tpu.memory_space<vmem>>) target(%dma_start3A_58 : memref<10240x128xf32, #tpu.memory_space<vmem_shared>>) offsets(%dma_start3A_55 : memref<128xi32, #tpu.memory_space<vmem>>) semaphore(%run_scoped3A : memref<!tpu.dma_semaphore, #tpu.memory_space<semaphore_mem>>) {add = true}
          %dma_wait3A_59 = arith.constant 0 : i32
          %dma_wait3A_60 = arith.constant 0 : i32
          %dma_wait3A_61 = tpu.memref_slice %arg9[%rem3A_40, %dma_wait3A_59, %dma_wait3A_60] : memref<2x128x128xf32, #tpu.memory_space<vmem>> -> memref<1x128x128xf32, #tpu.memory_space<vmem>>
          %dma_wait3A_62 = tpu.memref_squeeze %dma_wait3A_61 : memref<1x128x128xf32, #tpu.memory_space<vmem>> -> memref<128x128xf32, #tpu.memory_space<vmem>>
          %dma_wait3A_63 = arith.constant 0 : i32
          %dma_wait3A_64 = tpu.memref_slice %arg8[%rem3A_40, %dma_wait3A_63] : memref<2x128xi32, #tpu.memory_space<vmem>> -> memref<1x128xi32, #tpu.memory_space<vmem>>
          %dma_wait3A_65 = tpu.memref_squeeze %dma_wait3A_64 : memref<1x128xi32, #tpu.memory_space<vmem>> -> memref<128xi32, #tpu.memory_space<vmem>>
          %dma_wait3A_66 = arith.constant 0 : i32
          %dma_wait3A_67 = arith.constant 0 : i32
          %dma_wait3A_68 = tpu.memref_slice %arg11[%dma_wait3A_66, %dma_wait3A_67] : memref<10240x128xf32, #tpu.memory_space<vmem_shared>> -> memref<10240x128xf32, #tpu.memory_space<vmem_shared>>
          tpu.wait_indirect_dma semaphore(%run_scoped3A : memref<!tpu.dma_semaphore, #tpu.memory_space<semaphore_mem>>) src(%dma_wait3A_62 : memref<128x128xf32, #tpu.memory_space<vmem>>) dst(%dma_wait3A_68 : memref<10240x128xf32, #tpu.memory_space<vmem_shared>>)
          tpu.yield
        }) : () -> ()
      } else {
      }
    }
    %while3A_24 = arith.constant 1 : i32
    scf.for %while3A_30 = %while3A_22 to %while3A_18 step %while3A_24  : i32 {
      %rem3A = arith.constant 2 : i32
      %rem3A_31 = arith.remsi %while3A_30, %rem3A : i32
      %lt3A = arith.cmpi slt, %while3A_30, %select_n3A : i32
      %convert_element_type3A = arith.extui %lt3A : i1 to i32
      %cond3A = arith.constant 0 : i32
      %cond3A_32 = arith.cmpi ne, %convert_element_type3A, %cond3A : i32
      scf.if %cond3A_32 {
        %mul3A_37 = arith.constant 128 : i32
        %mul3A_38 = arith.muli %while3A_30, %mul3A_37 : i32
        %add3A_39 = arith.addi %select_n3A_13, %mul3A_38 : i32
        "tpu.region"() ({
          %run_scoped3A = tpu.sem_alloc : memref<!tpu.dma_semaphore, #tpu.memory_space<semaphore_mem>>
          %dma_start3A_49 = arith.constant 0 : i32
          %dma_start3A_50 = tpu.memref_slice %arg7[%rem3A_31, %dma_start3A_49] : memref<2x128xi32, #tpu.memory_space<vmem>> -> memref<1x128xi32, #tpu.memory_space<vmem>>
          %dma_start3A_51 = tpu.memref_squeeze %dma_start3A_50 : memref<1x128xi32, #tpu.memory_space<vmem>> -> memref<128xi32, #tpu.memory_space<vmem>>
          %dma_start3A_52 = tpu.memref_slice %arg3[%add3A_39] : memref<327680xi32, #tpu.memory_space<hbm>> -> memref<128xi32, #tpu.memory_space<hbm>>
          %dma_start3A_53 = arith.constant 0 : i32
          %dma_start3A_54 = tpu.memref_slice %arg7[%rem3A_31, %dma_start3A_53] : memref<2x128xi32, #tpu.memory_space<vmem>> -> memref<1x128xi32, #tpu.memory_space<vmem>>
          %dma_start3A_55 = tpu.memref_squeeze %dma_start3A_54 : memref<1x128xi32, #tpu.memory_space<vmem>> -> memref<128xi32, #tpu.memory_space<vmem>>
          %dma_start3A_56 = tpu.memref_slice %arg3[%add3A_39] : memref<327680xi32, #tpu.memory_space<hbm>> -> memref<128xi32, #tpu.memory_space<hbm>>
          tpu.enqueue_dma source(%dma_start3A_56 : memref<128xi32, #tpu.memory_space<hbm>>) target(%dma_start3A_55 : memref<128xi32, #tpu.memory_space<vmem>>) target_semaphore(%run_scoped3A : memref<!tpu.dma_semaphore, #tpu.memory_space<semaphore_mem>>)
          %dma_wait3A = arith.constant 0 : i32
          %dma_wait3A_57 = tpu.memref_slice %arg7[%rem3A_31, %dma_wait3A] : memref<2x128xi32, #tpu.memory_space<vmem>> -> memref<1x128xi32, #tpu.memory_space<vmem>>
          %dma_wait3A_58 = tpu.memref_squeeze %dma_wait3A_57 : memref<1x128xi32, #tpu.memory_space<vmem>> -> memref<128xi32, #tpu.memory_space<vmem>>
          %dma_wait3A_59 = tpu.memref_slice %arg3[%add3A_39] : memref<327680xi32, #tpu.memory_space<hbm>> -> memref<128xi32, #tpu.memory_space<hbm>>
          %dma_wait3A_60 = arith.constant 0 : i32
          %dma_wait3A_61 = tpu.memref_slice %arg7[%rem3A_31, %dma_wait3A_60] : memref<2x128xi32, #tpu.memory_space<vmem>> -> memref<1x128xi32, #tpu.memory_space<vmem>>
          %dma_wait3A_62 = tpu.memref_squeeze %dma_wait3A_61 : memref<1x128xi32, #tpu.memory_space<vmem>> -> memref<128xi32, #tpu.memory_space<vmem>>
          %dma_wait3A_63 = tpu.memref_slice %arg3[%add3A_39] : memref<327680xi32, #tpu.memory_space<hbm>> -> memref<128xi32, #tpu.memory_space<hbm>>
          tpu.wait_dma2 semaphore(%run_scoped3A : memref<!tpu.dma_semaphore, #tpu.memory_space<semaphore_mem>>) src(%dma_wait3A_63 : memref<128xi32, #tpu.memory_space<hbm>>) dst(%dma_wait3A_62 : memref<128xi32, #tpu.memory_space<vmem>>)
          tpu.yield
        }) : () -> ()
        "tpu.region"() ({
          %run_scoped3A = tpu.sem_alloc : memref<!tpu.dma_semaphore, #tpu.memory_space<semaphore_mem>>
          %dma_start3A_49 = arith.constant 0 : i32
          %dma_start3A_50 = tpu.memref_slice %arg8[%rem3A_31, %dma_start3A_49] : memref<2x128xi32, #tpu.memory_space<vmem>> -> memref<1x128xi32, #tpu.memory_space<vmem>>
          %dma_start3A_51 = tpu.memref_squeeze %dma_start3A_50 : memref<1x128xi32, #tpu.memory_space<vmem>> -> memref<128xi32, #tpu.memory_space<vmem>>
          %dma_start3A_52 = tpu.memref_slice %arg4[%add3A_39] : memref<327680xi32, #tpu.memory_space<hbm>> -> memref<128xi32, #tpu.memory_space<hbm>>
          %dma_start3A_53 = arith.constant 0 : i32
          %dma_start3A_54 = tpu.memref_slice %arg8[%rem3A_31, %dma_start3A_53] : memref<2x128xi32, #tpu.memory_space<vmem>> -> memref<1x128xi32, #tpu.memory_space<vmem>>
          %dma_start3A_55 = tpu.memref_squeeze %dma_start3A_54 : memref<1x128xi32, #tpu.memory_space<vmem>> -> memref<128xi32, #tpu.memory_space<vmem>>
          %dma_start3A_56 = tpu.memref_slice %arg4[%add3A_39] : memref<327680xi32, #tpu.memory_space<hbm>> -> memref<128xi32, #tpu.memory_space<hbm>>
          tpu.enqueue_dma source(%dma_start3A_56 : memref<128xi32, #tpu.memory_space<hbm>>) target(%dma_start3A_55 : memref<128xi32, #tpu.memory_space<vmem>>) target_semaphore(%run_scoped3A : memref<!tpu.dma_semaphore, #tpu.memory_space<semaphore_mem>>)
          %dma_wait3A = arith.constant 0 : i32
          %dma_wait3A_57 = tpu.memref_slice %arg8[%rem3A_31, %dma_wait3A] : memref<2x128xi32, #tpu.memory_space<vmem>> -> memref<1x128xi32, #tpu.memory_space<vmem>>
          %dma_wait3A_58 = tpu.memref_squeeze %dma_wait3A_57 : memref<1x128xi32, #tpu.memory_space<vmem>> -> memref<128xi32, #tpu.memory_space<vmem>>
          %dma_wait3A_59 = tpu.memref_slice %arg4[%add3A_39] : memref<327680xi32, #tpu.memory_space<hbm>> -> memref<128xi32, #tpu.memory_space<hbm>>
          %dma_wait3A_60 = arith.constant 0 : i32
          %dma_wait3A_61 = tpu.memref_slice %arg8[%rem3A_31, %dma_wait3A_60] : memref<2x128xi32, #tpu.memory_space<vmem>> -> memref<1x128xi32, #tpu.memory_space<vmem>>
          %dma_wait3A_62 = tpu.memref_squeeze %dma_wait3A_61 : memref<1x128xi32, #tpu.memory_space<vmem>> -> memref<128xi32, #tpu.memory_space<vmem>>
          %dma_wait3A_63 = tpu.memref_slice %arg4[%add3A_39] : memref<327680xi32, #tpu.memory_space<hbm>> -> memref<128xi32, #tpu.memory_space<hbm>>
          tpu.wait_dma2 semaphore(%run_scoped3A : memref<!tpu.dma_semaphore, #tpu.memory_space<semaphore_mem>>) src(%dma_wait3A_63 : memref<128xi32, #tpu.memory_space<hbm>>) dst(%dma_wait3A_62 : memref<128xi32, #tpu.memory_space<vmem>>)
          tpu.yield
        }) : () -> ()
        %dma_start3A = arith.constant 0 : i32
        %dma_start3A_40 = arith.constant 0 : i32
        %dma_start3A_41 = tpu.memref_slice %arg9[%rem3A_31, %dma_start3A, %dma_start3A_40] : memref<2x128x128xf32, #tpu.memory_space<vmem>> -> memref<1x128x128xf32, #tpu.memory_space<vmem>>
        %dma_start3A_42 = tpu.memref_squeeze %dma_start3A_41 : memref<1x128x128xf32, #tpu.memory_space<vmem>> -> memref<128x128xf32, #tpu.memory_space<vmem>>
        %dma_start3A_43 = arith.constant 0 : i32
        %dma_start3A_44 = tpu.memref_slice %arg7[%rem3A_31, %dma_start3A_43] : memref<2x128xi32, #tpu.memory_space<vmem>> -> memref<1x128xi32, #tpu.memory_space<vmem>>
        %dma_start3A_45 = tpu.memref_squeeze %dma_start3A_44 : memref<1x128xi32, #tpu.memory_space<vmem>> -> memref<128xi32, #tpu.memory_space<vmem>>
        %dma_start3A_46 = arith.constant 0 : i32
        %dma_start3A_47 = arith.constant 0 : i32
        %dma_start3A_48 = tpu.memref_slice %arg2[%dma_start3A_46, %dma_start3A_47] : memref<10240x128xf32, #tpu.memory_space<hbm>> -> memref<10240x128xf32, #tpu.memory_space<hbm>>
        tpu.enqueue_indirect_dma source(%dma_start3A_48 : memref<10240x128xf32, #tpu.memory_space<hbm>>) target(%dma_start3A_42 : memref<128x128xf32, #tpu.memory_space<vmem>>) offsets(%dma_start3A_45 : memref<128xi32, #tpu.memory_space<vmem>>) semaphore(%arg12 : memref<!tpu.dma_semaphore, #tpu.memory_space<semaphore_mem>>)
      } else {
      }
      %ge3A = arith.constant 1 : i32
      %ge3A_33 = arith.cmpi sge, %while3A_30, %ge3A : i32
      %convert_element_type3A_34 = arith.extui %ge3A_33 : i1 to i32
      %cond3A_35 = arith.constant 0 : i32
      %cond3A_36 = arith.cmpi ne, %convert_element_type3A_34, %cond3A_35 : i32
      scf.if %cond3A_36 {
        %add3A_37 = arith.constant 1 : i32
        %add3A_38 = arith.addi %while3A_30, %add3A_37 : i32
        %rem3A_39 = arith.constant 2 : i32
        %rem3A_40 = arith.remsi %add3A_38, %rem3A_39 : i32
        %dma_wait3A = arith.constant 0 : i32
        %dma_wait3A_41 = arith.constant 0 : i32
        %dma_wait3A_42 = tpu.memref_slice %arg9[%rem3A_40, %dma_wait3A, %dma_wait3A_41] : memref<2x128x128xf32, #tpu.memory_space<vmem>> -> memref<1x128x128xf32, #tpu.memory_space<vmem>>
        %dma_wait3A_43 = tpu.memref_squeeze %dma_wait3A_42 : memref<1x128x128xf32, #tpu.memory_space<vmem>> -> memref<128x128xf32, #tpu.memory_space<vmem>>
        %dma_wait3A_44 = arith.constant 0 : i32
        %dma_wait3A_45 = tpu.memref_slice %arg7[%rem3A_40, %dma_wait3A_44] : memref<2x128xi32, #tpu.memory_space<vmem>> -> memref<1x128xi32, #tpu.memory_space<vmem>>
        %dma_wait3A_46 = tpu.memref_squeeze %dma_wait3A_45 : memref<1x128xi32, #tpu.memory_space<vmem>> -> memref<128xi32, #tpu.memory_space<vmem>>
        %dma_wait3A_47 = arith.constant 0 : i32
        %dma_wait3A_48 = arith.constant 0 : i32
        %dma_wait3A_49 = tpu.memref_slice %arg2[%dma_wait3A_47, %dma_wait3A_48] : memref<10240x128xf32, #tpu.memory_space<hbm>> -> memref<10240x128xf32, #tpu.memory_space<hbm>>
        tpu.wait_indirect_dma semaphore(%arg12 : memref<!tpu.dma_semaphore, #tpu.memory_space<semaphore_mem>>) src(%dma_wait3A_49 : memref<10240x128xf32, #tpu.memory_space<hbm>>) dst(%dma_wait3A_43 : memref<128x128xf32, #tpu.memory_space<vmem>>)
        "tpu.region"() ({
          %run_scoped3A = tpu.sem_alloc : memref<!tpu.dma_semaphore, #tpu.memory_space<semaphore_mem>>
          %dma_start3A = arith.constant 0 : i32
          %dma_start3A_50 = arith.constant 0 : i32
          %dma_start3A_51 = tpu.memref_slice %arg9[%rem3A_40, %dma_start3A, %dma_start3A_50] : memref<2x128x128xf32, #tpu.memory_space<vmem>> -> memref<1x128x128xf32, #tpu.memory_space<vmem>>
          %dma_start3A_52 = tpu.memref_squeeze %dma_start3A_51 : memref<1x128x128xf32, #tpu.memory_space<vmem>> -> memref<128x128xf32, #tpu.memory_space<vmem>>
          %dma_start3A_53 = arith.constant 0 : i32
          %dma_start3A_54 = tpu.memref_slice %arg8[%rem3A_40, %dma_start3A_53] : memref<2x128xi32, #tpu.memory_space<vmem>> -> memref<1x128xi32, #tpu.memory_space<vmem>>
          %dma_start3A_55 = tpu.memref_squeeze %dma_start3A_54 : memref<1x128xi32, #tpu.memory_space<vmem>> -> memref<128xi32, #tpu.memory_space<vmem>>
          %dma_start3A_56 = arith.constant 0 : i32
          %dma_start3A_57 = arith.constant 0 : i32
          %dma_start3A_58 = tpu.memref_slice %arg11[%dma_start3A_56, %dma_start3A_57] : memref<10240x128xf32, #tpu.memory_space<vmem_shared>> -> memref<10240x128xf32, #tpu.memory_space<vmem_shared>>
          tpu.enqueue_indirect_dma source(%dma_start3A_52 : memref<128x128xf32, #tpu.memory_space<vmem>>) target(%dma_start3A_58 : memref<10240x128xf32, #tpu.memory_space<vmem_shared>>) offsets(%dma_start3A_55 : memref<128xi32, #tpu.memory_space<vmem>>) semaphore(%run_scoped3A : memref<!tpu.dma_semaphore, #tpu.memory_space<semaphore_mem>>) {add = true}
          %dma_wait3A_59 = arith.constant 0 : i32
          %dma_wait3A_60 = arith.constant 0 : i32
          %dma_wait3A_61 = tpu.memref_slice %arg9[%rem3A_40, %dma_wait3A_59, %dma_wait3A_60] : memref<2x128x128xf32, #tpu.memory_space<vmem>> -> memref<1x128x128xf32, #tpu.memory_space<vmem>>
          %dma_wait3A_62 = tpu.memref_squeeze %dma_wait3A_61 : memref<1x128x128xf32, #tpu.memory_space<vmem>> -> memref<128x128xf32, #tpu.memory_space<vmem>>
          %dma_wait3A_63 = arith.constant 0 : i32
          %dma_wait3A_64 = tpu.memref_slice %arg8[%rem3A_40, %dma_wait3A_63] : memref<2x128xi32, #tpu.memory_space<vmem>> -> memref<1x128xi32, #tpu.memory_space<vmem>>
          %dma_wait3A_65 = tpu.memref_squeeze %dma_wait3A_64 : memref<1x128xi32, #tpu.memory_space<vmem>> -> memref<128xi32, #tpu.memory_space<vmem>>
          %dma_wait3A_66 = arith.constant 0 : i32
          %dma_wait3A_67 = arith.constant 0 : i32
          %dma_wait3A_68 = tpu.memref_slice %arg11[%dma_wait3A_66, %dma_wait3A_67] : memref<10240x128xf32, #tpu.memory_space<vmem_shared>> -> memref<10240x128xf32, #tpu.memory_space<vmem_shared>>
          tpu.wait_indirect_dma semaphore(%run_scoped3A : memref<!tpu.dma_semaphore, #tpu.memory_space<semaphore_mem>>) src(%dma_wait3A_62 : memref<128x128xf32, #tpu.memory_space<vmem>>) dst(%dma_wait3A_68 : memref<10240x128xf32, #tpu.memory_space<vmem_shared>>)
          tpu.yield
        }) : () -> ()
      } else {
      }
    }
    %barrier3A_25 = arith.constant 0 : index
    tpu.barrier barrier_id(%barrier3A_25)
    %mul3A_26 = arith.constant 640 : i32
    %mul3A_27 = arith.muli %arg1, %mul3A_26 : i32
    %mul3A_28 = arith.constant 640 : i32
    %mul3A_29 = arith.muli %arg1, %mul3A_28 : i32
    "tpu.region"() ({
      %run_scoped3A = tpu.sem_alloc : memref<!tpu.dma_semaphore, #tpu.memory_space<semaphore_mem>>
      %dma_start3A = arith.constant 0 : i32
      %dma_start3A_30 = tpu.memref_slice %arg6[%arg0, %mul3A_29, %dma_start3A] : memref<2x10240x128xf32, #tpu.memory_space<hbm>> -> memref<1x640x128xf32, #tpu.memory_space<hbm>>
      %dma_start3A_31 = tpu.memref_squeeze %dma_start3A_30 : memref<1x640x128xf32, #tpu.memory_space<hbm>> -> memref<640x128xf32, #tpu.memory_space<hbm>>
      %dma_start3A_32 = arith.constant 0 : i32
      %dma_start3A_33 = tpu.memref_slice %arg11[%mul3A_27, %dma_start3A_32] : memref<10240x128xf32, #tpu.memory_space<vmem_shared>> -> memref<640x128xf32, #tpu.memory_space<vmem_shared>>
      tpu.enqueue_dma source(%dma_start3A_33 : memref<640x128xf32, #tpu.memory_space<vmem_shared>>) target(%dma_start3A_31 : memref<640x128xf32, #tpu.memory_space<hbm>>) target_semaphore(%run_scoped3A : memref<!tpu.dma_semaphore, #tpu.memory_space<semaphore_mem>>)
      %dma_wait3A = arith.constant 0 : i32
      %dma_wait3A_34 = tpu.memref_slice %arg6[%arg0, %mul3A_29, %dma_wait3A] : memref<2x10240x128xf32, #tpu.memory_space<hbm>> -> memref<1x640x128xf32, #tpu.memory_space<hbm>>
      %dma_wait3A_35 = tpu.memref_squeeze %dma_wait3A_34 : memref<1x640x128xf32, #tpu.memory_space<hbm>> -> memref<640x128xf32, #tpu.memory_space<hbm>>
      %dma_wait3A_36 = arith.constant 0 : i32
      %dma_wait3A_37 = tpu.memref_slice %arg11[%mul3A_27, %dma_wait3A_36] : memref<10240x128xf32, #tpu.memory_space<vmem_shared>> -> memref<640x128xf32, #tpu.memory_space<vmem_shared>>
      tpu.wait_dma2 semaphore(%run_scoped3A : memref<!tpu.dma_semaphore, #tpu.memory_space<semaphore_mem>>) src(%dma_wait3A_37 : memref<640x128xf32, #tpu.memory_space<vmem_shared>>) dst(%dma_wait3A_35 : memref<640x128xf32, #tpu.memory_space<hbm>>)
      tpu.yield
    }) : () -> ()
    return
  }
}

#map = affine_map<(d0, d1) -> (0, 0)>
#map1 = affine_map<(d0, d1) -> (0)>
#map2 = affine_map<(d0, d1) -> (0, 0, 0)>
module attributes {stable_mosaic.version = 14 : i64} {
  func.func @agg_kernel(%arg0: i32, %arg1: i32, %arg2: memref<10240x128xf32, #tpu.memory_space<hbm>>, %arg3: memref<327680xi32, #tpu.memory_space<hbm>>, %arg4: memref<327680xi32, #tpu.memory_space<hbm>>, %arg5: memref<64x128xf32, #tpu.memory_space<hbm>>, %arg6: memref<2x10240x128xf32, #tpu.memory_space<hbm>>, %arg7: memref<2x128xi32, #tpu.memory_space<vmem>>, %arg8: memref<2x128xi32, #tpu.memory_space<vmem>>, %arg9: memref<2x128x128xf32, #tpu.memory_space<vmem>>, %arg10: memref<64x128xf32, #tpu.memory_space<vmem>>, %arg11: memref<10240x128xf32, #tpu.memory_space<vmem_shared>>, %arg12: memref<!tpu.dma_semaphore, #tpu.memory_space<semaphore_mem>>) attributes {dimension_semantics = [#tpu.dimension_semantics<core_parallel>, #tpu.dimension_semantics<subcore_parallel>], iteration_bounds = array<i64: 2, 16>, scalar_prefetch = 0 : i64, scratch_operands = 6 : i64, tpu.core_type = #tpu.core_type<sc_vector_subcore>, window_params = [{transform_indices = #map}, {transform_indices = #map1}, {transform_indices = #map1}, {transform_indices = #map}, {transform_indices = #map2}]} {
    "tpu.region"() ({
      %run_scoped3A = tpu.sem_alloc : memref<!tpu.dma_semaphore, #tpu.memory_space<semaphore_mem>>
      tpu.enqueue_dma source(%arg5 : memref<64x128xf32, #tpu.memory_space<hbm>>) target(%arg10 : memref<64x128xf32, #tpu.memory_space<vmem>>) target_semaphore(%run_scoped3A : memref<!tpu.dma_semaphore, #tpu.memory_space<semaphore_mem>>)
      tpu.wait_dma2 semaphore(%run_scoped3A : memref<!tpu.dma_semaphore, #tpu.memory_space<semaphore_mem>>) src(%arg5 : memref<64x128xf32, #tpu.memory_space<hbm>>) dst(%arg10 : memref<64x128xf32, #tpu.memory_space<vmem>>)
      tpu.yield
    }) : () -> ()
    %scan3A = arith.constant 0 : i32
    %scan3A_0 = arith.constant 0 : i32
    %scan3A_1 = arith.constant 10 : i32
    %scan3A_2 = arith.addi %scan3A_0, %scan3A_1 : i32
    %scan3A_3 = arith.constant 1 : i32
    scf.for %scan3A_30 = %scan3A_0 to %scan3A_2 step %scan3A_3  : i32 {
      %mul3A_31 = arith.constant 640 : i32
      %mul3A_32 = arith.muli %arg1, %mul3A_31 : i32
      %mul3A_33 = arith.constant 64 : i32
      %mul3A_34 = arith.muli %scan3A_30, %mul3A_33 : i32
      %add3A_35 = arith.addi %mul3A_32, %mul3A_34 : i32
      "tpu.region"() ({
        %run_scoped3A = tpu.sem_alloc : memref<!tpu.dma_semaphore, #tpu.memory_space<semaphore_mem>>
        %dma_start3A = arith.constant 0 : i32
        %dma_start3A_36 = tpu.memref_slice %arg11[%add3A_35, %dma_start3A] : memref<10240x128xf32, #tpu.memory_space<vmem_shared>> -> memref<64x128xf32, #tpu.memory_space<vmem_shared>>
        %dma_start3A_37 = arith.constant 0 : i32
        %dma_start3A_38 = tpu.memref_slice %arg11[%add3A_35, %dma_start3A_37] : memref<10240x128xf32, #tpu.memory_space<vmem_shared>> -> memref<64x128xf32, #tpu.memory_space<vmem_shared>>
        tpu.enqueue_dma source(%arg10 : memref<64x128xf32, #tpu.memory_space<vmem>>) target(%dma_start3A_38 : memref<64x128xf32, #tpu.memory_space<vmem_shared>>) target_semaphore(%run_scoped3A : memref<!tpu.dma_semaphore, #tpu.memory_space<semaphore_mem>>)
        %dma_wait3A = arith.constant 0 : i32
        %dma_wait3A_39 = tpu.memref_slice %arg11[%add3A_35, %dma_wait3A] : memref<10240x128xf32, #tpu.memory_space<vmem_shared>> -> memref<64x128xf32, #tpu.memory_space<vmem_shared>>
        %dma_wait3A_40 = arith.constant 0 : i32
        %dma_wait3A_41 = tpu.memref_slice %arg11[%add3A_35, %dma_wait3A_40] : memref<10240x128xf32, #tpu.memory_space<vmem_shared>> -> memref<64x128xf32, #tpu.memory_space<vmem_shared>>
        tpu.wait_dma2 semaphore(%run_scoped3A : memref<!tpu.dma_semaphore, #tpu.memory_space<semaphore_mem>>) src(%arg10 : memref<64x128xf32, #tpu.memory_space<vmem>>) dst(%dma_wait3A_41 : memref<64x128xf32, #tpu.memory_space<vmem_shared>>)
        tpu.yield
      }) : () -> ()
    }
    %scan3A_4 = arith.constant 10 : i32
    %barrier3A = arith.constant 0 : index
    tpu.barrier barrier_id(%barrier3A)
    %eq3A = arith.constant 0 : i32
    %eq3A_5 = arith.cmpi eq, %arg0, %eq3A : i32
    %jit3A = arith.constant 117 : i32
    %jit3A_6 = arith.constant 43 : i32
    %select_n3A = arith.select %eq3A_5, %jit3A, %jit3A_6 : i32
    %eq3A_7 = arith.constant 0 : i32
    %eq3A_8 = arith.cmpi eq, %arg0, %eq3A_7 : i32
    %mul3A = arith.constant 14976 : i32
    %mul3A_9 = arith.muli %arg1, %mul3A : i32
    %mul3A_10 = arith.constant 5504 : i32
    %mul3A_11 = arith.muli %arg1, %mul3A_10 : i32
    %add3A = arith.constant 239616 : i32
    %add3A_12 = arith.addi %add3A, %mul3A_11 : i32
    %select_n3A_13 = arith.select %eq3A_8, %mul3A_9, %add3A_12 : i32
    %add3A_14 = arith.constant 1 : i32
    %add3A_15 = arith.addi %select_n3A, %add3A_14 : i32
    %while3A = arith.constant 0 : i32
    %while3A_16 = arith.constant 0 : i32
    %while3A_17 = arith.subi %add3A_15, %while3A_16 : i32
    %while3A_18 = arith.addi %while3A_16, %while3A_17 : i32
    %while3A_19 = arith.constant 1 : i32
    %while3A_20 = arith.divsi %while3A_17, %while3A_19 : i32
    %while3A_21 = arith.muli %while3A_20, %while3A_19 : i32
    %while3A_22 = arith.addi %while3A_16, %while3A_21 : i32
    %while3A_23 = arith.constant 1 : i32
    scf.for %while3A_30 = %while3A_16 to %while3A_22 step %while3A_23  : i32 {
      %rem3A = arith.constant 2 : i32
      %rem3A_31 = arith.remsi %while3A_30, %rem3A : i32
      %lt3A = arith.cmpi slt, %while3A_30, %select_n3A : i32
      %convert_element_type3A = arith.extui %lt3A : i1 to i32
      %cond3A = arith.constant 0 : i32
      %cond3A_32 = arith.cmpi ne, %convert_element_type3A, %cond3A : i32
      scf.if %cond3A_32 {
        %mul3A_37 = arith.constant 128 : i32
        %mul3A_38 = arith.muli %while3A_30, %mul3A_37 : i32
        %add3A_39 = arith.addi %select_n3A_13, %mul3A_38 : i32
        "tpu.region"() ({
          %run_scoped3A = tpu.sem_alloc : memref<!tpu.dma_semaphore, #tpu.memory_space<semaphore_mem>>
          %dma_start3A_49 = arith.constant 0 : i32
          %dma_start3A_50 = tpu.memref_slice %arg7[%rem3A_31, %dma_start3A_49] : memref<2x128xi32, #tpu.memory_space<vmem>> -> memref<1x128xi32, #tpu.memory_space<vmem>>
          %dma_start3A_51 = tpu.memref_squeeze %dma_start3A_50 : memref<1x128xi32, #tpu.memory_space<vmem>> -> memref<128xi32, #tpu.memory_space<vmem>>
          %dma_start3A_52 = tpu.memref_slice %arg3[%add3A_39] : memref<327680xi32, #tpu.memory_space<hbm>> -> memref<128xi32, #tpu.memory_space<hbm>>
          %dma_start3A_53 = arith.constant 0 : i32
          %dma_start3A_54 = tpu.memref_slice %arg7[%rem3A_31, %dma_start3A_53] : memref<2x128xi32, #tpu.memory_space<vmem>> -> memref<1x128xi32, #tpu.memory_space<vmem>>
          %dma_start3A_55 = tpu.memref_squeeze %dma_start3A_54 : memref<1x128xi32, #tpu.memory_space<vmem>> -> memref<128xi32, #tpu.memory_space<vmem>>
          %dma_start3A_56 = tpu.memref_slice %arg3[%add3A_39] : memref<327680xi32, #tpu.memory_space<hbm>> -> memref<128xi32, #tpu.memory_space<hbm>>
          tpu.enqueue_dma source(%dma_start3A_56 : memref<128xi32, #tpu.memory_space<hbm>>) target(%dma_start3A_55 : memref<128xi32, #tpu.memory_space<vmem>>) target_semaphore(%run_scoped3A : memref<!tpu.dma_semaphore, #tpu.memory_space<semaphore_mem>>)
          %dma_wait3A = arith.constant 0 : i32
          %dma_wait3A_57 = tpu.memref_slice %arg7[%rem3A_31, %dma_wait3A] : memref<2x128xi32, #tpu.memory_space<vmem>> -> memref<1x128xi32, #tpu.memory_space<vmem>>
          %dma_wait3A_58 = tpu.memref_squeeze %dma_wait3A_57 : memref<1x128xi32, #tpu.memory_space<vmem>> -> memref<128xi32, #tpu.memory_space<vmem>>
          %dma_wait3A_59 = tpu.memref_slice %arg3[%add3A_39] : memref<327680xi32, #tpu.memory_space<hbm>> -> memref<128xi32, #tpu.memory_space<hbm>>
          %dma_wait3A_60 = arith.constant 0 : i32
          %dma_wait3A_61 = tpu.memref_slice %arg7[%rem3A_31, %dma_wait3A_60] : memref<2x128xi32, #tpu.memory_space<vmem>> -> memref<1x128xi32, #tpu.memory_space<vmem>>
          %dma_wait3A_62 = tpu.memref_squeeze %dma_wait3A_61 : memref<1x128xi32, #tpu.memory_space<vmem>> -> memref<128xi32, #tpu.memory_space<vmem>>
          %dma_wait3A_63 = tpu.memref_slice %arg3[%add3A_39] : memref<327680xi32, #tpu.memory_space<hbm>> -> memref<128xi32, #tpu.memory_space<hbm>>
          tpu.wait_dma2 semaphore(%run_scoped3A : memref<!tpu.dma_semaphore, #tpu.memory_space<semaphore_mem>>) src(%dma_wait3A_63 : memref<128xi32, #tpu.memory_space<hbm>>) dst(%dma_wait3A_62 : memref<128xi32, #tpu.memory_space<vmem>>)
          tpu.yield
        }) : () -> ()
        "tpu.region"() ({
          %run_scoped3A = tpu.sem_alloc : memref<!tpu.dma_semaphore, #tpu.memory_space<semaphore_mem>>
          %dma_start3A_49 = arith.constant 0 : i32
          %dma_start3A_50 = tpu.memref_slice %arg8[%rem3A_31, %dma_start3A_49] : memref<2x128xi32, #tpu.memory_space<vmem>> -> memref<1x128xi32, #tpu.memory_space<vmem>>
          %dma_start3A_51 = tpu.memref_squeeze %dma_start3A_50 : memref<1x128xi32, #tpu.memory_space<vmem>> -> memref<128xi32, #tpu.memory_space<vmem>>
          %dma_start3A_52 = tpu.memref_slice %arg4[%add3A_39] : memref<327680xi32, #tpu.memory_space<hbm>> -> memref<128xi32, #tpu.memory_space<hbm>>
          %dma_start3A_53 = arith.constant 0 : i32
          %dma_start3A_54 = tpu.memref_slice %arg8[%rem3A_31, %dma_start3A_53] : memref<2x128xi32, #tpu.memory_space<vmem>> -> memref<1x128xi32, #tpu.memory_space<vmem>>
          %dma_start3A_55 = tpu.memref_squeeze %dma_start3A_54 : memref<1x128xi32, #tpu.memory_space<vmem>> -> memref<128xi32, #tpu.memory_space<vmem>>
          %dma_start3A_56 = tpu.memref_slice %arg4[%add3A_39] : memref<327680xi32, #tpu.memory_space<hbm>> -> memref<128xi32, #tpu.memory_space<hbm>>
          tpu.enqueue_dma source(%dma_start3A_56 : memref<128xi32, #tpu.memory_space<hbm>>) target(%dma_start3A_55 : memref<128xi32, #tpu.memory_space<vmem>>) target_semaphore(%run_scoped3A : memref<!tpu.dma_semaphore, #tpu.memory_space<semaphore_mem>>)
          %dma_wait3A = arith.constant 0 : i32
          %dma_wait3A_57 = tpu.memref_slice %arg8[%rem3A_31, %dma_wait3A] : memref<2x128xi32, #tpu.memory_space<vmem>> -> memref<1x128xi32, #tpu.memory_space<vmem>>
          %dma_wait3A_58 = tpu.memref_squeeze %dma_wait3A_57 : memref<1x128xi32, #tpu.memory_space<vmem>> -> memref<128xi32, #tpu.memory_space<vmem>>
          %dma_wait3A_59 = tpu.memref_slice %arg4[%add3A_39] : memref<327680xi32, #tpu.memory_space<hbm>> -> memref<128xi32, #tpu.memory_space<hbm>>
          %dma_wait3A_60 = arith.constant 0 : i32
          %dma_wait3A_61 = tpu.memref_slice %arg8[%rem3A_31, %dma_wait3A_60] : memref<2x128xi32, #tpu.memory_space<vmem>> -> memref<1x128xi32, #tpu.memory_space<vmem>>
          %dma_wait3A_62 = tpu.memref_squeeze %dma_wait3A_61 : memref<1x128xi32, #tpu.memory_space<vmem>> -> memref<128xi32, #tpu.memory_space<vmem>>
          %dma_wait3A_63 = tpu.memref_slice %arg4[%add3A_39] : memref<327680xi32, #tpu.memory_space<hbm>> -> memref<128xi32, #tpu.memory_space<hbm>>
          tpu.wait_dma2 semaphore(%run_scoped3A : memref<!tpu.dma_semaphore, #tpu.memory_space<semaphore_mem>>) src(%dma_wait3A_63 : memref<128xi32, #tpu.memory_space<hbm>>) dst(%dma_wait3A_62 : memref<128xi32, #tpu.memory_space<vmem>>)
          tpu.yield
        }) : () -> ()
        %dma_start3A = arith.constant 0 : i32
        %dma_start3A_40 = arith.constant 0 : i32
        %dma_start3A_41 = tpu.memref_slice %arg9[%rem3A_31, %dma_start3A, %dma_start3A_40] : memref<2x128x128xf32, #tpu.memory_space<vmem>> -> memref<1x128x128xf32, #tpu.memory_space<vmem>>
        %dma_start3A_42 = tpu.memref_squeeze %dma_start3A_41 : memref<1x128x128xf32, #tpu.memory_space<vmem>> -> memref<128x128xf32, #tpu.memory_space<vmem>>
        %dma_start3A_43 = arith.constant 0 : i32
        %dma_start3A_44 = tpu.memref_slice %arg7[%rem3A_31, %dma_start3A_43] : memref<2x128xi32, #tpu.memory_space<vmem>> -> memref<1x128xi32, #tpu.memory_space<vmem>>
        %dma_start3A_45 = tpu.memref_squeeze %dma_start3A_44 : memref<1x128xi32, #tpu.memory_space<vmem>> -> memref<128xi32, #tpu.memory_space<vmem>>
        %dma_start3A_46 = arith.constant 0 : i32
        %dma_start3A_47 = arith.constant 0 : i32
        %dma_start3A_48 = tpu.memref_slice %arg2[%dma_start3A_46, %dma_start3A_47] : memref<10240x128xf32, #tpu.memory_space<hbm>> -> memref<10240x128xf32, #tpu.memory_space<hbm>>
        tpu.enqueue_indirect_dma source(%dma_start3A_48 : memref<10240x128xf32, #tpu.memory_space<hbm>>) target(%dma_start3A_42 : memref<128x128xf32, #tpu.memory_space<vmem>>) offsets(%dma_start3A_45 : memref<128xi32, #tpu.memory_space<vmem>>) semaphore(%arg12 : memref<!tpu.dma_semaphore, #tpu.memory_space<semaphore_mem>>)
      } else {
      }
      %ge3A = arith.constant 1 : i32
      %ge3A_33 = arith.cmpi sge, %while3A_30, %ge3A : i32
      %convert_element_type3A_34 = arith.extui %ge3A_33 : i1 to i32
      %cond3A_35 = arith.constant 0 : i32
      %cond3A_36 = arith.cmpi ne, %convert_element_type3A_34, %cond3A_35 : i32
      scf.if %cond3A_36 {
        %add3A_37 = arith.constant 1 : i32
        %add3A_38 = arith.addi %while3A_30, %add3A_37 : i32
        %rem3A_39 = arith.constant 2 : i32
        %rem3A_40 = arith.remsi %add3A_38, %rem3A_39 : i32
        %dma_wait3A = arith.constant 0 : i32
        %dma_wait3A_41 = arith.constant 0 : i32
        %dma_wait3A_42 = tpu.memref_slice %arg9[%rem3A_40, %dma_wait3A, %dma_wait3A_41] : memref<2x128x128xf32, #tpu.memory_space<vmem>> -> memref<1x128x128xf32, #tpu.memory_space<vmem>>
        %dma_wait3A_43 = tpu.memref_squeeze %dma_wait3A_42 : memref<1x128x128xf32, #tpu.memory_space<vmem>> -> memref<128x128xf32, #tpu.memory_space<vmem>>
        %dma_wait3A_44 = arith.constant 0 : i32
        %dma_wait3A_45 = tpu.memref_slice %arg7[%rem3A_40, %dma_wait3A_44] : memref<2x128xi32, #tpu.memory_space<vmem>> -> memref<1x128xi32, #tpu.memory_space<vmem>>
        %dma_wait3A_46 = tpu.memref_squeeze %dma_wait3A_45 : memref<1x128xi32, #tpu.memory_space<vmem>> -> memref<128xi32, #tpu.memory_space<vmem>>
        %dma_wait3A_47 = arith.constant 0 : i32
        %dma_wait3A_48 = arith.constant 0 : i32
        %dma_wait3A_49 = tpu.memref_slice %arg2[%dma_wait3A_47, %dma_wait3A_48] : memref<10240x128xf32, #tpu.memory_space<hbm>> -> memref<10240x128xf32, #tpu.memory_space<hbm>>
        tpu.wait_indirect_dma semaphore(%arg12 : memref<!tpu.dma_semaphore, #tpu.memory_space<semaphore_mem>>) src(%dma_wait3A_49 : memref<10240x128xf32, #tpu.memory_space<hbm>>) dst(%dma_wait3A_43 : memref<128x128xf32, #tpu.memory_space<vmem>>)
        "tpu.region"() ({
          %run_scoped3A = tpu.sem_alloc : memref<!tpu.dma_semaphore, #tpu.memory_space<semaphore_mem>>
          %dma_start3A = arith.constant 0 : i32
          %dma_start3A_50 = arith.constant 0 : i32
          %dma_start3A_51 = tpu.memref_slice %arg9[%rem3A_40, %dma_start3A, %dma_start3A_50] : memref<2x128x128xf32, #tpu.memory_space<vmem>> -> memref<1x128x128xf32, #tpu.memory_space<vmem>>
          %dma_start3A_52 = tpu.memref_squeeze %dma_start3A_51 : memref<1x128x128xf32, #tpu.memory_space<vmem>> -> memref<128x128xf32, #tpu.memory_space<vmem>>
          %dma_start3A_53 = arith.constant 0 : i32
          %dma_start3A_54 = tpu.memref_slice %arg8[%rem3A_40, %dma_start3A_53] : memref<2x128xi32, #tpu.memory_space<vmem>> -> memref<1x128xi32, #tpu.memory_space<vmem>>
          %dma_start3A_55 = tpu.memref_squeeze %dma_start3A_54 : memref<1x128xi32, #tpu.memory_space<vmem>> -> memref<128xi32, #tpu.memory_space<vmem>>
          %dma_start3A_56 = arith.constant 0 : i32
          %dma_start3A_57 = arith.constant 0 : i32
          %dma_start3A_58 = tpu.memref_slice %arg11[%dma_start3A_56, %dma_start3A_57] : memref<10240x128xf32, #tpu.memory_space<vmem_shared>> -> memref<10240x128xf32, #tpu.memory_space<vmem_shared>>
          tpu.enqueue_indirect_dma source(%dma_start3A_52 : memref<128x128xf32, #tpu.memory_space<vmem>>) target(%dma_start3A_58 : memref<10240x128xf32, #tpu.memory_space<vmem_shared>>) offsets(%dma_start3A_55 : memref<128xi32, #tpu.memory_space<vmem>>) semaphore(%run_scoped3A : memref<!tpu.dma_semaphore, #tpu.memory_space<semaphore_mem>>) {add = true}
          %dma_wait3A_59 = arith.constant 0 : i32
          %dma_wait3A_60 = arith.constant 0 : i32
          %dma_wait3A_61 = tpu.memref_slice %arg9[%rem3A_40, %dma_wait3A_59, %dma_wait3A_60] : memref<2x128x128xf32, #tpu.memory_space<vmem>> -> memref<1x128x128xf32, #tpu.memory_space<vmem>>
          %dma_wait3A_62 = tpu.memref_squeeze %dma_wait3A_61 : memref<1x128x128xf32, #tpu.memory_space<vmem>> -> memref<128x128xf32, #tpu.memory_space<vmem>>
          %dma_wait3A_63 = arith.constant 0 : i32
          %dma_wait3A_64 = tpu.memref_slice %arg8[%rem3A_40, %dma_wait3A_63] : memref<2x128xi32, #tpu.memory_space<vmem>> -> memref<1x128xi32, #tpu.memory_space<vmem>>
          %dma_wait3A_65 = tpu.memref_squeeze %dma_wait3A_64 : memref<1x128xi32, #tpu.memory_space<vmem>> -> memref<128xi32, #tpu.memory_space<vmem>>
          %dma_wait3A_66 = arith.constant 0 : i32
          %dma_wait3A_67 = arith.constant 0 : i32
          %dma_wait3A_68 = tpu.memref_slice %arg11[%dma_wait3A_66, %dma_wait3A_67] : memref<10240x128xf32, #tpu.memory_space<vmem_shared>> -> memref<10240x128xf32, #tpu.memory_space<vmem_shared>>
          tpu.wait_indirect_dma semaphore(%run_scoped3A : memref<!tpu.dma_semaphore, #tpu.memory_space<semaphore_mem>>) src(%dma_wait3A_62 : memref<128x128xf32, #tpu.memory_space<vmem>>) dst(%dma_wait3A_68 : memref<10240x128xf32, #tpu.memory_space<vmem_shared>>)
          tpu.yield
        }) : () -> ()
      } else {
      }
    }
    %while3A_24 = arith.constant 1 : i32
    scf.for %while3A_30 = %while3A_22 to %while3A_18 step %while3A_24  : i32 {
      %rem3A = arith.constant 2 : i32
      %rem3A_31 = arith.remsi %while3A_30, %rem3A : i32
      %lt3A = arith.cmpi slt, %while3A_30, %select_n3A : i32
      %convert_element_type3A = arith.extui %lt3A : i1 to i32
      %cond3A = arith.constant 0 : i32
      %cond3A_32 = arith.cmpi ne, %convert_element_type3A, %cond3A : i32
      scf.if %cond3A_32 {
        %mul3A_37 = arith.constant 128 : i32
        %mul3A_38 = arith.muli %while3A_30, %mul3A_37 : i32
        %add3A_39 = arith.addi %select_n3A_13, %mul3A_38 : i32
        "tpu.region"() ({
          %run_scoped3A = tpu.sem_alloc : memref<!tpu.dma_semaphore, #tpu.memory_space<semaphore_mem>>
          %dma_start3A_49 = arith.constant 0 : i32
          %dma_start3A_50 = tpu.memref_slice %arg7[%rem3A_31, %dma_start3A_49] : memref<2x128xi32, #tpu.memory_space<vmem>> -> memref<1x128xi32, #tpu.memory_space<vmem>>
          %dma_start3A_51 = tpu.memref_squeeze %dma_start3A_50 : memref<1x128xi32, #tpu.memory_space<vmem>> -> memref<128xi32, #tpu.memory_space<vmem>>
          %dma_start3A_52 = tpu.memref_slice %arg3[%add3A_39] : memref<327680xi32, #tpu.memory_space<hbm>> -> memref<128xi32, #tpu.memory_space<hbm>>
          %dma_start3A_53 = arith.constant 0 : i32
          %dma_start3A_54 = tpu.memref_slice %arg7[%rem3A_31, %dma_start3A_53] : memref<2x128xi32, #tpu.memory_space<vmem>> -> memref<1x128xi32, #tpu.memory_space<vmem>>
          %dma_start3A_55 = tpu.memref_squeeze %dma_start3A_54 : memref<1x128xi32, #tpu.memory_space<vmem>> -> memref<128xi32, #tpu.memory_space<vmem>>
          %dma_start3A_56 = tpu.memref_slice %arg3[%add3A_39] : memref<327680xi32, #tpu.memory_space<hbm>> -> memref<128xi32, #tpu.memory_space<hbm>>
          tpu.enqueue_dma source(%dma_start3A_56 : memref<128xi32, #tpu.memory_space<hbm>>) target(%dma_start3A_55 : memref<128xi32, #tpu.memory_space<vmem>>) target_semaphore(%run_scoped3A : memref<!tpu.dma_semaphore, #tpu.memory_space<semaphore_mem>>)
          %dma_wait3A = arith.constant 0 : i32
          %dma_wait3A_57 = tpu.memref_slice %arg7[%rem3A_31, %dma_wait3A] : memref<2x128xi32, #tpu.memory_space<vmem>> -> memref<1x128xi32, #tpu.memory_space<vmem>>
          %dma_wait3A_58 = tpu.memref_squeeze %dma_wait3A_57 : memref<1x128xi32, #tpu.memory_space<vmem>> -> memref<128xi32, #tpu.memory_space<vmem>>
          %dma_wait3A_59 = tpu.memref_slice %arg3[%add3A_39] : memref<327680xi32, #tpu.memory_space<hbm>> -> memref<128xi32, #tpu.memory_space<hbm>>
          %dma_wait3A_60 = arith.constant 0 : i32
          %dma_wait3A_61 = tpu.memref_slice %arg7[%rem3A_31, %dma_wait3A_60] : memref<2x128xi32, #tpu.memory_space<vmem>> -> memref<1x128xi32, #tpu.memory_space<vmem>>
          %dma_wait3A_62 = tpu.memref_squeeze %dma_wait3A_61 : memref<1x128xi32, #tpu.memory_space<vmem>> -> memref<128xi32, #tpu.memory_space<vmem>>
          %dma_wait3A_63 = tpu.memref_slice %arg3[%add3A_39] : memref<327680xi32, #tpu.memory_space<hbm>> -> memref<128xi32, #tpu.memory_space<hbm>>
          tpu.wait_dma2 semaphore(%run_scoped3A : memref<!tpu.dma_semaphore, #tpu.memory_space<semaphore_mem>>) src(%dma_wait3A_63 : memref<128xi32, #tpu.memory_space<hbm>>) dst(%dma_wait3A_62 : memref<128xi32, #tpu.memory_space<vmem>>)
          tpu.yield
        }) : () -> ()
        "tpu.region"() ({
          %run_scoped3A = tpu.sem_alloc : memref<!tpu.dma_semaphore, #tpu.memory_space<semaphore_mem>>
          %dma_start3A_49 = arith.constant 0 : i32
          %dma_start3A_50 = tpu.memref_slice %arg8[%rem3A_31, %dma_start3A_49] : memref<2x128xi32, #tpu.memory_space<vmem>> -> memref<1x128xi32, #tpu.memory_space<vmem>>
          %dma_start3A_51 = tpu.memref_squeeze %dma_start3A_50 : memref<1x128xi32, #tpu.memory_space<vmem>> -> memref<128xi32, #tpu.memory_space<vmem>>
          %dma_start3A_52 = tpu.memref_slice %arg4[%add3A_39] : memref<327680xi32, #tpu.memory_space<hbm>> -> memref<128xi32, #tpu.memory_space<hbm>>
          %dma_start3A_53 = arith.constant 0 : i32
          %dma_start3A_54 = tpu.memref_slice %arg8[%rem3A_31, %dma_start3A_53] : memref<2x128xi32, #tpu.memory_space<vmem>> -> memref<1x128xi32, #tpu.memory_space<vmem>>
          %dma_start3A_55 = tpu.memref_squeeze %dma_start3A_54 : memref<1x128xi32, #tpu.memory_space<vmem>> -> memref<128xi32, #tpu.memory_space<vmem>>
          %dma_start3A_56 = tpu.memref_slice %arg4[%add3A_39] : memref<327680xi32, #tpu.memory_space<hbm>> -> memref<128xi32, #tpu.memory_space<hbm>>
          tpu.enqueue_dma source(%dma_start3A_56 : memref<128xi32, #tpu.memory_space<hbm>>) target(%dma_start3A_55 : memref<128xi32, #tpu.memory_space<vmem>>) target_semaphore(%run_scoped3A : memref<!tpu.dma_semaphore, #tpu.memory_space<semaphore_mem>>)
          %dma_wait3A = arith.constant 0 : i32
          %dma_wait3A_57 = tpu.memref_slice %arg8[%rem3A_31, %dma_wait3A] : memref<2x128xi32, #tpu.memory_space<vmem>> -> memref<1x128xi32, #tpu.memory_space<vmem>>
          %dma_wait3A_58 = tpu.memref_squeeze %dma_wait3A_57 : memref<1x128xi32, #tpu.memory_space<vmem>> -> memref<128xi32, #tpu.memory_space<vmem>>
          %dma_wait3A_59 = tpu.memref_slice %arg4[%add3A_39] : memref<327680xi32, #tpu.memory_space<hbm>> -> memref<128xi32, #tpu.memory_space<hbm>>
          %dma_wait3A_60 = arith.constant 0 : i32
          %dma_wait3A_61 = tpu.memref_slice %arg8[%rem3A_31, %dma_wait3A_60] : memref<2x128xi32, #tpu.memory_space<vmem>> -> memref<1x128xi32, #tpu.memory_space<vmem>>
          %dma_wait3A_62 = tpu.memref_squeeze %dma_wait3A_61 : memref<1x128xi32, #tpu.memory_space<vmem>> -> memref<128xi32, #tpu.memory_space<vmem>>
          %dma_wait3A_63 = tpu.memref_slice %arg4[%add3A_39] : memref<327680xi32, #tpu.memory_space<hbm>> -> memref<128xi32, #tpu.memory_space<hbm>>
          tpu.wait_dma2 semaphore(%run_scoped3A : memref<!tpu.dma_semaphore, #tpu.memory_space<semaphore_mem>>) src(%dma_wait3A_63 : memref<128xi32, #tpu.memory_space<hbm>>) dst(%dma_wait3A_62 : memref<128xi32, #tpu.memory_space<vmem>>)
          tpu.yield
        }) : () -> ()
        %dma_start3A = arith.constant 0 : i32
        %dma_start3A_40 = arith.constant 0 : i32
        %dma_start3A_41 = tpu.memref_slice %arg9[%rem3A_31, %dma_start3A, %dma_start3A_40] : memref<2x128x128xf32, #tpu.memory_space<vmem>> -> memref<1x128x128xf32, #tpu.memory_space<vmem>>
        %dma_start3A_42 = tpu.memref_squeeze %dma_start3A_41 : memref<1x128x128xf32, #tpu.memory_space<vmem>> -> memref<128x128xf32, #tpu.memory_space<vmem>>
        %dma_start3A_43 = arith.constant 0 : i32
        %dma_start3A_44 = tpu.memref_slice %arg7[%rem3A_31, %dma_start3A_43] : memref<2x128xi32, #tpu.memory_space<vmem>> -> memref<1x128xi32, #tpu.memory_space<vmem>>
        %dma_start3A_45 = tpu.memref_squeeze %dma_start3A_44 : memref<1x128xi32, #tpu.memory_space<vmem>> -> memref<128xi32, #tpu.memory_space<vmem>>
        %dma_start3A_46 = arith.constant 0 : i32
        %dma_start3A_47 = arith.constant 0 : i32
        %dma_start3A_48 = tpu.memref_slice %arg2[%dma_start3A_46, %dma_start3A_47] : memref<10240x128xf32, #tpu.memory_space<hbm>> -> memref<10240x128xf32, #tpu.memory_space<hbm>>
        tpu.enqueue_indirect_dma source(%dma_start3A_48 : memref<10240x128xf32, #tpu.memory_space<hbm>>) target(%dma_start3A_42 : memref<128x128xf32, #tpu.memory_space<vmem>>) offsets(%dma_start3A_45 : memref<128xi32, #tpu.memory_space<vmem>>) semaphore(%arg12 : memref<!tpu.dma_semaphore, #tpu.memory_space<semaphore_mem>>)
      } else {
      }
      %ge3A = arith.constant 1 : i32
      %ge3A_33 = arith.cmpi sge, %while3A_30, %ge3A : i32
      %convert_element_type3A_34 = arith.extui %ge3A_33 : i1 to i32
      %cond3A_35 = arith.constant 0 : i32
      %cond3A_36 = arith.cmpi ne, %convert_element_type3A_34, %cond3A_35 : i32
      scf.if %cond3A_36 {
        %add3A_37 = arith.constant 1 : i32
        %add3A_38 = arith.addi %while3A_30, %add3A_37 : i32
        %rem3A_39 = arith.constant 2 : i32
        %rem3A_40 = arith.remsi %add3A_38, %rem3A_39 : i32
        %dma_wait3A = arith.constant 0 : i32
        %dma_wait3A_41 = arith.constant 0 : i32
        %dma_wait3A_42 = tpu.memref_slice %arg9[%rem3A_40, %dma_wait3A, %dma_wait3A_41] : memref<2x128x128xf32, #tpu.memory_space<vmem>> -> memref<1x128x128xf32, #tpu.memory_space<vmem>>
        %dma_wait3A_43 = tpu.memref_squeeze %dma_wait3A_42 : memref<1x128x128xf32, #tpu.memory_space<vmem>> -> memref<128x128xf32, #tpu.memory_space<vmem>>
        %dma_wait3A_44 = arith.constant 0 : i32
        %dma_wait3A_45 = tpu.memref_slice %arg7[%rem3A_40, %dma_wait3A_44] : memref<2x128xi32, #tpu.memory_space<vmem>> -> memref<1x128xi32, #tpu.memory_space<vmem>>
        %dma_wait3A_46 = tpu.memref_squeeze %dma_wait3A_45 : memref<1x128xi32, #tpu.memory_space<vmem>> -> memref<128xi32, #tpu.memory_space<vmem>>
        %dma_wait3A_47 = arith.constant 0 : i32
        %dma_wait3A_48 = arith.constant 0 : i32
        %dma_wait3A_49 = tpu.memref_slice %arg2[%dma_wait3A_47, %dma_wait3A_48] : memref<10240x128xf32, #tpu.memory_space<hbm>> -> memref<10240x128xf32, #tpu.memory_space<hbm>>
        tpu.wait_indirect_dma semaphore(%arg12 : memref<!tpu.dma_semaphore, #tpu.memory_space<semaphore_mem>>) src(%dma_wait3A_49 : memref<10240x128xf32, #tpu.memory_space<hbm>>) dst(%dma_wait3A_43 : memref<128x128xf32, #tpu.memory_space<vmem>>)
        "tpu.region"() ({
          %run_scoped3A = tpu.sem_alloc : memref<!tpu.dma_semaphore, #tpu.memory_space<semaphore_mem>>
          %dma_start3A = arith.constant 0 : i32
          %dma_start3A_50 = arith.constant 0 : i32
          %dma_start3A_51 = tpu.memref_slice %arg9[%rem3A_40, %dma_start3A, %dma_start3A_50] : memref<2x128x128xf32, #tpu.memory_space<vmem>> -> memref<1x128x128xf32, #tpu.memory_space<vmem>>
          %dma_start3A_52 = tpu.memref_squeeze %dma_start3A_51 : memref<1x128x128xf32, #tpu.memory_space<vmem>> -> memref<128x128xf32, #tpu.memory_space<vmem>>
          %dma_start3A_53 = arith.constant 0 : i32
          %dma_start3A_54 = tpu.memref_slice %arg8[%rem3A_40, %dma_start3A_53] : memref<2x128xi32, #tpu.memory_space<vmem>> -> memref<1x128xi32, #tpu.memory_space<vmem>>
          %dma_start3A_55 = tpu.memref_squeeze %dma_start3A_54 : memref<1x128xi32, #tpu.memory_space<vmem>> -> memref<128xi32, #tpu.memory_space<vmem>>
          %dma_start3A_56 = arith.constant 0 : i32
          %dma_start3A_57 = arith.constant 0 : i32
          %dma_start3A_58 = tpu.memref_slice %arg11[%dma_start3A_56, %dma_start3A_57] : memref<10240x128xf32, #tpu.memory_space<vmem_shared>> -> memref<10240x128xf32, #tpu.memory_space<vmem_shared>>
          tpu.enqueue_indirect_dma source(%dma_start3A_52 : memref<128x128xf32, #tpu.memory_space<vmem>>) target(%dma_start3A_58 : memref<10240x128xf32, #tpu.memory_space<vmem_shared>>) offsets(%dma_start3A_55 : memref<128xi32, #tpu.memory_space<vmem>>) semaphore(%run_scoped3A : memref<!tpu.dma_semaphore, #tpu.memory_space<semaphore_mem>>) {add = true}
          %dma_wait3A_59 = arith.constant 0 : i32
          %dma_wait3A_60 = arith.constant 0 : i32
          %dma_wait3A_61 = tpu.memref_slice %arg9[%rem3A_40, %dma_wait3A_59, %dma_wait3A_60] : memref<2x128x128xf32, #tpu.memory_space<vmem>> -> memref<1x128x128xf32, #tpu.memory_space<vmem>>
          %dma_wait3A_62 = tpu.memref_squeeze %dma_wait3A_61 : memref<1x128x128xf32, #tpu.memory_space<vmem>> -> memref<128x128xf32, #tpu.memory_space<vmem>>
          %dma_wait3A_63 = arith.constant 0 : i32
          %dma_wait3A_64 = tpu.memref_slice %arg8[%rem3A_40, %dma_wait3A_63] : memref<2x128xi32, #tpu.memory_space<vmem>> -> memref<1x128xi32, #tpu.memory_space<vmem>>
          %dma_wait3A_65 = tpu.memref_squeeze %dma_wait3A_64 : memref<1x128xi32, #tpu.memory_space<vmem>> -> memref<128xi32, #tpu.memory_space<vmem>>
          %dma_wait3A_66 = arith.constant 0 : i32
          %dma_wait3A_67 = arith.constant 0 : i32
          %dma_wait3A_68 = tpu.memref_slice %arg11[%dma_wait3A_66, %dma_wait3A_67] : memref<10240x128xf32, #tpu.memory_space<vmem_shared>> -> memref<10240x128xf32, #tpu.memory_space<vmem_shared>>
          tpu.wait_indirect_dma semaphore(%run_scoped3A : memref<!tpu.dma_semaphore, #tpu.memory_space<semaphore_mem>>) src(%dma_wait3A_62 : memref<128x128xf32, #tpu.memory_space<vmem>>) dst(%dma_wait3A_68 : memref<10240x128xf32, #tpu.memory_space<vmem_shared>>)
          tpu.yield
        }) : () -> ()
      } else {
      }
    }
    %barrier3A_25 = arith.constant 0 : index
    tpu.barrier barrier_id(%barrier3A_25)
    %mul3A_26 = arith.constant 640 : i32
    %mul3A_27 = arith.muli %arg1, %mul3A_26 : i32
    %mul3A_28 = arith.constant 640 : i32
    %mul3A_29 = arith.muli %arg1, %mul3A_28 : i32
    "tpu.region"() ({
      %run_scoped3A = tpu.sem_alloc : memref<!tpu.dma_semaphore, #tpu.memory_space<semaphore_mem>>
      %dma_start3A = arith.constant 0 : i32
      %dma_start3A_30 = tpu.memref_slice %arg6[%arg0, %mul3A_29, %dma_start3A] : memref<2x10240x128xf32, #tpu.memory_space<hbm>> -> memref<1x640x128xf32, #tpu.memory_space<hbm>>
      %dma_start3A_31 = tpu.memref_squeeze %dma_start3A_30 : memref<1x640x128xf32, #tpu.memory_space<hbm>> -> memref<640x128xf32, #tpu.memory_space<hbm>>
      %dma_start3A_32 = arith.constant 0 : i32
      %dma_start3A_33 = tpu.memref_slice %arg11[%mul3A_27, %dma_start3A_32] : memref<10240x128xf32, #tpu.memory_space<vmem_shared>> -> memref<640x128xf32, #tpu.memory_space<vmem_shared>>
      tpu.enqueue_dma source(%dma_start3A_33 : memref<640x128xf32, #tpu.memory_space<vmem_shared>>) target(%dma_start3A_31 : memref<640x128xf32, #tpu.memory_space<hbm>>) target_semaphore(%run_scoped3A : memref<!tpu.dma_semaphore, #tpu.memory_space<semaphore_mem>>)
      %dma_wait3A = arith.constant 0 : i32
      %dma_wait3A_34 = tpu.memref_slice %arg6[%arg0, %mul3A_29, %dma_wait3A] : memref<2x10240x128xf32, #tpu.memory_space<hbm>> -> memref<1x640x128xf32, #tpu.memory_space<hbm>>
      %dma_wait3A_35 = tpu.memref_squeeze %dma_wait3A_34 : memref<1x640x128xf32, #tpu.memory_space<hbm>> -> memref<640x128xf32, #tpu.memory_space<hbm>>
      %dma_wait3A_36 = arith.constant 0 : i32
      %dma_wait3A_37 = tpu.memref_slice %arg11[%mul3A_27, %dma_wait3A_36] : memref<10240x128xf32, #tpu.memory_space<vmem_shared>> -> memref<640x128xf32, #tpu.memory_space<vmem_shared>>
      tpu.wait_dma2 semaphore(%run_scoped3A : memref<!tpu.dma_semaphore, #tpu.memory_space<semaphore_mem>>) src(%dma_wait3A_37 : memref<640x128xf32, #tpu.memory_space<vmem_shared>>) dst(%dma_wait3A_35 : memref<640x128xf32, #tpu.memory_space<hbm>>)
      tpu.yield
    }) : () -> ()
    return
  }
}

#map = affine_map<(d0, d1) -> (0)>
#map1 = affine_map<(d0, d1) -> (0, 0)>
#map2 = affine_map<(d0, d1) -> (0, 0, 0)>
module attributes {stable_mosaic.version = 14 : i64} {
  func.func @deg_kernel(%arg0: i32, %arg1: i32, %arg2: memref<327680xi32, #tpu.memory_space<hbm>>, %arg3: memref<128x128xf32, #tpu.memory_space<hbm>>, %arg4: memref<64x128xf32, #tpu.memory_space<hbm>>, %arg5: memref<2x10240x128xf32, #tpu.memory_space<hbm>>, %arg6: memref<128xi32, #tpu.memory_space<vmem>>, %arg7: memref<128x128xf32, #tpu.memory_space<vmem>>, %arg8: memref<64x128xf32, #tpu.memory_space<vmem>>, %arg9: memref<10240x128xf32, #tpu.memory_space<vmem_shared>>, %arg10: memref<!tpu.dma_semaphore, #tpu.memory_space<semaphore_mem>>) attributes {dimension_semantics = [#tpu.dimension_semantics<core_parallel>, #tpu.dimension_semantics<subcore_parallel>], iteration_bounds = array<i64: 2, 16>, scalar_prefetch = 0 : i64, scratch_operands = 5 : i64, tpu.core_type = #tpu.core_type<sc_vector_subcore>, window_params = [{transform_indices = #map}, {transform_indices = #map1}, {transform_indices = #map1}, {transform_indices = #map2}]} {
    %mul3A = arith.constant 16 : i32
    %mul3A_0 = arith.muli %arg0, %mul3A : i32
    %add3A = arith.addi %mul3A_0, %arg1 : i32
    "tpu.region"() ({
      %run_scoped3A = tpu.sem_alloc : memref<!tpu.dma_semaphore, #tpu.memory_space<semaphore_mem>>
      tpu.enqueue_dma source(%arg3 : memref<128x128xf32, #tpu.memory_space<hbm>>) target(%arg7 : memref<128x128xf32, #tpu.memory_space<vmem>>) target_semaphore(%run_scoped3A : memref<!tpu.dma_semaphore, #tpu.memory_space<semaphore_mem>>)
      tpu.wait_dma2 semaphore(%run_scoped3A : memref<!tpu.dma_semaphore, #tpu.memory_space<semaphore_mem>>) src(%arg3 : memref<128x128xf32, #tpu.memory_space<hbm>>) dst(%arg7 : memref<128x128xf32, #tpu.memory_space<vmem>>)
      tpu.yield
    }) : () -> ()
    "tpu.region"() ({
      %run_scoped3A = tpu.sem_alloc : memref<!tpu.dma_semaphore, #tpu.memory_space<semaphore_mem>>
      tpu.enqueue_dma source(%arg4 : memref<64x128xf32, #tpu.memory_space<hbm>>) target(%arg8 : memref<64x128xf32, #tpu.memory_space<vmem>>) target_semaphore(%run_scoped3A : memref<!tpu.dma_semaphore, #tpu.memory_space<semaphore_mem>>)
      tpu.wait_dma2 semaphore(%run_scoped3A : memref<!tpu.dma_semaphore, #tpu.memory_space<semaphore_mem>>) src(%arg4 : memref<64x128xf32, #tpu.memory_space<hbm>>) dst(%arg8 : memref<64x128xf32, #tpu.memory_space<vmem>>)
      tpu.yield
    }) : () -> ()
    %scan3A = arith.constant 0 : i32
    %scan3A_1 = arith.constant 0 : i32
    %scan3A_2 = arith.constant 10 : i32
    %scan3A_3 = arith.addi %scan3A_1, %scan3A_2 : i32
    %scan3A_4 = arith.constant 1 : i32
    scf.for %scan3A_17 = %scan3A_1 to %scan3A_3 step %scan3A_4  : i32 {
      %mul3A_18 = arith.constant 640 : i32
      %mul3A_19 = arith.muli %arg1, %mul3A_18 : i32
      %mul3A_20 = arith.constant 64 : i32
      %mul3A_21 = arith.muli %scan3A_17, %mul3A_20 : i32
      %add3A_22 = arith.addi %mul3A_19, %mul3A_21 : i32
      "tpu.region"() ({
        %run_scoped3A = tpu.sem_alloc : memref<!tpu.dma_semaphore, #tpu.memory_space<semaphore_mem>>
        %dma_start3A = arith.constant 0 : i32
        %dma_start3A_23 = tpu.memref_slice %arg9[%add3A_22, %dma_start3A] : memref<10240x128xf32, #tpu.memory_space<vmem_shared>> -> memref<64x128xf32, #tpu.memory_space<vmem_shared>>
        %dma_start3A_24 = arith.constant 0 : i32
        %dma_start3A_25 = tpu.memref_slice %arg9[%add3A_22, %dma_start3A_24] : memref<10240x128xf32, #tpu.memory_space<vmem_shared>> -> memref<64x128xf32, #tpu.memory_space<vmem_shared>>
        tpu.enqueue_dma source(%arg8 : memref<64x128xf32, #tpu.memory_space<vmem>>) target(%dma_start3A_25 : memref<64x128xf32, #tpu.memory_space<vmem_shared>>) target_semaphore(%run_scoped3A : memref<!tpu.dma_semaphore, #tpu.memory_space<semaphore_mem>>)
        %dma_wait3A = arith.constant 0 : i32
        %dma_wait3A_26 = tpu.memref_slice %arg9[%add3A_22, %dma_wait3A] : memref<10240x128xf32, #tpu.memory_space<vmem_shared>> -> memref<64x128xf32, #tpu.memory_space<vmem_shared>>
        %dma_wait3A_27 = arith.constant 0 : i32
        %dma_wait3A_28 = tpu.memref_slice %arg9[%add3A_22, %dma_wait3A_27] : memref<10240x128xf32, #tpu.memory_space<vmem_shared>> -> memref<64x128xf32, #tpu.memory_space<vmem_shared>>
        tpu.wait_dma2 semaphore(%run_scoped3A : memref<!tpu.dma_semaphore, #tpu.memory_space<semaphore_mem>>) src(%arg8 : memref<64x128xf32, #tpu.memory_space<vmem>>) dst(%dma_wait3A_28 : memref<64x128xf32, #tpu.memory_space<vmem_shared>>)
        tpu.yield
      }) : () -> ()
    }
    %scan3A_5 = arith.constant 10 : i32
    %barrier3A = arith.constant 0 : index
    tpu.barrier barrier_id(%barrier3A)
    %scan3A_6 = arith.constant 0 : i32
    %scan3A_7 = arith.constant 0 : i32
    %scan3A_8 = arith.constant 80 : i32
    %scan3A_9 = arith.addi %scan3A_7, %scan3A_8 : i32
    %scan3A_10 = arith.constant 1 : i32
    scf.for %scan3A_17 = %scan3A_7 to %scan3A_9 step %scan3A_10  : i32 {
      %mul3A_18 = arith.constant 10240 : i32
      %mul3A_19 = arith.muli %add3A, %mul3A_18 : i32
      %mul3A_20 = arith.constant 128 : i32
      %mul3A_21 = arith.muli %scan3A_17, %mul3A_20 : i32
      %add3A_22 = arith.addi %mul3A_19, %mul3A_21 : i32
      "tpu.region"() ({
        %run_scoped3A = tpu.sem_alloc : memref<!tpu.dma_semaphore, #tpu.memory_space<semaphore_mem>>
        %dma_start3A = tpu.memref_slice %arg2[%add3A_22] : memref<327680xi32, #tpu.memory_space<hbm>> -> memref<128xi32, #tpu.memory_space<hbm>>
        %dma_start3A_23 = tpu.memref_slice %arg2[%add3A_22] : memref<327680xi32, #tpu.memory_space<hbm>> -> memref<128xi32, #tpu.memory_space<hbm>>
        tpu.enqueue_dma source(%dma_start3A_23 : memref<128xi32, #tpu.memory_space<hbm>>) target(%arg6 : memref<128xi32, #tpu.memory_space<vmem>>) target_semaphore(%run_scoped3A : memref<!tpu.dma_semaphore, #tpu.memory_space<semaphore_mem>>)
        %dma_wait3A = tpu.memref_slice %arg2[%add3A_22] : memref<327680xi32, #tpu.memory_space<hbm>> -> memref<128xi32, #tpu.memory_space<hbm>>
        %dma_wait3A_24 = tpu.memref_slice %arg2[%add3A_22] : memref<327680xi32, #tpu.memory_space<hbm>> -> memref<128xi32, #tpu.memory_space<hbm>>
        tpu.wait_dma2 semaphore(%run_scoped3A : memref<!tpu.dma_semaphore, #tpu.memory_space<semaphore_mem>>) src(%dma_wait3A_24 : memref<128xi32, #tpu.memory_space<hbm>>) dst(%arg6 : memref<128xi32, #tpu.memory_space<vmem>>)
        tpu.yield
      }) : () -> ()
      "tpu.region"() ({
        %run_scoped3A = tpu.sem_alloc : memref<!tpu.dma_semaphore, #tpu.memory_space<semaphore_mem>>
        %dma_start3A = arith.constant 0 : i32
        %dma_start3A_23 = arith.constant 0 : i32
        %dma_start3A_24 = tpu.memref_slice %arg9[%dma_start3A, %dma_start3A_23] : memref<10240x128xf32, #tpu.memory_space<vmem_shared>> -> memref<10240x128xf32, #tpu.memory_space<vmem_shared>>
        tpu.enqueue_indirect_dma source(%arg7 : memref<128x128xf32, #tpu.memory_space<vmem>>) target(%dma_start3A_24 : memref<10240x128xf32, #tpu.memory_space<vmem_shared>>) offsets(%arg6 : memref<128xi32, #tpu.memory_space<vmem>>) semaphore(%run_scoped3A : memref<!tpu.dma_semaphore, #tpu.memory_space<semaphore_mem>>) {add = true}
        %dma_wait3A = arith.constant 0 : i32
        %dma_wait3A_25 = arith.constant 0 : i32
        %dma_wait3A_26 = tpu.memref_slice %arg9[%dma_wait3A, %dma_wait3A_25] : memref<10240x128xf32, #tpu.memory_space<vmem_shared>> -> memref<10240x128xf32, #tpu.memory_space<vmem_shared>>
        tpu.wait_indirect_dma semaphore(%run_scoped3A : memref<!tpu.dma_semaphore, #tpu.memory_space<semaphore_mem>>) src(%arg7 : memref<128x128xf32, #tpu.memory_space<vmem>>) dst(%dma_wait3A_26 : memref<10240x128xf32, #tpu.memory_space<vmem_shared>>)
        tpu.yield
      }) : () -> ()
    }
    %scan3A_11 = arith.constant 80 : i32
    %barrier3A_12 = arith.constant 0 : index
    tpu.barrier barrier_id(%barrier3A_12)
    %mul3A_13 = arith.constant 640 : i32
    %mul3A_14 = arith.muli %arg1, %mul3A_13 : i32
    %mul3A_15 = arith.constant 640 : i32
    %mul3A_16 = arith.muli %arg1, %mul3A_15 : i32
    "tpu.region"() ({
      %run_scoped3A = tpu.sem_alloc : memref<!tpu.dma_semaphore, #tpu.memory_space<semaphore_mem>>
      %dma_start3A = arith.constant 0 : i32
      %dma_start3A_17 = tpu.memref_slice %arg5[%arg0, %mul3A_16, %dma_start3A] : memref<2x10240x128xf32, #tpu.memory_space<hbm>> -> memref<1x640x128xf32, #tpu.memory_space<hbm>>
      %dma_start3A_18 = tpu.memref_squeeze %dma_start3A_17 : memref<1x640x128xf32, #tpu.memory_space<hbm>> -> memref<640x128xf32, #tpu.memory_space<hbm>>
      %dma_start3A_19 = arith.constant 0 : i32
      %dma_start3A_20 = tpu.memref_slice %arg9[%mul3A_14, %dma_start3A_19] : memref<10240x128xf32, #tpu.memory_space<vmem_shared>> -> memref<640x128xf32, #tpu.memory_space<vmem_shared>>
      tpu.enqueue_dma source(%dma_start3A_20 : memref<640x128xf32, #tpu.memory_space<vmem_shared>>) target(%dma_start3A_18 : memref<640x128xf32, #tpu.memory_space<hbm>>) target_semaphore(%run_scoped3A : memref<!tpu.dma_semaphore, #tpu.memory_space<semaphore_mem>>)
      %dma_wait3A = arith.constant 0 : i32
      %dma_wait3A_21 = tpu.memref_slice %arg5[%arg0, %mul3A_16, %dma_wait3A] : memref<2x10240x128xf32, #tpu.memory_space<hbm>> -> memref<1x640x128xf32, #tpu.memory_space<hbm>>
      %dma_wait3A_22 = tpu.memref_squeeze %dma_wait3A_21 : memref<1x640x128xf32, #tpu.memory_space<hbm>> -> memref<640x128xf32, #tpu.memory_space<hbm>>
      %dma_wait3A_23 = arith.constant 0 : i32
      %dma_wait3A_24 = tpu.memref_slice %arg9[%mul3A_14, %dma_wait3A_23] : memref<10240x128xf32, #tpu.memory_space<vmem_shared>> -> memref<640x128xf32, #tpu.memory_space<vmem_shared>>
      tpu.wait_dma2 semaphore(%run_scoped3A : memref<!tpu.dma_semaphore, #tpu.memory_space<semaphore_mem>>) src(%dma_wait3A_24 : memref<640x128xf32, #tpu.memory_space<vmem_shared>>) dst(%dma_wait3A_22 : memref<640x128xf32, #tpu.memory_space<hbm>>)
      tpu.yield
    }) : () -> ()
    return
  }
}

module attributes {stable_mosaic.version = 14 : i64} {
  func.func @body(%arg0: i32, %arg1: memref<256x128xf32, #tpu.memory_space<vmem>>, %arg2: memref<128x128xf32, #tpu.memory_space<vmem>>, %arg3: memref<256x128xf32, #tpu.memory_space<vmem>>) attributes {dimension_semantics = [#tpu.dimension_semantics<arbitrary>], iteration_bounds = array<i64: 40>, scalar_prefetch = 0 : i64, scratch_operands = 0 : i64, tpu.core_type = #tpu.core_type<tc>, window_params = [{transform_indices = @transform_0, window_bounds = array<i64: 256, 128>}, {pipeline_mode = #tpu.pipeline_mode<synchronous>, transform_indices = @transform_1, window_bounds = array<i64: 128, 128>}, {transform_indices = @transform_2, window_bounds = array<i64: 256, 128>}]} {
    %get3A = arith.constant 0 : index
    %get3A_0 = arith.constant 0 : index
    %get3A_1 = vector.load %arg1[%get3A, %get3A_0] : memref<256x128xf32, #tpu.memory_space<vmem>>, vector<256x128xf32>
    %get3A_2 = arith.constant 0 : index
    %get3A_3 = arith.constant 0 : index
    %get3A_4 = vector.load %arg2[%get3A_2, %get3A_3] : memref<128x128xf32, #tpu.memory_space<vmem>>, vector<128x128xf32>
    %dot_general3A = arith.constant dense<0.000000e+00> : vector<256x128xf32>
    %dot_general3A_5 = tpu.matmul %get3A_1, %get3A_4, %dot_general3A {dimension_numbers = #tpu.dot_dimension_numbers<[1], [0], [0], [1], [0, 0, 1, 1], [], []>, transpose_lhs_hint = false} : vector<256x128xf32>, vector<128x128xf32>, vector<256x128xf32> -> vector<256x128xf32>
    %swap3A = arith.constant 0 : index
    %swap3A_6 = arith.constant 0 : index
    %swap3A_7 = vector.load %arg3[%swap3A, %swap3A_6] : memref<256x128xf32, #tpu.memory_space<vmem>>, vector<256x128xf32>
    tpu.vector_store %arg3[%swap3A, %swap3A_6], %dot_general3A_5 {strides = array<i32>} : memref<256x128xf32, #tpu.memory_space<vmem>>, vector<256x128xf32>,
    return
  }
  func.func @transform_0(%arg0: i32) -> (i32, i32) {
    %c0_i32 = arith.constant 0 : i32
    %c0_i32_0 = arith.constant 0 : i32
    return %arg0, %c0_i32 : i32, i32
  }
  func.func @transform_1(%arg0: i32) -> (i32, i32) {
    %c0_i32 = arith.constant 0 : i32
    %c0_i32_0 = arith.constant 0 : i32
    %c0_i32_1 = arith.constant 0 : i32
    return %c0_i32, %c0_i32_0 : i32, i32
  }
  func.func @transform_2(%arg0: i32) -> (i32, i32) {
    %c0_i32 = arith.constant 0 : i32
    %c0_i32_0 = arith.constant 0 : i32
    return %arg0, %c0_i32 : i32, i32
  }
}

module attributes {stable_mosaic.version = 14 : i64} {
  func.func @body(%arg0: i32, %arg1: memref<256x128xf32, #tpu.memory_space<vmem>>, %arg2: memref<2x256x128xf32, #tpu.memory_space<vmem>>, %arg3: memref<256x128xf32, #tpu.memory_space<vmem>>, %arg4: memref<256x1xf32, #tpu.memory_space<vmem>>) attributes {dimension_semantics = [#tpu.dimension_semantics<arbitrary>], iteration_bounds = array<i64: 40>, scalar_prefetch = 0 : i64, scratch_operands = 0 : i64, tpu.core_type = #tpu.core_type<tc>, window_params = [{transform_indices = @transform_0, window_bounds = array<i64: 256, 128>}, {transform_indices = @transform_1, window_bounds = array<i64: 2, 256, 128>}, {transform_indices = @transform_2, window_bounds = array<i64: 256, 128>}, {transform_indices = @transform_3, window_bounds = array<i64: 256, 1>}]} {
    %get3A = arith.constant 0 : index
    %get3A_0 = arith.constant 0 : index
    %get3A_1 = arith.constant 0 : index
    %get3A_2 = vector.load %arg2[%get3A, %get3A_0, %get3A_1] : memref<2x256x128xf32, #tpu.memory_space<vmem>>, vector<1x256x1xf32>
    %get3A_3 = vector.shape_cast %get3A_2 : vector<1x256x1xf32> to vector<256x1xf32>
    %get3A_4 = arith.constant 1 : index
    %get3A_5 = arith.constant 0 : index
    %get3A_6 = arith.constant 0 : index
    %get3A_7 = vector.load %arg2[%get3A_4, %get3A_5, %get3A_6] : memref<2x256x128xf32, #tpu.memory_space<vmem>>, vector<1x256x1xf32>
    %get3A_8 = vector.shape_cast %get3A_7 : vector<1x256x1xf32> to vector<256x1xf32>
    %add3A = arith.addf %get3A_3, %get3A_8 : vector<256x1xf32>
    %add3A_9 = arith.constant 1.000000e+00 : f32
    %add3A_10 = vector.broadcast %add3A_9 : f32 to vector<256x1xf32>
    %add3A_11 = arith.addf %add3A, %add3A_10 : vector<256x1xf32>
    %rsqrt3A = math.rsqrt %add3A_11 : vector<256x1xf32>
    %get3A_12 = arith.constant 0 : index
    %get3A_13 = arith.constant 0 : index
    %get3A_14 = vector.load %arg1[%get3A_12, %get3A_13] : memref<256x128xf32, #tpu.memory_space<vmem>>, vector<256x128xf32>
    %mul3A = vector.broadcast %rsqrt3A : vector<256x1xf32> to vector<256x128xf32>
    %mul3A_15 = arith.mulf %get3A_14, %mul3A : vector<256x128xf32>
    %swap3A = arith.constant 0 : index
    %swap3A_16 = arith.constant 0 : index
    %swap3A_17 = vector.load %arg3[%swap3A, %swap3A_16] : memref<256x128xf32, #tpu.memory_space<vmem>>, vector<256x128xf32>
    tpu.vector_store %arg3[%swap3A, %swap3A_16], %mul3A_15 {strides = array<i32>} : memref<256x128xf32, #tpu.memory_space<vmem>>, vector<256x128xf32>,
    %swap3A_18 = arith.constant 0 : index
    %swap3A_19 = arith.constant 0 : index
    %swap3A_20 = vector.load %arg4[%swap3A_18, %swap3A_19] : memref<256x1xf32, #tpu.memory_space<vmem>>, vector<256x1xf32>
    tpu.vector_store %arg4[%swap3A_18, %swap3A_19], %rsqrt3A {strides = array<i32>} : memref<256x1xf32, #tpu.memory_space<vmem>>, vector<256x1xf32>,
    return
  }
  func.func @transform_0(%arg0: i32) -> (i32, i32) {
    %c0_i32 = arith.constant 0 : i32
    %c0_i32_0 = arith.constant 0 : i32
    return %arg0, %c0_i32 : i32, i32
  }
  func.func @transform_1(%arg0: i32) -> (i32, i32, i32) {
    %c0_i32 = arith.constant 0 : i32
    %c0_i32_0 = arith.constant 0 : i32
    %c0_i32_1 = arith.constant 0 : i32
    return %c0_i32, %arg0, %c0_i32_0 : i32, i32, i32
  }
  func.func @transform_2(%arg0: i32) -> (i32, i32) {
    %c0_i32 = arith.constant 0 : i32
    %c0_i32_0 = arith.constant 0 : i32
    return %arg0, %c0_i32 : i32, i32
  }
  func.func @transform_3(%arg0: i32) -> (i32, i32) {
    %c0_i32 = arith.constant 0 : i32
    %c0_i32_0 = arith.constant 0 : i32
    return %arg0, %c0_i32 : i32, i32
  }
}

module attributes {stable_mosaic.version = 14 : i64} {
  func.func @body(%arg0: i32, %arg1: memref<2x256x128xf32, #tpu.memory_space<vmem>>, %arg2: memref<256x128xf32, #tpu.memory_space<vmem>>, %arg3: memref<256x1xf32, #tpu.memory_space<vmem>>, %arg4: memref<1x128xf32, #tpu.memory_space<vmem>>, %arg5: memref<128x128xf32, #tpu.memory_space<vmem>>, %arg6: memref<256x128xf32, #tpu.memory_space<vmem>>) attributes {dimension_semantics = [#tpu.dimension_semantics<arbitrary>], iteration_bounds = array<i64: 40>, scalar_prefetch = 0 : i64, scratch_operands = 0 : i64, tpu.core_type = #tpu.core_type<tc>, window_params = [{transform_indices = @transform_0, window_bounds = array<i64: 2, 256, 128>}, {transform_indices = @transform_1, window_bounds = array<i64: 256, 128>}, {transform_indices = @transform_2, window_bounds = array<i64: 256, 1>}, {pipeline_mode = #tpu.pipeline_mode<synchronous>, transform_indices = @transform_3, window_bounds = array<i64: 1, 128>}, {pipeline_mode = #tpu.pipeline_mode<synchronous>, transform_indices = @transform_4, window_bounds = array<i64: 128, 128>}, {transform_indices = @transform_5, window_bounds = array<i64: 256, 128>}]} {
    %get3A = arith.constant 0 : index
    %get3A_0 = arith.constant 0 : index
    %get3A_1 = vector.load %arg3[%get3A, %get3A_0] : memref<256x1xf32, #tpu.memory_space<vmem>>, vector<256x1xf32>
    %get3A_2 = arith.constant 0 : index
    %get3A_3 = arith.constant 0 : index
    %get3A_4 = arith.constant 0 : index
    %get3A_5 = vector.load %arg1[%get3A_2, %get3A_3, %get3A_4] : memref<2x256x128xf32, #tpu.memory_space<vmem>>, vector<1x256x128xf32>
    %get3A_6 = vector.shape_cast %get3A_5 : vector<1x256x128xf32> to vector<256x128xf32>
    %get3A_7 = arith.constant 1 : index
    %get3A_8 = arith.constant 0 : index
    %get3A_9 = arith.constant 0 : index
    %get3A_10 = vector.load %arg1[%get3A_7, %get3A_8, %get3A_9] : memref<2x256x128xf32, #tpu.memory_space<vmem>>, vector<1x256x128xf32>
    %get3A_11 = vector.shape_cast %get3A_10 : vector<1x256x128xf32> to vector<256x128xf32>
    %add3A = arith.addf %get3A_6, %get3A_11 : vector<256x128xf32>
    %get3A_12 = arith.constant 0 : index
    %get3A_13 = arith.constant 0 : index
    %get3A_14 = vector.load %arg2[%get3A_12, %get3A_13] : memref<256x128xf32, #tpu.memory_space<vmem>>, vector<256x128xf32>
    %add3A_15 = arith.addf %add3A, %get3A_14 : vector<256x128xf32>
    %mul3A = vector.broadcast %get3A_1 : vector<256x1xf32> to vector<256x128xf32>
    %mul3A_16 = arith.mulf %mul3A, %add3A_15 : vector<256x128xf32>
    %get3A_17 = arith.constant 0 : index
    %get3A_18 = arith.constant 0 : index
    %get3A_19 = vector.load %arg4[%get3A_17, %get3A_18] : memref<1x128xf32, #tpu.memory_space<vmem>>, vector<1x128xf32>
    %add3A_20 = vector.broadcast %get3A_19 : vector<1x128xf32> to vector<256x128xf32>
    %add3A_21 = arith.addf %mul3A_16, %add3A_20 : vector<256x128xf32>
    %max3A = arith.constant 0.000000e+00 : f32
    %max3A_22 = vector.broadcast %max3A : f32 to vector<256x128xf32>
    %max3A_23 = arith.maximumf %add3A_21, %max3A_22 : vector<256x128xf32>
    %get3A_24 = arith.constant 0 : index
    %get3A_25 = arith.constant 0 : index
    %get3A_26 = vector.load %arg5[%get3A_24, %get3A_25] : memref<128x128xf32, #tpu.memory_space<vmem>>, vector<128x128xf32>
    %dot_general3A = arith.constant dense<0.000000e+00> : vector<256x128xf32>
    %dot_general3A_27 = tpu.matmul %max3A_23, %get3A_26, %dot_general3A {dimension_numbers = #tpu.dot_dimension_numbers<[1], [0], [0], [1], [0, 0, 1, 1], [], []>, transpose_lhs_hint = false} : vector<256x128xf32>, vector<128x128xf32>, vector<256x128xf32> -> vector<256x128xf32>
    %mul3A_28 = vector.broadcast %get3A_1 : vector<256x1xf32> to vector<256x128xf32>
    %mul3A_29 = arith.mulf %dot_general3A_27, %mul3A_28 : vector<256x128xf32>
    %swap3A = arith.constant 0 : index
    %swap3A_30 = arith.constant 0 : index
    %swap3A_31 = vector.load %arg6[%swap3A, %swap3A_30] : memref<256x128xf32, #tpu.memory_space<vmem>>, vector<256x128xf32>
    tpu.vector_store %arg6[%swap3A, %swap3A_30], %mul3A_29 {strides = array<i32>} : memref<256x128xf32, #tpu.memory_space<vmem>>, vector<256x128xf32>,
    return
  }
  func.func @transform_0(%arg0: i32) -> (i32, i32, i32) {
    %c0_i32 = arith.constant 0 : i32
    %c0_i32_0 = arith.constant 0 : i32
    %c0_i32_1 = arith.constant 0 : i32
    return %c0_i32, %arg0, %c0_i32_0 : i32, i32, i32
  }
  func.func @transform_1(%arg0: i32) -> (i32, i32) {
    %c0_i32 = arith.constant 0 : i32
    %c0_i32_0 = arith.constant 0 : i32
    return %arg0, %c0_i32 : i32, i32
  }
  func.func @transform_2(%arg0: i32) -> (i32, i32) {
    %c0_i32 = arith.constant 0 : i32
    %c0_i32_0 = arith.constant 0 : i32
    return %arg0, %c0_i32 : i32, i32
  }
  func.func @transform_3(%arg0: i32) -> (i32, i32) {
    %c0_i32 = arith.constant 0 : i32
    %c0_i32_0 = arith.constant 0 : i32
    %c0_i32_1 = arith.constant 0 : i32
    return %c0_i32, %c0_i32_0 : i32, i32
  }
  func.func @transform_4(%arg0: i32) -> (i32, i32) {
    %c0_i32 = arith.constant 0 : i32
    %c0_i32_0 = arith.constant 0 : i32
    %c0_i32_1 = arith.constant 0 : i32
    return %c0_i32, %c0_i32_0 : i32, i32
  }
  func.func @transform_5(%arg0: i32) -> (i32, i32) {
    %c0_i32 = arith.constant 0 : i32
    %c0_i32_0 = arith.constant 0 : i32
    return %arg0, %c0_i32 : i32, i32
  }
}

module attributes {stable_mosaic.version = 14 : i64} {
  func.func @body(%arg0: i32, %arg1: memref<1x1024xi32, #tpu.memory_space<vmem>>, %arg2: memref<8x1xf32, #tpu.memory_space<vmem>>) attributes {dimension_semantics = [#tpu.dimension_semantics<arbitrary>], iteration_bounds = array<i64: 10>, scalar_prefetch = 0 : i64, scratch_operands = 0 : i64, tpu.core_type = #tpu.core_type<tc>, window_params = [{transform_indices = @transform_0, window_bounds = array<i64: 1, 1024>}, {pipeline_mode = #tpu.pipeline_mode<synchronous>, transform_indices = @transform_1, window_bounds = array<i64: 8, 1>}]} {
    %eq3A = arith.constant 0 : i32
    %eq3A_0 = arith.cmpi eq, %arg0, %eq3A : i32
    %convert_element_type3A = arith.extui %eq3A_0 : i1 to i32
    %cond3A = arith.constant 0 : i32
    %cond3A_1 = arith.cmpi ne, %convert_element_type3A, %cond3A : i32
    scf.if %cond3A_1 {
      %broadcast_in_dim3A_14 = arith.constant 0.000000e+00 : f32
      %broadcast_in_dim3A_15 = vector.broadcast %broadcast_in_dim3A_14 : f32 to vector<8x1xf32>
      %swap3A_16 = arith.constant 0 : index
      %swap3A_17 = arith.constant 0 : index
      %swap3A_18 = vector.load %arg2[%swap3A_16, %swap3A_17] : memref<8x1xf32, #tpu.memory_space<vmem>>, vector<8x1xf32>
      tpu.vector_store %arg2[%swap3A_16, %swap3A_17], %broadcast_in_dim3A_15 {strides = array<i32>} : memref<8x1xf32, #tpu.memory_space<vmem>>, vector<8x1xf32>,
    } else {
    }
    %iota3A = tpu.iota {dimensions = array<i32: 0>} : vector<8x1024xi32>
    %get3A = arith.constant 0 : index
    %get3A_2 = arith.constant 0 : index
    %get3A_3 = vector.load %arg1[%get3A, %get3A_2] : memref<1x1024xi32, #tpu.memory_space<vmem>>, vector<1x1024xi32>
    %eq3A_4 = vector.broadcast %get3A_3 : vector<1x1024xi32> to vector<8x1024xi32>
    %eq3A_5 = arith.cmpi eq, %eq3A_4, %iota3A : vector<8x1024xi32>
    %get3A_6 = arith.constant 0 : index
    %get3A_7 = arith.constant 0 : index
    %get3A_8 = vector.load %arg2[%get3A_6, %get3A_7] : memref<8x1xf32, #tpu.memory_space<vmem>>, vector<8x1xf32>
    %convert_element_type3A_9 = arith.extui %eq3A_5 : vector<8x1024xi1> to vector<8x1024xi32>
    %convert_element_type3A_10 = arith.sitofp %convert_element_type3A_9 : vector<8x1024xi32> to vector<8x1024xf32>
    %reduce_sum3A = arith.constant dense<0.000000e+00> : vector<8xf32>
    %reduce_sum3A_11 = vector.multi_reduction <add>, %convert_element_type3A_10, %reduce_sum3A [1] : vector<8x1024xf32> to vector<8xf32>
    %broadcast_in_dim3A = vector.shape_cast %reduce_sum3A_11 : vector<8xf32> to vector<8x1xf32>
    %add3A = arith.addf %get3A_8, %broadcast_in_dim3A : vector<8x1xf32>
    %swap3A = arith.constant 0 : index
    %swap3A_12 = arith.constant 0 : index
    %swap3A_13 = vector.load %arg2[%swap3A, %swap3A_12] : memref<8x1xf32, #tpu.memory_space<vmem>>, vector<8x1xf32>
    tpu.vector_store %arg2[%swap3A, %swap3A_12], %add3A {strides = array<i32>} : memref<8x1xf32, #tpu.memory_space<vmem>>, vector<8x1xf32>,
    return
  }
  func.func @transform_0(%arg0: i32) -> (i32, i32) {
    %c0_i32 = arith.constant 0 : i32
    %c0_i32_0 = arith.constant 0 : i32
    return %c0_i32, %arg0 : i32, i32
  }
  func.func @transform_1(%arg0: i32) -> (i32, i32) {
    %c0_i32 = arith.constant 0 : i32
    %c0_i32_0 = arith.constant 0 : i32
    %c0_i32_1 = arith.constant 0 : i32
    return %c0_i32, %c0_i32_0 : i32, i32
  }
}

module attributes {stable_mosaic.version = 14 : i64} {
  func.func @body(%arg0: i32, %arg1: memref<2x256x128xf32, #tpu.memory_space<vmem>>, %arg2: memref<256x128xf32, #tpu.memory_space<vmem>>, %arg3: memref<256x1xf32, #tpu.memory_space<vmem>>, %arg4: memref<1x128xf32, #tpu.memory_space<vmem>>, %arg5: memref<1x128xf32, #tpu.memory_space<vmem>>, %arg6: memref<256x128xf32, #tpu.memory_space<vmem>>, %arg7: memref<256x1xf32, #tpu.memory_space<vmem>>) attributes {dimension_semantics = [#tpu.dimension_semantics<arbitrary>], iteration_bounds = array<i64: 40>, scalar_prefetch = 0 : i64, scratch_operands = 0 : i64, tpu.core_type = #tpu.core_type<tc>, window_params = [{transform_indices = @transform_0, window_bounds = array<i64: 2, 256, 128>}, {transform_indices = @transform_1, window_bounds = array<i64: 256, 128>}, {transform_indices = @transform_2, window_bounds = array<i64: 256, 1>}, {pipeline_mode = #tpu.pipeline_mode<synchronous>, transform_indices = @transform_3, window_bounds = array<i64: 1, 128>}, {pipeline_mode = #tpu.pipeline_mode<synchronous>, transform_indices = @transform_4, window_bounds = array<i64: 1, 128>}, {transform_indices = @transform_5, window_bounds = array<i64: 256, 128>}, {transform_indices = @transform_6, window_bounds = array<i64: 256, 1>}]} {
    %get3A = arith.constant 0 : index
    %get3A_0 = arith.constant 0 : index
    %get3A_1 = vector.load %arg3[%get3A, %get3A_0] : memref<256x1xf32, #tpu.memory_space<vmem>>, vector<256x1xf32>
    %get3A_2 = arith.constant 0 : index
    %get3A_3 = arith.constant 0 : index
    %get3A_4 = arith.constant 0 : index
    %get3A_5 = vector.load %arg1[%get3A_2, %get3A_3, %get3A_4] : memref<2x256x128xf32, #tpu.memory_space<vmem>>, vector<1x256x128xf32>
    %get3A_6 = vector.shape_cast %get3A_5 : vector<1x256x128xf32> to vector<256x128xf32>
    %get3A_7 = arith.constant 1 : index
    %get3A_8 = arith.constant 0 : index
    %get3A_9 = arith.constant 0 : index
    %get3A_10 = vector.load %arg1[%get3A_7, %get3A_8, %get3A_9] : memref<2x256x128xf32, #tpu.memory_space<vmem>>, vector<1x256x128xf32>
    %get3A_11 = vector.shape_cast %get3A_10 : vector<1x256x128xf32> to vector<256x128xf32>
    %add3A = arith.addf %get3A_6, %get3A_11 : vector<256x128xf32>
    %get3A_12 = arith.constant 0 : index
    %get3A_13 = arith.constant 0 : index
    %get3A_14 = vector.load %arg2[%get3A_12, %get3A_13] : memref<256x128xf32, #tpu.memory_space<vmem>>, vector<256x128xf32>
    %add3A_15 = arith.addf %add3A, %get3A_14 : vector<256x128xf32>
    %mul3A = vector.broadcast %get3A_1 : vector<256x1xf32> to vector<256x128xf32>
    %mul3A_16 = arith.mulf %mul3A, %add3A_15 : vector<256x128xf32>
    %get3A_17 = arith.constant 0 : index
    %get3A_18 = arith.constant 0 : index
    %get3A_19 = vector.load %arg4[%get3A_17, %get3A_18] : memref<1x128xf32, #tpu.memory_space<vmem>>, vector<1x128xf32>
    %add3A_20 = vector.broadcast %get3A_19 : vector<1x128xf32> to vector<256x128xf32>
    %add3A_21 = arith.addf %mul3A_16, %add3A_20 : vector<256x128xf32>
    %max3A = arith.constant 0.000000e+00 : f32
    %max3A_22 = vector.broadcast %max3A : f32 to vector<256x128xf32>
    %max3A_23 = arith.maximumf %add3A_21, %max3A_22 : vector<256x128xf32>
    %get3A_24 = arith.constant 0 : index
    %get3A_25 = arith.constant 0 : index
    %get3A_26 = vector.load %arg5[%get3A_24, %get3A_25] : memref<1x128xf32, #tpu.memory_space<vmem>>, vector<1x128xf32>
    %mul3A_27 = arith.mulf %get3A_26, %get3A_26 : vector<1x128xf32>
    %reduce_sum3A = vector.shape_cast %mul3A_27 : vector<1x128xf32> to vector<1x1x128xf32>
    %reduce_sum3A_28 = arith.constant dense<0.000000e+00> : vector<1xf32>
    %reduce_sum3A_29 = vector.multi_reduction <add>, %reduce_sum3A, %reduce_sum3A_28 [1, 2] : vector<1x1x128xf32> to vector<1xf32>
    %reduce_sum3A_30 = vector.shape_cast %reduce_sum3A_29 : vector<1xf32> to vector<1x1x1xf32>
    %reduce_sum3A_31 = vector.extract %reduce_sum3A_30[0, 0, 0] : f32 from vector<1x1x1xf32>
    %sqrt3A = math.sqrt %reduce_sum3A_31 : f32
    %mul3A_32 = vector.broadcast %get3A_26 : vector<1x128xf32> to vector<256x128xf32>
    %mul3A_33 = arith.mulf %max3A_23, %mul3A_32 : vector<256x128xf32>
    %reduce_sum3A_34 = arith.constant dense<0.000000e+00> : vector<256xf32>
    %reduce_sum3A_35 = vector.multi_reduction <add>, %mul3A_33, %reduce_sum3A_34 [1] : vector<256x128xf32> to vector<256xf32>
    %broadcast_in_dim3A = vector.shape_cast %reduce_sum3A_35 : vector<256xf32> to vector<256x1xf32>
    %div3A = vector.broadcast %sqrt3A : f32 to vector<256x1xf32>
    %div3A_36 = arith.divf %broadcast_in_dim3A, %div3A : vector<256x1xf32>
    %tanh3A = math.tanh %div3A_36 : vector<256x1xf32>
    %mul3A_37 = vector.broadcast %tanh3A : vector<256x1xf32> to vector<256x128xf32>
    %mul3A_38 = arith.mulf %max3A_23, %mul3A_37 : vector<256x128xf32>
    %swap3A = arith.constant 0 : index
    %swap3A_39 = arith.constant 0 : index
    %swap3A_40 = vector.load %arg6[%swap3A, %swap3A_39] : memref<256x128xf32, #tpu.memory_space<vmem>>, vector<256x128xf32>
    tpu.vector_store %arg6[%swap3A, %swap3A_39], %mul3A_38 {strides = array<i32>} : memref<256x128xf32, #tpu.memory_space<vmem>>, vector<256x128xf32>,
    %swap3A_41 = arith.constant 0 : index
    %swap3A_42 = arith.constant 0 : index
    %swap3A_43 = vector.load %arg7[%swap3A_41, %swap3A_42] : memref<256x1xf32, #tpu.memory_space<vmem>>, vector<256x1xf32>
    tpu.vector_store %arg7[%swap3A_41, %swap3A_42], %tanh3A {strides = array<i32>} : memref<256x1xf32, #tpu.memory_space<vmem>>, vector<256x1xf32>,
    return
  }
  func.func @transform_0(%arg0: i32) -> (i32, i32, i32) {
    %c0_i32 = arith.constant 0 : i32
    %c0_i32_0 = arith.constant 0 : i32
    %c0_i32_1 = arith.constant 0 : i32
    return %c0_i32, %arg0, %c0_i32_0 : i32, i32, i32
  }
  func.func @transform_1(%arg0: i32) -> (i32, i32) {
    %c0_i32 = arith.constant 0 : i32
    %c0_i32_0 = arith.constant 0 : i32
    return %arg0, %c0_i32 : i32, i32
  }
  func.func @transform_2(%arg0: i32) -> (i32, i32) {
    %c0_i32 = arith.constant 0 : i32
    %c0_i32_0 = arith.constant 0 : i32
    return %arg0, %c0_i32 : i32, i32
  }
  func.func @transform_3(%arg0: i32) -> (i32, i32) {
    %c0_i32 = arith.constant 0 : i32
    %c0_i32_0 = arith.constant 0 : i32
    %c0_i32_1 = arith.constant 0 : i32
    return %c0_i32, %c0_i32_0 : i32, i32
  }
  func.func @transform_4(%arg0: i32) -> (i32, i32) {
    %c0_i32 = arith.constant 0 : i32
    %c0_i32_0 = arith.constant 0 : i32
    %c0_i32_1 = arith.constant 0 : i32
    return %c0_i32, %c0_i32_0 : i32, i32
  }
  func.func @transform_5(%arg0: i32) -> (i32, i32) {
    %c0_i32 = arith.constant 0 : i32
    %c0_i32_0 = arith.constant 0 : i32
    return %arg0, %c0_i32 : i32, i32
  }
  func.func @transform_6(%arg0: i32) -> (i32, i32) {
    %c0_i32 = arith.constant 0 : i32
    %c0_i32_0 = arith.constant 0 : i32
    return %arg0, %c0_i32 : i32, i32
  }
}

module attributes {stable_mosaic.version = 14 : i64} {
  func.func @body(%arg0: i32, %arg1: memref<256x128xf32, #tpu.memory_space<vmem>>, %arg2: memref<1x256xi32, #tpu.memory_space<vmem>>, %arg3: memref<1x256xf32, #tpu.memory_space<vmem>>, %arg4: memref<8x1xf32, #tpu.memory_space<vmem>>, %arg5: memref<128x10xf32, #tpu.memory_space<vmem>>, %arg6: memref<1x10xf32, #tpu.memory_space<vmem>>, %arg7: memref<8x10xf32, #tpu.memory_space<vmem>>, %arg8: memref<8x128xf32, #tpu.memory_space<vmem>>) attributes {dimension_semantics = [#tpu.dimension_semantics<arbitrary>], iteration_bounds = array<i64: 40>, scalar_prefetch = 0 : i64, scratch_operands = 1 : i64, tpu.core_type = #tpu.core_type<tc>, window_params = [{transform_indices = @transform_0, window_bounds = array<i64: 256, 128>}, {transform_indices = @transform_1, window_bounds = array<i64: 1, 256>}, {transform_indices = @transform_2, window_bounds = array<i64: 1, 256>}, {pipeline_mode = #tpu.pipeline_mode<synchronous>, transform_indices = @transform_3, window_bounds = array<i64: 8, 1>}, {pipeline_mode = #tpu.pipeline_mode<synchronous>, transform_indices = @transform_4, window_bounds = array<i64: 128, 10>}, {pipeline_mode = #tpu.pipeline_mode<synchronous>, transform_indices = @transform_5, window_bounds = array<i64: 1, 10>}, {pipeline_mode = #tpu.pipeline_mode<synchronous>, transform_indices = @transform_6, window_bounds = array<i64: 8, 10>}]} {
    %eq3A = arith.constant 0 : i32
    %eq3A_0 = arith.cmpi eq, %arg0, %eq3A : i32
    %convert_element_type3A = arith.extui %eq3A_0 : i1 to i32
    %cond3A = arith.constant 0 : i32
    %cond3A_1 = arith.cmpi ne, %convert_element_type3A, %cond3A : i32
    scf.if %cond3A_1 {
      %broadcast_in_dim3A = arith.constant 0.000000e+00 : f32
      %broadcast_in_dim3A_32 = vector.broadcast %broadcast_in_dim3A : f32 to vector<8x128xf32>
      %swap3A_33 = arith.constant 0 : index
      %swap3A_34 = arith.constant 0 : index
      %swap3A_35 = vector.load %arg8[%swap3A_33, %swap3A_34] : memref<8x128xf32, #tpu.memory_space<vmem>>, vector<8x128xf32>
      tpu.vector_store %arg8[%swap3A_33, %swap3A_34], %broadcast_in_dim3A_32 {strides = array<i32>} : memref<8x128xf32, #tpu.memory_space<vmem>>, vector<8x128xf32>,
    } else {
    }
    %get3A = arith.constant 0 : index
    %get3A_2 = arith.constant 0 : index
    %get3A_3 = vector.load %arg4[%get3A, %get3A_2] : memref<8x1xf32, #tpu.memory_space<vmem>>, vector<8x1xf32>
    %mul3A = arith.constant 5.000000e-01 : f32
    %mul3A_4 = vector.broadcast %mul3A : f32 to vector<8x1xf32>
    %mul3A_5 = arith.mulf %mul3A_4, %get3A_3 : vector<8x1xf32>
    %ceil3A = math.ceil %mul3A_5 : vector<8x1xf32>
    %iota3A = tpu.iota {dimensions = array<i32: 0>} : vector<8x256xi32>
    %get3A_6 = arith.constant 0 : index
    %get3A_7 = arith.constant 0 : index
    %get3A_8 = vector.load %arg2[%get3A_6, %get3A_7] : memref<1x256xi32, #tpu.memory_space<vmem>>, vector<1x256xi32>
    %eq3A_9 = vector.broadcast %get3A_8 : vector<1x256xi32> to vector<8x256xi32>
    %eq3A_10 = arith.cmpi eq, %eq3A_9, %iota3A : vector<8x256xi32>
    %get3A_11 = arith.constant 0 : index
    %get3A_12 = arith.constant 0 : index
    %get3A_13 = vector.load %arg3[%get3A_11, %get3A_12] : memref<1x256xf32, #tpu.memory_space<vmem>>, vector<1x256xf32>
    %lt3A = vector.broadcast %get3A_13 : vector<1x256xf32> to vector<8x256xf32>
    %lt3A_14 = vector.broadcast %ceil3A : vector<8x1xf32> to vector<8x256xf32>
    %lt3A_15 = arith.cmpf olt, %lt3A, %lt3A_14 : vector<8x256xf32>
    %and3A = arith.andi %eq3A_10, %lt3A_15 : vector<8x256xi1>
    %convert_element_type3A_16 = arith.extui %and3A : vector<8x256xi1> to vector<8x256xi32>
    %convert_element_type3A_17 = arith.sitofp %convert_element_type3A_16 : vector<8x256xi32> to vector<8x256xf32>
    %get3A_18 = arith.constant 0 : index
    %get3A_19 = arith.constant 0 : index
    %get3A_20 = vector.load %arg8[%get3A_18, %get3A_19] : memref<8x128xf32, #tpu.memory_space<vmem>>, vector<8x128xf32>
    %get3A_21 = arith.constant 0 : index
    %get3A_22 = arith.constant 0 : index
    %get3A_23 = vector.load %arg1[%get3A_21, %get3A_22] : memref<256x128xf32, #tpu.memory_space<vmem>>, vector<256x128xf32>
    %dot_general3A = arith.constant dense<0.000000e+00> : vector<8x128xf32>
    %dot_general3A_24 = tpu.matmul %convert_element_type3A_17, %get3A_23, %dot_general3A {dimension_numbers = #tpu.dot_dimension_numbers<[1], [0], [0], [1], [0, 0, 1, 1], [], []>, transpose_lhs_hint = false} : vector<8x256xf32>, vector<256x128xf32>, vector<8x128xf32> -> vector<8x128xf32>
    %add3A = arith.addf %get3A_20, %dot_general3A_24 : vector<8x128xf32>
    %swap3A = arith.constant 0 : index
    %swap3A_25 = arith.constant 0 : index
    %swap3A_26 = vector.load %arg8[%swap3A, %swap3A_25] : memref<8x128xf32, #tpu.memory_space<vmem>>, vector<8x128xf32>
    tpu.vector_store %arg8[%swap3A, %swap3A_25], %add3A {strides = array<i32>} : memref<8x128xf32, #tpu.memory_space<vmem>>, vector<8x128xf32>,
    %eq3A_27 = arith.constant 39 : i32
    %eq3A_28 = arith.cmpi eq, %arg0, %eq3A_27 : i32
    %convert_element_type3A_29 = arith.extui %eq3A_28 : i1 to i32
    %cond3A_30 = arith.constant 0 : i32
    %cond3A_31 = arith.cmpi ne, %convert_element_type3A_29, %cond3A_30 : i32
    scf.if %cond3A_31 {
      %get3A_32 = arith.constant 0 : index
      %get3A_33 = arith.constant 0 : index
      %get3A_34 = vector.load %arg8[%get3A_32, %get3A_33] : memref<8x128xf32, #tpu.memory_space<vmem>>, vector<8x128xf32>
      %max3A = arith.constant 1.000000e+00 : f32
      %max3A_35 = vector.broadcast %max3A : f32 to vector<8x1xf32>
      %max3A_36 = arith.maximumf %ceil3A, %max3A_35 : vector<8x1xf32>
      %div3A = vector.broadcast %max3A_36 : vector<8x1xf32> to vector<8x128xf32>
      %div3A_37 = arith.divf %get3A_34, %div3A : vector<8x128xf32>
      %get3A_38 = arith.constant 0 : index
      %get3A_39 = arith.constant 0 : index
      %get3A_40 = vector.load %arg5[%get3A_38, %get3A_39] : memref<128x10xf32, #tpu.memory_space<vmem>>, vector<128x10xf32>
      %dot_general3A_41 = arith.constant dense<0.000000e+00> : vector<8x10xf32>
      %dot_general3A_42 = tpu.matmul %div3A_37, %get3A_40, %dot_general3A_41 {dimension_numbers = #tpu.dot_dimension_numbers<[1], [0], [0], [1], [0, 0, 1, 1], [], []>, transpose_lhs_hint = false} : vector<8x128xf32>, vector<128x10xf32>, vector<8x10xf32> -> vector<8x10xf32>
      %get3A_43 = arith.constant 0 : index
      %get3A_44 = arith.constant 0 : index
      %get3A_45 = vector.load %arg6[%get3A_43, %get3A_44] : memref<1x10xf32, #tpu.memory_space<vmem>>, vector<1x10xf32>
      %add3A_46 = vector.broadcast %get3A_45 : vector<1x10xf32> to vector<8x10xf32>
      %add3A_47 = arith.addf %dot_general3A_42, %add3A_46 : vector<8x10xf32>
      %reduce_max3A = arith.constant dense<0xFF800000> : vector<8xf32>
      %reduce_max3A_48 = vector.multi_reduction <maximumf>, %add3A_47, %reduce_max3A [1] : vector<8x10xf32> to vector<8xf32>
      %broadcast_in_dim3A = vector.shape_cast %reduce_max3A_48 : vector<8xf32> to vector<8x1xf32>
      %sub3A = vector.broadcast %broadcast_in_dim3A : vector<8x1xf32> to vector<8x10xf32>
      %sub3A_49 = arith.subf %add3A_47, %sub3A : vector<8x10xf32>
      %exp3A = math.exp %sub3A_49 : vector<8x10xf32>
      %reduce_sum3A = arith.constant dense<0.000000e+00> : vector<8xf32>
      %reduce_sum3A_50 = vector.multi_reduction <add>, %exp3A, %reduce_sum3A [1] : vector<8x10xf32> to vector<8xf32>
      %broadcast_in_dim3A_51 = vector.shape_cast %reduce_sum3A_50 : vector<8xf32> to vector<8x1xf32>
      %log3A = math.log %broadcast_in_dim3A_51 : vector<8x1xf32>
      %add3A_52 = arith.addf %log3A, %broadcast_in_dim3A : vector<8x1xf32>
      %sub3A_53 = vector.broadcast %add3A_52 : vector<8x1xf32> to vector<8x10xf32>
      %sub3A_54 = arith.subf %add3A_47, %sub3A_53 : vector<8x10xf32>
      %swap3A_55 = arith.constant 0 : index
      %swap3A_56 = arith.constant 0 : index
      %swap3A_57 = vector.load %arg7[%swap3A_55, %swap3A_56] : memref<8x10xf32, #tpu.memory_space<vmem>>, vector<8x10xf32>
      tpu.vector_store %arg7[%swap3A_55, %swap3A_56], %sub3A_54 {strides = array<i32>} : memref<8x10xf32, #tpu.memory_space<vmem>>, vector<8x10xf32>,
    } else {
    }
    return
  }
  func.func @transform_0(%arg0: i32) -> (i32, i32) {
    %c0_i32 = arith.constant 0 : i32
    %c0_i32_0 = arith.constant 0 : i32
    return %arg0, %c0_i32 : i32, i32
  }
  func.func @transform_1(%arg0: i32) -> (i32, i32) {
    %c0_i32 = arith.constant 0 : i32
    %c0_i32_0 = arith.constant 0 : i32
    return %c0_i32, %arg0 : i32, i32
  }
  func.func @transform_2(%arg0: i32) -> (i32, i32) {
    %c0_i32 = arith.constant 0 : i32
    %c0_i32_0 = arith.constant 0 : i32
    return %c0_i32, %arg0 : i32, i32
  }
  func.func @transform_3(%arg0: i32) -> (i32, i32) {
    %c0_i32 = arith.constant 0 : i32
    %c0_i32_0 = arith.constant 0 : i32
    %c0_i32_1 = arith.constant 0 : i32
    return %c0_i32, %c0_i32_0 : i32, i32
  }
  func.func @transform_4(%arg0: i32) -> (i32, i32) {
    %c0_i32 = arith.constant 0 : i32
    %c0_i32_0 = arith.constant 0 : i32
    %c0_i32_1 = arith.constant 0 : i32
    return %c0_i32, %c0_i32_0 : i32, i32
  }
  func.func @transform_5(%arg0: i32) -> (i32, i32) {
    %c0_i32 = arith.constant 0 : i32
    %c0_i32_0 = arith.constant 0 : i32
    %c0_i32_1 = arith.constant 0 : i32
    return %c0_i32, %c0_i32_0 : i32, i32
  }
  func.func @transform_6(%arg0: i32) -> (i32, i32) {
    %c0_i32 = arith.constant 0 : i32
    %c0_i32_0 = arith.constant 0 : i32
    %c0_i32_1 = arith.constant 0 : i32
    return %c0_i32, %c0_i32_0 : i32, i32
  }
}

module attributes {stable_mosaic.version = 14 : i64} {
  func.func @body(%arg0: i32, %arg1: memref<512x1xf32, #tpu.memory_space<vmem>>, %arg2: memref<1x10240xf32, #tpu.memory_space<vmem>>, %arg3: memref<512x1xi32, #tpu.memory_space<vmem>>, %arg4: memref<1x10240xi32, #tpu.memory_space<vmem>>, %arg5: memref<512x1xf32, #tpu.memory_space<vmem>>) attributes {dimension_semantics = [#tpu.dimension_semantics<arbitrary>], iteration_bounds = array<i64: 20>, scalar_prefetch = 0 : i64, scratch_operands = 0 : i64, tpu.core_type = #tpu.core_type<tc>, window_params = [{transform_indices = @transform_0, window_bounds = array<i64: 512, 1>}, {pipeline_mode = #tpu.pipeline_mode<synchronous>, transform_indices = @transform_1, window_bounds = array<i64: 1, 10240>}, {transform_indices = @transform_2, window_bounds = array<i64: 512, 1>}, {pipeline_mode = #tpu.pipeline_mode<synchronous>, transform_indices = @transform_3, window_bounds = array<i64: 1, 10240>}, {transform_indices = @transform_4, window_bounds = array<i64: 512, 1>}]} {
    %get3A = arith.constant 0 : index
    %get3A_0 = arith.constant 0 : index
    %get3A_1 = vector.load %arg3[%get3A, %get3A_0] : memref<512x1xi32, #tpu.memory_space<vmem>>, vector<512x1xi32>
    %get3A_2 = arith.constant 0 : index
    %get3A_3 = arith.constant 0 : index
    %get3A_4 = vector.load %arg1[%get3A_2, %get3A_3] : memref<512x1xf32, #tpu.memory_space<vmem>>, vector<512x1xf32>
    %get3A_5 = arith.constant 0 : index
    %get3A_6 = arith.constant 0 : index
    %get3A_7 = vector.load %arg3[%get3A_5, %get3A_6] : memref<512x1xi32, #tpu.memory_space<vmem>>, vector<1x1xi32>
    %get3A_8 = vector.extract %get3A_7[0, 0] : i32 from vector<1x1xi32>
    %get3A_9 = arith.constant 511 : index
    %get3A_10 = arith.constant 0 : index
    %get3A_11 = vector.load %arg3[%get3A_9, %get3A_10] : memref<512x1xi32, #tpu.memory_space<vmem>>, vector<1x1xi32>
    %get3A_12 = vector.extract %get3A_11[0, 0] : i32 from vector<1x1xi32>
    %broadcast_in_dim3A = arith.constant 0.000000e+00 : f32
    %broadcast_in_dim3A_13 = vector.broadcast %broadcast_in_dim3A : f32 to vector<512x1xf32>
    %swap3A = arith.constant 0 : index
    %swap3A_14 = arith.constant 0 : index
    %swap3A_15 = vector.load %arg5[%swap3A, %swap3A_14] : memref<512x1xf32, #tpu.memory_space<vmem>>, vector<512x1xf32>
    tpu.vector_store %arg5[%swap3A, %swap3A_14], %broadcast_in_dim3A_13 {strides = array<i32>} : memref<512x1xf32, #tpu.memory_space<vmem>>, vector<512x1xf32>,
    %get3A_16 = arith.constant 0 : index
    %get3A_17 = arith.constant 0 : index
    %get3A_18 = vector.load %arg4[%get3A_16, %get3A_17] : memref<1x10240xi32, #tpu.memory_space<vmem>>, vector<1x1xi32>
    %get3A_19 = vector.extract %get3A_18[0, 0] : i32 from vector<1x1xi32>
    %get3A_20 = arith.constant 0 : index
    %get3A_21 = arith.constant 1023 : index
    %get3A_22 = vector.load %arg4[%get3A_20, %get3A_21] : memref<1x10240xi32, #tpu.memory_space<vmem>>, vector<1x1xi32>
    %get3A_23 = vector.extract %get3A_22[0, 0] : i32 from vector<1x1xi32>
    %ge3A = arith.cmpi sge, %get3A_12, %get3A_19 : i32
    %le3A = arith.cmpi sle, %get3A_8, %get3A_23 : i32
    %and3A = arith.andi %ge3A, %le3A : i1
    %mul3A = arith.constant 512 : i32
    %mul3A_24 = arith.muli %arg0, %mul3A : i32
    %gt3A = arith.constant 1023 : i32
    %gt3A_25 = arith.cmpi sgt, %mul3A_24, %gt3A : i32
    %mul3A_26 = arith.constant 512 : i32
    %mul3A_27 = arith.muli %arg0, %mul3A_26 : i32
    %add3A = arith.constant 512 : i32
    %add3A_28 = arith.addi %mul3A_27, %add3A : i32
    %sub3A = arith.constant 1 : i32
    %sub3A_29 = arith.subi %add3A_28, %sub3A : i32
    %lt3A = arith.constant 0 : i32
    %lt3A_30 = arith.cmpi slt, %sub3A_29, %lt3A : i32
    %and3A_31 = arith.andi %and3A, %gt3A_25 : i1
    %convert_element_type3A = arith.extui %and3A_31 : i1 to i32
    %cond3A = arith.constant 0 : i32
    %cond3A_32 = arith.cmpi ne, %convert_element_type3A, %cond3A : i32
    scf.if %cond3A_32 {
      %get3A_384 = arith.constant 0 : index
      %get3A_385 = arith.constant 0 : index
      %get3A_386 = vector.load %arg4[%get3A_384, %get3A_385] : memref<1x10240xi32, #tpu.memory_space<vmem>>, vector<1x1024xi32>
      %eq3A = vector.broadcast %get3A_386 : vector<1x1024xi32> to vector<512x1024xi32>
      %eq3A_387 = vector.broadcast %get3A_1 : vector<512x1xi32> to vector<512x1024xi32>
      %eq3A_388 = arith.cmpi eq, %eq3A, %eq3A_387 : vector<512x1024xi32>
      %get3A_389 = arith.constant 0 : index
      %get3A_390 = arith.constant 0 : index
      %get3A_391 = vector.load %arg2[%get3A_389, %get3A_390] : memref<1x10240xf32, #tpu.memory_space<vmem>>, vector<1x1024xf32>
      %ge3A_392 = vector.broadcast %get3A_391 : vector<1x1024xf32> to vector<512x1024xf32>
      %ge3A_393 = vector.broadcast %get3A_4 : vector<512x1xf32> to vector<512x1024xf32>
      %ge3A_394 = arith.cmpf oge, %ge3A_392, %ge3A_393 : vector<512x1024xf32>
      %and3A_395 = arith.andi %eq3A_388, %ge3A_394 : vector<512x1024xi1>
      %get3A_396 = arith.constant 0 : index
      %get3A_397 = arith.constant 0 : index
      %get3A_398 = vector.load %arg5[%get3A_396, %get3A_397] : memref<512x1xf32, #tpu.memory_space<vmem>>, vector<512x1xf32>
      %convert_element_type3A_399 = arith.extui %and3A_395 : vector<512x1024xi1> to vector<512x1024xi32>
      %convert_element_type3A_400 = arith.sitofp %convert_element_type3A_399 : vector<512x1024xi32> to vector<512x1024xf32>
      %reduce_sum3A = arith.constant dense<0.000000e+00> : vector<512xf32>
      %reduce_sum3A_401 = vector.multi_reduction <add>, %convert_element_type3A_400, %reduce_sum3A [1] : vector<512x1024xf32> to vector<512xf32>
      %broadcast_in_dim3A_402 = vector.shape_cast %reduce_sum3A_401 : vector<512xf32> to vector<512x1xf32>
      %add3A_403 = arith.addf %get3A_398, %broadcast_in_dim3A_402 : vector<512x1xf32>
      %swap3A_404 = arith.constant 0 : index
      %swap3A_405 = arith.constant 0 : index
      %swap3A_406 = vector.load %arg5[%swap3A_404, %swap3A_405] : memref<512x1xf32, #tpu.memory_space<vmem>>, vector<512x1xf32>
      tpu.vector_store %arg5[%swap3A_404, %swap3A_405], %add3A_403 {strides = array<i32>} : memref<512x1xf32, #tpu.memory_space<vmem>>, vector<512x1xf32>,
    } else {
    }
    %and3A_33 = arith.andi %and3A, %lt3A_30 : i1
    %convert_element_type3A_34 = arith.extui %and3A_33 : i1 to i32
    %cond3A_35 = arith.constant 0 : i32
    %cond3A_36 = arith.cmpi ne, %convert_element_type3A_34, %cond3A_35 : i32
    scf.if %cond3A_36 {
      %get3A_384 = arith.constant 0 : index
      %get3A_385 = arith.constant 0 : index
      %get3A_386 = vector.load %arg4[%get3A_384, %get3A_385] : memref<1x10240xi32, #tpu.memory_space<vmem>>, vector<1x1024xi32>
      %eq3A = vector.broadcast %get3A_386 : vector<1x1024xi32> to vector<512x1024xi32>
      %eq3A_387 = vector.broadcast %get3A_1 : vector<512x1xi32> to vector<512x1024xi32>
      %eq3A_388 = arith.cmpi eq, %eq3A, %eq3A_387 : vector<512x1024xi32>
      %get3A_389 = arith.constant 0 : index
      %get3A_390 = arith.constant 0 : index
      %get3A_391 = vector.load %arg2[%get3A_389, %get3A_390] : memref<1x10240xf32, #tpu.memory_space<vmem>>, vector<1x1024xf32>
      %gt3A_392 = vector.broadcast %get3A_391 : vector<1x1024xf32> to vector<512x1024xf32>
      %gt3A_393 = vector.broadcast %get3A_4 : vector<512x1xf32> to vector<512x1024xf32>
      %gt3A_394 = arith.cmpf ogt, %gt3A_392, %gt3A_393 : vector<512x1024xf32>
      %and3A_395 = arith.andi %eq3A_388, %gt3A_394 : vector<512x1024xi1>
      %get3A_396 = arith.constant 0 : index
      %get3A_397 = arith.constant 0 : index
      %get3A_398 = vector.load %arg5[%get3A_396, %get3A_397] : memref<512x1xf32, #tpu.memory_space<vmem>>, vector<512x1xf32>
      %convert_element_type3A_399 = arith.extui %and3A_395 : vector<512x1024xi1> to vector<512x1024xi32>
      %convert_element_type3A_400 = arith.sitofp %convert_element_type3A_399 : vector<512x1024xi32> to vector<512x1024xf32>
      %reduce_sum3A = arith.constant dense<0.000000e+00> : vector<512xf32>
      %reduce_sum3A_401 = vector.multi_reduction <add>, %convert_element_type3A_400, %reduce_sum3A [1] : vector<512x1024xf32> to vector<512xf32>
      %broadcast_in_dim3A_402 = vector.shape_cast %reduce_sum3A_401 : vector<512xf32> to vector<512x1xf32>
      %add3A_403 = arith.addf %get3A_398, %broadcast_in_dim3A_402 : vector<512x1xf32>
      %swap3A_404 = arith.constant 0 : index
      %swap3A_405 = arith.constant 0 : index
      %swap3A_406 = vector.load %arg5[%swap3A_404, %swap3A_405] : memref<512x1xf32, #tpu.memory_space<vmem>>, vector<512x1xf32>
      tpu.vector_store %arg5[%swap3A_404, %swap3A_405], %add3A_403 {strides = array<i32>} : memref<512x1xf32, #tpu.memory_space<vmem>>, vector<512x1xf32>,
    } else {
    }
    %or3A = arith.ori %gt3A_25, %lt3A_30 : i1
    %not3A = arith.constant true
    %not3A_37 = arith.xori %or3A, %not3A : i1
    %and3A_38 = arith.andi %and3A, %not3A_37 : i1
    %convert_element_type3A_39 = arith.extui %and3A_38 : i1 to i32
    %cond3A_40 = arith.constant 0 : i32
    %cond3A_41 = arith.cmpi ne, %convert_element_type3A_39, %cond3A_40 : i32
    scf.if %cond3A_41 {
      %get3A_384 = arith.constant 0 : index
      %get3A_385 = arith.constant 0 : index
      %get3A_386 = vector.load %arg2[%get3A_384, %get3A_385] : memref<1x10240xf32, #tpu.memory_space<vmem>>, vector<1x1024xf32>
      %mul3A_387 = arith.constant 512 : i32
      %mul3A_388 = arith.muli %arg0, %mul3A_387 : i32
      %iota3A = tpu.iota {dimensions = array<i32: 0>} : vector<512x1024xi32>
      %add3A_389 = vector.broadcast %mul3A_388 : i32 to vector<512x1024xi32>
      %add3A_390 = arith.addi %add3A_389, %iota3A : vector<512x1024xi32>
      %iota3A_391 = tpu.iota {dimensions = array<i32: 1>} : vector<512x1024xi32>
      %add3A_392 = arith.constant 0 : i32
      %add3A_393 = vector.broadcast %add3A_392 : i32 to vector<512x1024xi32>
      %add3A_394 = arith.addi %add3A_393, %iota3A_391 : vector<512x1024xi32>
      %gt3A_395 = vector.broadcast %get3A_386 : vector<1x1024xf32> to vector<512x1024xf32>
      %gt3A_396 = vector.broadcast %get3A_4 : vector<512x1xf32> to vector<512x1024xf32>
      %gt3A_397 = arith.cmpf ogt, %gt3A_395, %gt3A_396 : vector<512x1024xf32>
      %eq3A = vector.broadcast %get3A_386 : vector<1x1024xf32> to vector<512x1024xf32>
      %eq3A_398 = vector.broadcast %get3A_4 : vector<512x1xf32> to vector<512x1024xf32>
      %eq3A_399 = arith.cmpf oeq, %eq3A, %eq3A_398 : vector<512x1024xf32>
      %lt3A_400 = arith.cmpi slt, %add3A_394, %add3A_390 : vector<512x1024xi32>
      %and3A_401 = arith.andi %eq3A_399, %lt3A_400 : vector<512x1024xi1>
      %or3A_402 = arith.ori %gt3A_397, %and3A_401 : vector<512x1024xi1>
      %get3A_403 = arith.constant 0 : index
      %get3A_404 = arith.constant 0 : index
      %get3A_405 = vector.load %arg4[%get3A_403, %get3A_404] : memref<1x10240xi32, #tpu.memory_space<vmem>>, vector<1x1024xi32>
      %eq3A_406 = vector.broadcast %get3A_405 : vector<1x1024xi32> to vector<512x1024xi32>
      %eq3A_407 = vector.broadcast %get3A_1 : vector<512x1xi32> to vector<512x1024xi32>
      %eq3A_408 = arith.cmpi eq, %eq3A_406, %eq3A_407 : vector<512x1024xi32>
      %and3A_409 = arith.andi %eq3A_408, %or3A_402 : vector<512x1024xi1>
      %get3A_410 = arith.constant 0 : index
      %get3A_411 = arith.constant 0 : index
      %get3A_412 = vector.load %arg5[%get3A_410, %get3A_411] : memref<512x1xf32, #tpu.memory_space<vmem>>, vector<512x1xf32>
      %convert_element_type3A_413 = arith.extui %and3A_409 : vector<512x1024xi1> to vector<512x1024xi32>
      %convert_element_type3A_414 = arith.sitofp %convert_element_type3A_413 : vector<512x1024xi32> to vector<512x1024xf32>
      %reduce_sum3A = arith.constant dense<0.000000e+00> : vector<512xf32>
      %reduce_sum3A_415 = vector.multi_reduction <add>, %convert_element_type3A_414, %reduce_sum3A [1] : vector<512x1024xf32> to vector<512xf32>
      %broadcast_in_dim3A_416 = vector.shape_cast %reduce_sum3A_415 : vector<512xf32> to vector<512x1xf32>
      %add3A_417 = arith.addf %get3A_412, %broadcast_in_dim3A_416 : vector<512x1xf32>
      %swap3A_418 = arith.constant 0 : index
      %swap3A_419 = arith.constant 0 : index
      %swap3A_420 = vector.load %arg5[%swap3A_418, %swap3A_419] : memref<512x1xf32, #tpu.memory_space<vmem>>, vector<512x1xf32>
      tpu.vector_store %arg5[%swap3A_418, %swap3A_419], %add3A_417 {strides = array<i32>} : memref<512x1xf32, #tpu.memory_space<vmem>>, vector<512x1xf32>,
    } else {
    }
    %get3A_42 = arith.constant 0 : index
    %get3A_43 = arith.constant 1024 : index
    %get3A_44 = vector.load %arg4[%get3A_42, %get3A_43] : memref<1x10240xi32, #tpu.memory_space<vmem>>, vector<1x1xi32>
    %get3A_45 = vector.extract %get3A_44[0, 0] : i32 from vector<1x1xi32>
    %get3A_46 = arith.constant 0 : index
    %get3A_47 = arith.constant 2047 : index
    %get3A_48 = vector.load %arg4[%get3A_46, %get3A_47] : memref<1x10240xi32, #tpu.memory_space<vmem>>, vector<1x1xi32>
    %get3A_49 = vector.extract %get3A_48[0, 0] : i32 from vector<1x1xi32>
    %ge3A_50 = arith.cmpi sge, %get3A_12, %get3A_45 : i32
    %le3A_51 = arith.cmpi sle, %get3A_8, %get3A_49 : i32
    %and3A_52 = arith.andi %ge3A_50, %le3A_51 : i1
    %mul3A_53 = arith.constant 512 : i32
    %mul3A_54 = arith.muli %arg0, %mul3A_53 : i32
    %gt3A_55 = arith.constant 2047 : i32
    %gt3A_56 = arith.cmpi sgt, %mul3A_54, %gt3A_55 : i32
    %mul3A_57 = arith.constant 512 : i32
    %mul3A_58 = arith.muli %arg0, %mul3A_57 : i32
    %add3A_59 = arith.constant 512 : i32
    %add3A_60 = arith.addi %mul3A_58, %add3A_59 : i32
    %sub3A_61 = arith.constant 1 : i32
    %sub3A_62 = arith.subi %add3A_60, %sub3A_61 : i32
    %lt3A_63 = arith.constant 1024 : i32
    %lt3A_64 = arith.cmpi slt, %sub3A_62, %lt3A_63 : i32
    %and3A_65 = arith.andi %and3A_52, %gt3A_56 : i1
    %convert_element_type3A_66 = arith.extui %and3A_65 : i1 to i32
    %cond3A_67 = arith.constant 0 : i32
    %cond3A_68 = arith.cmpi ne, %convert_element_type3A_66, %cond3A_67 : i32
    scf.if %cond3A_68 {
      %get3A_384 = arith.constant 0 : index
      %get3A_385 = arith.constant 1024 : index
      %get3A_386 = vector.load %arg4[%get3A_384, %get3A_385] : memref<1x10240xi32, #tpu.memory_space<vmem>>, vector<1x1024xi32>
      %eq3A = vector.broadcast %get3A_386 : vector<1x1024xi32> to vector<512x1024xi32>
      %eq3A_387 = vector.broadcast %get3A_1 : vector<512x1xi32> to vector<512x1024xi32>
      %eq3A_388 = arith.cmpi eq, %eq3A, %eq3A_387 : vector<512x1024xi32>
      %get3A_389 = arith.constant 0 : index
      %get3A_390 = arith.constant 1024 : index
      %get3A_391 = vector.load %arg2[%get3A_389, %get3A_390] : memref<1x10240xf32, #tpu.memory_space<vmem>>, vector<1x1024xf32>
      %ge3A_392 = vector.broadcast %get3A_391 : vector<1x1024xf32> to vector<512x1024xf32>
      %ge3A_393 = vector.broadcast %get3A_4 : vector<512x1xf32> to vector<512x1024xf32>
      %ge3A_394 = arith.cmpf oge, %ge3A_392, %ge3A_393 : vector<512x1024xf32>
      %and3A_395 = arith.andi %eq3A_388, %ge3A_394 : vector<512x1024xi1>
      %get3A_396 = arith.constant 0 : index
      %get3A_397 = arith.constant 0 : index
      %get3A_398 = vector.load %arg5[%get3A_396, %get3A_397] : memref<512x1xf32, #tpu.memory_space<vmem>>, vector<512x1xf32>
      %convert_element_type3A_399 = arith.extui %and3A_395 : vector<512x1024xi1> to vector<512x1024xi32>
      %convert_element_type3A_400 = arith.sitofp %convert_element_type3A_399 : vector<512x1024xi32> to vector<512x1024xf32>
      %reduce_sum3A = arith.constant dense<0.000000e+00> : vector<512xf32>
      %reduce_sum3A_401 = vector.multi_reduction <add>, %convert_element_type3A_400, %reduce_sum3A [1] : vector<512x1024xf32> to vector<512xf32>
      %broadcast_in_dim3A_402 = vector.shape_cast %reduce_sum3A_401 : vector<512xf32> to vector<512x1xf32>
      %add3A_403 = arith.addf %get3A_398, %broadcast_in_dim3A_402 : vector<512x1xf32>
      %swap3A_404 = arith.constant 0 : index
      %swap3A_405 = arith.constant 0 : index
      %swap3A_406 = vector.load %arg5[%swap3A_404, %swap3A_405] : memref<512x1xf32, #tpu.memory_space<vmem>>, vector<512x1xf32>
      tpu.vector_store %arg5[%swap3A_404, %swap3A_405], %add3A_403 {strides = array<i32>} : memref<512x1xf32, #tpu.memory_space<vmem>>, vector<512x1xf32>,
    } else {
    }
    %and3A_69 = arith.andi %and3A_52, %lt3A_64 : i1
    %convert_element_type3A_70 = arith.extui %and3A_69 : i1 to i32
    %cond3A_71 = arith.constant 0 : i32
    %cond3A_72 = arith.cmpi ne, %convert_element_type3A_70, %cond3A_71 : i32
    scf.if %cond3A_72 {
      %get3A_384 = arith.constant 0 : index
      %get3A_385 = arith.constant 1024 : index
      %get3A_386 = vector.load %arg4[%get3A_384, %get3A_385] : memref<1x10240xi32, #tpu.memory_space<vmem>>, vector<1x1024xi32>
      %eq3A = vector.broadcast %get3A_386 : vector<1x1024xi32> to vector<512x1024xi32>
      %eq3A_387 = vector.broadcast %get3A_1 : vector<512x1xi32> to vector<512x1024xi32>
      %eq3A_388 = arith.cmpi eq, %eq3A, %eq3A_387 : vector<512x1024xi32>
      %get3A_389 = arith.constant 0 : index
      %get3A_390 = arith.constant 1024 : index
      %get3A_391 = vector.load %arg2[%get3A_389, %get3A_390] : memref<1x10240xf32, #tpu.memory_space<vmem>>, vector<1x1024xf32>
      %gt3A_392 = vector.broadcast %get3A_391 : vector<1x1024xf32> to vector<512x1024xf32>
      %gt3A_393 = vector.broadcast %get3A_4 : vector<512x1xf32> to vector<512x1024xf32>
      %gt3A_394 = arith.cmpf ogt, %gt3A_392, %gt3A_393 : vector<512x1024xf32>
      %and3A_395 = arith.andi %eq3A_388, %gt3A_394 : vector<512x1024xi1>
      %get3A_396 = arith.constant 0 : index
      %get3A_397 = arith.constant 0 : index
      %get3A_398 = vector.load %arg5[%get3A_396, %get3A_397] : memref<512x1xf32, #tpu.memory_space<vmem>>, vector<512x1xf32>
      %convert_element_type3A_399 = arith.extui %and3A_395 : vector<512x1024xi1> to vector<512x1024xi32>
      %convert_element_type3A_400 = arith.sitofp %convert_element_type3A_399 : vector<512x1024xi32> to vector<512x1024xf32>
      %reduce_sum3A = arith.constant dense<0.000000e+00> : vector<512xf32>
      %reduce_sum3A_401 = vector.multi_reduction <add>, %convert_element_type3A_400, %reduce_sum3A [1] : vector<512x1024xf32> to vector<512xf32>
      %broadcast_in_dim3A_402 = vector.shape_cast %reduce_sum3A_401 : vector<512xf32> to vector<512x1xf32>
      %add3A_403 = arith.addf %get3A_398, %broadcast_in_dim3A_402 : vector<512x1xf32>
      %swap3A_404 = arith.constant 0 : index
      %swap3A_405 = arith.constant 0 : index
      %swap3A_406 = vector.load %arg5[%swap3A_404, %swap3A_405] : memref<512x1xf32, #tpu.memory_space<vmem>>, vector<512x1xf32>
      tpu.vector_store %arg5[%swap3A_404, %swap3A_405], %add3A_403 {strides = array<i32>} : memref<512x1xf32, #tpu.memory_space<vmem>>, vector<512x1xf32>,
    } else {
    }
    %or3A_73 = arith.ori %gt3A_56, %lt3A_64 : i1
    %not3A_74 = arith.constant true
    %not3A_75 = arith.xori %or3A_73, %not3A_74 : i1
    %and3A_76 = arith.andi %and3A_52, %not3A_75 : i1
    %convert_element_type3A_77 = arith.extui %and3A_76 : i1 to i32
    %cond3A_78 = arith.constant 0 : i32
    %cond3A_79 = arith.cmpi ne, %convert_element_type3A_77, %cond3A_78 : i32
    scf.if %cond3A_79 {
      %get3A_384 = arith.constant 0 : index
      %get3A_385 = arith.constant 1024 : index
      %get3A_386 = vector.load %arg2[%get3A_384, %get3A_385] : memref<1x10240xf32, #tpu.memory_space<vmem>>, vector<1x1024xf32>
      %mul3A_387 = arith.constant 512 : i32
      %mul3A_388 = arith.muli %arg0, %mul3A_387 : i32
      %iota3A = tpu.iota {dimensions = array<i32: 0>} : vector<512x1024xi32>
      %add3A_389 = vector.broadcast %mul3A_388 : i32 to vector<512x1024xi32>
      %add3A_390 = arith.addi %add3A_389, %iota3A : vector<512x1024xi32>
      %iota3A_391 = tpu.iota {dimensions = array<i32: 1>} : vector<512x1024xi32>
      %add3A_392 = arith.constant 1024 : i32
      %add3A_393 = vector.broadcast %add3A_392 : i32 to vector<512x1024xi32>
      %add3A_394 = arith.addi %add3A_393, %iota3A_391 : vector<512x1024xi32>
      %gt3A_395 = vector.broadcast %get3A_386 : vector<1x1024xf32> to vector<512x1024xf32>
      %gt3A_396 = vector.broadcast %get3A_4 : vector<512x1xf32> to vector<512x1024xf32>
      %gt3A_397 = arith.cmpf ogt, %gt3A_395, %gt3A_396 : vector<512x1024xf32>
      %eq3A = vector.broadcast %get3A_386 : vector<1x1024xf32> to vector<512x1024xf32>
      %eq3A_398 = vector.broadcast %get3A_4 : vector<512x1xf32> to vector<512x1024xf32>
      %eq3A_399 = arith.cmpf oeq, %eq3A, %eq3A_398 : vector<512x1024xf32>
      %lt3A_400 = arith.cmpi slt, %add3A_394, %add3A_390 : vector<512x1024xi32>
      %and3A_401 = arith.andi %eq3A_399, %lt3A_400 : vector<512x1024xi1>
      %or3A_402 = arith.ori %gt3A_397, %and3A_401 : vector<512x1024xi1>
      %get3A_403 = arith.constant 0 : index
      %get3A_404 = arith.constant 1024 : index
      %get3A_405 = vector.load %arg4[%get3A_403, %get3A_404] : memref<1x10240xi32, #tpu.memory_space<vmem>>, vector<1x1024xi32>
      %eq3A_406 = vector.broadcast %get3A_405 : vector<1x1024xi32> to vector<512x1024xi32>
      %eq3A_407 = vector.broadcast %get3A_1 : vector<512x1xi32> to vector<512x1024xi32>
      %eq3A_408 = arith.cmpi eq, %eq3A_406, %eq3A_407 : vector<512x1024xi32>
      %and3A_409 = arith.andi %eq3A_408, %or3A_402 : vector<512x1024xi1>
      %get3A_410 = arith.constant 0 : index
      %get3A_411 = arith.constant 0 : index
      %get3A_412 = vector.load %arg5[%get3A_410, %get3A_411] : memref<512x1xf32, #tpu.memory_space<vmem>>, vector<512x1xf32>
      %convert_element_type3A_413 = arith.extui %and3A_409 : vector<512x1024xi1> to vector<512x1024xi32>
      %convert_element_type3A_414 = arith.sitofp %convert_element_type3A_413 : vector<512x1024xi32> to vector<512x1024xf32>
      %reduce_sum3A = arith.constant dense<0.000000e+00> : vector<512xf32>
      %reduce_sum3A_415 = vector.multi_reduction <add>, %convert_element_type3A_414, %reduce_sum3A [1] : vector<512x1024xf32> to vector<512xf32>
      %broadcast_in_dim3A_416 = vector.shape_cast %reduce_sum3A_415 : vector<512xf32> to vector<512x1xf32>
      %add3A_417 = arith.addf %get3A_412, %broadcast_in_dim3A_416 : vector<512x1xf32>
      %swap3A_418 = arith.constant 0 : index
      %swap3A_419 = arith.constant 0 : index
      %swap3A_420 = vector.load %arg5[%swap3A_418, %swap3A_419] : memref<512x1xf32, #tpu.memory_space<vmem>>, vector<512x1xf32>
      tpu.vector_store %arg5[%swap3A_418, %swap3A_419], %add3A_417 {strides = array<i32>} : memref<512x1xf32, #tpu.memory_space<vmem>>, vector<512x1xf32>,
    } else {
    }
    %get3A_80 = arith.constant 0 : index
    %get3A_81 = arith.constant 2048 : index
    %get3A_82 = vector.load %arg4[%get3A_80, %get3A_81] : memref<1x10240xi32, #tpu.memory_space<vmem>>, vector<1x1xi32>
    %get3A_83 = vector.extract %get3A_82[0, 0] : i32 from vector<1x1xi32>
    %get3A_84 = arith.constant 0 : index
    %get3A_85 = arith.constant 3071 : index
    %get3A_86 = vector.load %arg4[%get3A_84, %get3A_85] : memref<1x10240xi32, #tpu.memory_space<vmem>>, vector<1x1xi32>
    %get3A_87 = vector.extract %get3A_86[0, 0] : i32 from vector<1x1xi32>
    %ge3A_88 = arith.cmpi sge, %get3A_12, %get3A_83 : i32
    %le3A_89 = arith.cmpi sle, %get3A_8, %get3A_87 : i32
    %and3A_90 = arith.andi %ge3A_88, %le3A_89 : i1
    %mul3A_91 = arith.constant 512 : i32
    %mul3A_92 = arith.muli %arg0, %mul3A_91 : i32
    %gt3A_93 = arith.constant 3071 : i32
    %gt3A_94 = arith.cmpi sgt, %mul3A_92, %gt3A_93 : i32
    %mul3A_95 = arith.constant 512 : i32
    %mul3A_96 = arith.muli %arg0, %mul3A_95 : i32
    %add3A_97 = arith.constant 512 : i32
    %add3A_98 = arith.addi %mul3A_96, %add3A_97 : i32
    %sub3A_99 = arith.constant 1 : i32
    %sub3A_100 = arith.subi %add3A_98, %sub3A_99 : i32
    %lt3A_101 = arith.constant 2048 : i32
    %lt3A_102 = arith.cmpi slt, %sub3A_100, %lt3A_101 : i32
    %and3A_103 = arith.andi %and3A_90, %gt3A_94 : i1
    %convert_element_type3A_104 = arith.extui %and3A_103 : i1 to i32
    %cond3A_105 = arith.constant 0 : i32
    %cond3A_106 = arith.cmpi ne, %convert_element_type3A_104, %cond3A_105 : i32
    scf.if %cond3A_106 {
      %get3A_384 = arith.constant 0 : index
      %get3A_385 = arith.constant 2048 : index
      %get3A_386 = vector.load %arg4[%get3A_384, %get3A_385] : memref<1x10240xi32, #tpu.memory_space<vmem>>, vector<1x1024xi32>
      %eq3A = vector.broadcast %get3A_386 : vector<1x1024xi32> to vector<512x1024xi32>
      %eq3A_387 = vector.broadcast %get3A_1 : vector<512x1xi32> to vector<512x1024xi32>
      %eq3A_388 = arith.cmpi eq, %eq3A, %eq3A_387 : vector<512x1024xi32>
      %get3A_389 = arith.constant 0 : index
      %get3A_390 = arith.constant 2048 : index
      %get3A_391 = vector.load %arg2[%get3A_389, %get3A_390] : memref<1x10240xf32, #tpu.memory_space<vmem>>, vector<1x1024xf32>
      %ge3A_392 = vector.broadcast %get3A_391 : vector<1x1024xf32> to vector<512x1024xf32>
      %ge3A_393 = vector.broadcast %get3A_4 : vector<512x1xf32> to vector<512x1024xf32>
      %ge3A_394 = arith.cmpf oge, %ge3A_392, %ge3A_393 : vector<512x1024xf32>
      %and3A_395 = arith.andi %eq3A_388, %ge3A_394 : vector<512x1024xi1>
      %get3A_396 = arith.constant 0 : index
      %get3A_397 = arith.constant 0 : index
      %get3A_398 = vector.load %arg5[%get3A_396, %get3A_397] : memref<512x1xf32, #tpu.memory_space<vmem>>, vector<512x1xf32>
      %convert_element_type3A_399 = arith.extui %and3A_395 : vector<512x1024xi1> to vector<512x1024xi32>
      %convert_element_type3A_400 = arith.sitofp %convert_element_type3A_399 : vector<512x1024xi32> to vector<512x1024xf32>
      %reduce_sum3A = arith.constant dense<0.000000e+00> : vector<512xf32>
      %reduce_sum3A_401 = vector.multi_reduction <add>, %convert_element_type3A_400, %reduce_sum3A [1] : vector<512x1024xf32> to vector<512xf32>
      %broadcast_in_dim3A_402 = vector.shape_cast %reduce_sum3A_401 : vector<512xf32> to vector<512x1xf32>
      %add3A_403 = arith.addf %get3A_398, %broadcast_in_dim3A_402 : vector<512x1xf32>
      %swap3A_404 = arith.constant 0 : index
      %swap3A_405 = arith.constant 0 : index
      %swap3A_406 = vector.load %arg5[%swap3A_404, %swap3A_405] : memref<512x1xf32, #tpu.memory_space<vmem>>, vector<512x1xf32>
      tpu.vector_store %arg5[%swap3A_404, %swap3A_405], %add3A_403 {strides = array<i32>} : memref<512x1xf32, #tpu.memory_space<vmem>>, vector<512x1xf32>,
    } else {
    }
    %and3A_107 = arith.andi %and3A_90, %lt3A_102 : i1
    %convert_element_type3A_108 = arith.extui %and3A_107 : i1 to i32
    %cond3A_109 = arith.constant 0 : i32
    %cond3A_110 = arith.cmpi ne, %convert_element_type3A_108, %cond3A_109 : i32
    scf.if %cond3A_110 {
      %get3A_384 = arith.constant 0 : index
      %get3A_385 = arith.constant 2048 : index
      %get3A_386 = vector.load %arg4[%get3A_384, %get3A_385] : memref<1x10240xi32, #tpu.memory_space<vmem>>, vector<1x1024xi32>
      %eq3A = vector.broadcast %get3A_386 : vector<1x1024xi32> to vector<512x1024xi32>
      %eq3A_387 = vector.broadcast %get3A_1 : vector<512x1xi32> to vector<512x1024xi32>
      %eq3A_388 = arith.cmpi eq, %eq3A, %eq3A_387 : vector<512x1024xi32>
      %get3A_389 = arith.constant 0 : index
      %get3A_390 = arith.constant 2048 : index
      %get3A_391 = vector.load %arg2[%get3A_389, %get3A_390] : memref<1x10240xf32, #tpu.memory_space<vmem>>, vector<1x1024xf32>
      %gt3A_392 = vector.broadcast %get3A_391 : vector<1x1024xf32> to vector<512x1024xf32>
      %gt3A_393 = vector.broadcast %get3A_4 : vector<512x1xf32> to vector<512x1024xf32>
      %gt3A_394 = arith.cmpf ogt, %gt3A_392, %gt3A_393 : vector<512x1024xf32>
      %and3A_395 = arith.andi %eq3A_388, %gt3A_394 : vector<512x1024xi1>
      %get3A_396 = arith.constant 0 : index
      %get3A_397 = arith.constant 0 : index
      %get3A_398 = vector.load %arg5[%get3A_396, %get3A_397] : memref<512x1xf32, #tpu.memory_space<vmem>>, vector<512x1xf32>
      %convert_element_type3A_399 = arith.extui %and3A_395 : vector<512x1024xi1> to vector<512x1024xi32>
      %convert_element_type3A_400 = arith.sitofp %convert_element_type3A_399 : vector<512x1024xi32> to vector<512x1024xf32>
      %reduce_sum3A = arith.constant dense<0.000000e+00> : vector<512xf32>
      %reduce_sum3A_401 = vector.multi_reduction <add>, %convert_element_type3A_400, %reduce_sum3A [1] : vector<512x1024xf32> to vector<512xf32>
      %broadcast_in_dim3A_402 = vector.shape_cast %reduce_sum3A_401 : vector<512xf32> to vector<512x1xf32>
      %add3A_403 = arith.addf %get3A_398, %broadcast_in_dim3A_402 : vector<512x1xf32>
      %swap3A_404 = arith.constant 0 : index
      %swap3A_405 = arith.constant 0 : index
      %swap3A_406 = vector.load %arg5[%swap3A_404, %swap3A_405] : memref<512x1xf32, #tpu.memory_space<vmem>>, vector<512x1xf32>
      tpu.vector_store %arg5[%swap3A_404, %swap3A_405], %add3A_403 {strides = array<i32>} : memref<512x1xf32, #tpu.memory_space<vmem>>, vector<512x1xf32>,
    } else {
    }
    %or3A_111 = arith.ori %gt3A_94, %lt3A_102 : i1
    %not3A_112 = arith.constant true
    %not3A_113 = arith.xori %or3A_111, %not3A_112 : i1
    %and3A_114 = arith.andi %and3A_90, %not3A_113 : i1
    %convert_element_type3A_115 = arith.extui %and3A_114 : i1 to i32
    %cond3A_116 = arith.constant 0 : i32
    %cond3A_117 = arith.cmpi ne, %convert_element_type3A_115, %cond3A_116 : i32
    scf.if %cond3A_117 {
      %get3A_384 = arith.constant 0 : index
      %get3A_385 = arith.constant 2048 : index
      %get3A_386 = vector.load %arg2[%get3A_384, %get3A_385] : memref<1x10240xf32, #tpu.memory_space<vmem>>, vector<1x1024xf32>
      %mul3A_387 = arith.constant 512 : i32
      %mul3A_388 = arith.muli %arg0, %mul3A_387 : i32
      %iota3A = tpu.iota {dimensions = array<i32: 0>} : vector<512x1024xi32>
      %add3A_389 = vector.broadcast %mul3A_388 : i32 to vector<512x1024xi32>
      %add3A_390 = arith.addi %add3A_389, %iota3A : vector<512x1024xi32>
      %iota3A_391 = tpu.iota {dimensions = array<i32: 1>} : vector<512x1024xi32>
      %add3A_392 = arith.constant 2048 : i32
      %add3A_393 = vector.broadcast %add3A_392 : i32 to vector<512x1024xi32>
      %add3A_394 = arith.addi %add3A_393, %iota3A_391 : vector<512x1024xi32>
      %gt3A_395 = vector.broadcast %get3A_386 : vector<1x1024xf32> to vector<512x1024xf32>
      %gt3A_396 = vector.broadcast %get3A_4 : vector<512x1xf32> to vector<512x1024xf32>
      %gt3A_397 = arith.cmpf ogt, %gt3A_395, %gt3A_396 : vector<512x1024xf32>
      %eq3A = vector.broadcast %get3A_386 : vector<1x1024xf32> to vector<512x1024xf32>
      %eq3A_398 = vector.broadcast %get3A_4 : vector<512x1xf32> to vector<512x1024xf32>
      %eq3A_399 = arith.cmpf oeq, %eq3A, %eq3A_398 : vector<512x1024xf32>
      %lt3A_400 = arith.cmpi slt, %add3A_394, %add3A_390 : vector<512x1024xi32>
      %and3A_401 = arith.andi %eq3A_399, %lt3A_400 : vector<512x1024xi1>
      %or3A_402 = arith.ori %gt3A_397, %and3A_401 : vector<512x1024xi1>
      %get3A_403 = arith.constant 0 : index
      %get3A_404 = arith.constant 2048 : index
      %get3A_405 = vector.load %arg4[%get3A_403, %get3A_404] : memref<1x10240xi32, #tpu.memory_space<vmem>>, vector<1x1024xi32>
      %eq3A_406 = vector.broadcast %get3A_405 : vector<1x1024xi32> to vector<512x1024xi32>
      %eq3A_407 = vector.broadcast %get3A_1 : vector<512x1xi32> to vector<512x1024xi32>
      %eq3A_408 = arith.cmpi eq, %eq3A_406, %eq3A_407 : vector<512x1024xi32>
      %and3A_409 = arith.andi %eq3A_408, %or3A_402 : vector<512x1024xi1>
      %get3A_410 = arith.constant 0 : index
      %get3A_411 = arith.constant 0 : index
      %get3A_412 = vector.load %arg5[%get3A_410, %get3A_411] : memref<512x1xf32, #tpu.memory_space<vmem>>, vector<512x1xf32>
      %convert_element_type3A_413 = arith.extui %and3A_409 : vector<512x1024xi1> to vector<512x1024xi32>
      %convert_element_type3A_414 = arith.sitofp %convert_element_type3A_413 : vector<512x1024xi32> to vector<512x1024xf32>
      %reduce_sum3A = arith.constant dense<0.000000e+00> : vector<512xf32>
      %reduce_sum3A_415 = vector.multi_reduction <add>, %convert_element_type3A_414, %reduce_sum3A [1] : vector<512x1024xf32> to vector<512xf32>
      %broadcast_in_dim3A_416 = vector.shape_cast %reduce_sum3A_415 : vector<512xf32> to vector<512x1xf32>
      %add3A_417 = arith.addf %get3A_412, %broadcast_in_dim3A_416 : vector<512x1xf32>
      %swap3A_418 = arith.constant 0 : index
      %swap3A_419 = arith.constant 0 : index
      %swap3A_420 = vector.load %arg5[%swap3A_418, %swap3A_419] : memref<512x1xf32, #tpu.memory_space<vmem>>, vector<512x1xf32>
      tpu.vector_store %arg5[%swap3A_418, %swap3A_419], %add3A_417 {strides = array<i32>} : memref<512x1xf32, #tpu.memory_space<vmem>>, vector<512x1xf32>,
    } else {
    }
    %get3A_118 = arith.constant 0 : index
    %get3A_119 = arith.constant 3072 : index
    %get3A_120 = vector.load %arg4[%get3A_118, %get3A_119] : memref<1x10240xi32, #tpu.memory_space<vmem>>, vector<1x1xi32>
    %get3A_121 = vector.extract %get3A_120[0, 0] : i32 from vector<1x1xi32>
    %get3A_122 = arith.constant 0 : index
    %get3A_123 = arith.constant 4095 : index
    %get3A_124 = vector.load %arg4[%get3A_122, %get3A_123] : memref<1x10240xi32, #tpu.memory_space<vmem>>, vector<1x1xi32>
    %get3A_125 = vector.extract %get3A_124[0, 0] : i32 from vector<1x1xi32>
    %ge3A_126 = arith.cmpi sge, %get3A_12, %get3A_121 : i32
    %le3A_127 = arith.cmpi sle, %get3A_8, %get3A_125 : i32
    %and3A_128 = arith.andi %ge3A_126, %le3A_127 : i1
    %mul3A_129 = arith.constant 512 : i32
    %mul3A_130 = arith.muli %arg0, %mul3A_129 : i32
    %gt3A_131 = arith.constant 4095 : i32
    %gt3A_132 = arith.cmpi sgt, %mul3A_130, %gt3A_131 : i32
    %mul3A_133 = arith.constant 512 : i32
    %mul3A_134 = arith.muli %arg0, %mul3A_133 : i32
    %add3A_135 = arith.constant 512 : i32
    %add3A_136 = arith.addi %mul3A_134, %add3A_135 : i32
    %sub3A_137 = arith.constant 1 : i32
    %sub3A_138 = arith.subi %add3A_136, %sub3A_137 : i32
    %lt3A_139 = arith.constant 3072 : i32
    %lt3A_140 = arith.cmpi slt, %sub3A_138, %lt3A_139 : i32
    %and3A_141 = arith.andi %and3A_128, %gt3A_132 : i1
    %convert_element_type3A_142 = arith.extui %and3A_141 : i1 to i32
    %cond3A_143 = arith.constant 0 : i32
    %cond3A_144 = arith.cmpi ne, %convert_element_type3A_142, %cond3A_143 : i32
    scf.if %cond3A_144 {
      %get3A_384 = arith.constant 0 : index
      %get3A_385 = arith.constant 3072 : index
      %get3A_386 = vector.load %arg4[%get3A_384, %get3A_385] : memref<1x10240xi32, #tpu.memory_space<vmem>>, vector<1x1024xi32>
      %eq3A = vector.broadcast %get3A_386 : vector<1x1024xi32> to vector<512x1024xi32>
      %eq3A_387 = vector.broadcast %get3A_1 : vector<512x1xi32> to vector<512x1024xi32>
      %eq3A_388 = arith.cmpi eq, %eq3A, %eq3A_387 : vector<512x1024xi32>
      %get3A_389 = arith.constant 0 : index
      %get3A_390 = arith.constant 3072 : index
      %get3A_391 = vector.load %arg2[%get3A_389, %get3A_390] : memref<1x10240xf32, #tpu.memory_space<vmem>>, vector<1x1024xf32>
      %ge3A_392 = vector.broadcast %get3A_391 : vector<1x1024xf32> to vector<512x1024xf32>
      %ge3A_393 = vector.broadcast %get3A_4 : vector<512x1xf32> to vector<512x1024xf32>
      %ge3A_394 = arith.cmpf oge, %ge3A_392, %ge3A_393 : vector<512x1024xf32>
      %and3A_395 = arith.andi %eq3A_388, %ge3A_394 : vector<512x1024xi1>
      %get3A_396 = arith.constant 0 : index
      %get3A_397 = arith.constant 0 : index
      %get3A_398 = vector.load %arg5[%get3A_396, %get3A_397] : memref<512x1xf32, #tpu.memory_space<vmem>>, vector<512x1xf32>
      %convert_element_type3A_399 = arith.extui %and3A_395 : vector<512x1024xi1> to vector<512x1024xi32>
      %convert_element_type3A_400 = arith.sitofp %convert_element_type3A_399 : vector<512x1024xi32> to vector<512x1024xf32>
      %reduce_sum3A = arith.constant dense<0.000000e+00> : vector<512xf32>
      %reduce_sum3A_401 = vector.multi_reduction <add>, %convert_element_type3A_400, %reduce_sum3A [1] : vector<512x1024xf32> to vector<512xf32>
      %broadcast_in_dim3A_402 = vector.shape_cast %reduce_sum3A_401 : vector<512xf32> to vector<512x1xf32>
      %add3A_403 = arith.addf %get3A_398, %broadcast_in_dim3A_402 : vector<512x1xf32>
      %swap3A_404 = arith.constant 0 : index
      %swap3A_405 = arith.constant 0 : index
      %swap3A_406 = vector.load %arg5[%swap3A_404, %swap3A_405] : memref<512x1xf32, #tpu.memory_space<vmem>>, vector<512x1xf32>
      tpu.vector_store %arg5[%swap3A_404, %swap3A_405], %add3A_403 {strides = array<i32>} : memref<512x1xf32, #tpu.memory_space<vmem>>, vector<512x1xf32>,
    } else {
    }
    %and3A_145 = arith.andi %and3A_128, %lt3A_140 : i1
    %convert_element_type3A_146 = arith.extui %and3A_145 : i1 to i32
    %cond3A_147 = arith.constant 0 : i32
    %cond3A_148 = arith.cmpi ne, %convert_element_type3A_146, %cond3A_147 : i32
    scf.if %cond3A_148 {
      %get3A_384 = arith.constant 0 : index
      %get3A_385 = arith.constant 3072 : index
      %get3A_386 = vector.load %arg4[%get3A_384, %get3A_385] : memref<1x10240xi32, #tpu.memory_space<vmem>>, vector<1x1024xi32>
      %eq3A = vector.broadcast %get3A_386 : vector<1x1024xi32> to vector<512x1024xi32>
      %eq3A_387 = vector.broadcast %get3A_1 : vector<512x1xi32> to vector<512x1024xi32>
      %eq3A_388 = arith.cmpi eq, %eq3A, %eq3A_387 : vector<512x1024xi32>
      %get3A_389 = arith.constant 0 : index
      %get3A_390 = arith.constant 3072 : index
      %get3A_391 = vector.load %arg2[%get3A_389, %get3A_390] : memref<1x10240xf32, #tpu.memory_space<vmem>>, vector<1x1024xf32>
      %gt3A_392 = vector.broadcast %get3A_391 : vector<1x1024xf32> to vector<512x1024xf32>
      %gt3A_393 = vector.broadcast %get3A_4 : vector<512x1xf32> to vector<512x1024xf32>
      %gt3A_394 = arith.cmpf ogt, %gt3A_392, %gt3A_393 : vector<512x1024xf32>
      %and3A_395 = arith.andi %eq3A_388, %gt3A_394 : vector<512x1024xi1>
      %get3A_396 = arith.constant 0 : index
      %get3A_397 = arith.constant 0 : index
      %get3A_398 = vector.load %arg5[%get3A_396, %get3A_397] : memref<512x1xf32, #tpu.memory_space<vmem>>, vector<512x1xf32>
      %convert_element_type3A_399 = arith.extui %and3A_395 : vector<512x1024xi1> to vector<512x1024xi32>
      %convert_element_type3A_400 = arith.sitofp %convert_element_type3A_399 : vector<512x1024xi32> to vector<512x1024xf32>
      %reduce_sum3A = arith.constant dense<0.000000e+00> : vector<512xf32>
      %reduce_sum3A_401 = vector.multi_reduction <add>, %convert_element_type3A_400, %reduce_sum3A [1] : vector<512x1024xf32> to vector<512xf32>
      %broadcast_in_dim3A_402 = vector.shape_cast %reduce_sum3A_401 : vector<512xf32> to vector<512x1xf32>
      %add3A_403 = arith.addf %get3A_398, %broadcast_in_dim3A_402 : vector<512x1xf32>
      %swap3A_404 = arith.constant 0 : index
      %swap3A_405 = arith.constant 0 : index
      %swap3A_406 = vector.load %arg5[%swap3A_404, %swap3A_405] : memref<512x1xf32, #tpu.memory_space<vmem>>, vector<512x1xf32>
      tpu.vector_store %arg5[%swap3A_404, %swap3A_405], %add3A_403 {strides = array<i32>} : memref<512x1xf32, #tpu.memory_space<vmem>>, vector<512x1xf32>,
    } else {
    }
    %or3A_149 = arith.ori %gt3A_132, %lt3A_140 : i1
    %not3A_150 = arith.constant true
    %not3A_151 = arith.xori %or3A_149, %not3A_150 : i1
    %and3A_152 = arith.andi %and3A_128, %not3A_151 : i1
    %convert_element_type3A_153 = arith.extui %and3A_152 : i1 to i32
    %cond3A_154 = arith.constant 0 : i32
    %cond3A_155 = arith.cmpi ne, %convert_element_type3A_153, %cond3A_154 : i32
    scf.if %cond3A_155 {
      %get3A_384 = arith.constant 0 : index
      %get3A_385 = arith.constant 3072 : index
      %get3A_386 = vector.load %arg2[%get3A_384, %get3A_385] : memref<1x10240xf32, #tpu.memory_space<vmem>>, vector<1x1024xf32>
      %mul3A_387 = arith.constant 512 : i32
      %mul3A_388 = arith.muli %arg0, %mul3A_387 : i32
      %iota3A = tpu.iota {dimensions = array<i32: 0>} : vector<512x1024xi32>
      %add3A_389 = vector.broadcast %mul3A_388 : i32 to vector<512x1024xi32>
      %add3A_390 = arith.addi %add3A_389, %iota3A : vector<512x1024xi32>
      %iota3A_391 = tpu.iota {dimensions = array<i32: 1>} : vector<512x1024xi32>
      %add3A_392 = arith.constant 3072 : i32
      %add3A_393 = vector.broadcast %add3A_392 : i32 to vector<512x1024xi32>
      %add3A_394 = arith.addi %add3A_393, %iota3A_391 : vector<512x1024xi32>
      %gt3A_395 = vector.broadcast %get3A_386 : vector<1x1024xf32> to vector<512x1024xf32>
      %gt3A_396 = vector.broadcast %get3A_4 : vector<512x1xf32> to vector<512x1024xf32>
      %gt3A_397 = arith.cmpf ogt, %gt3A_395, %gt3A_396 : vector<512x1024xf32>
      %eq3A = vector.broadcast %get3A_386 : vector<1x1024xf32> to vector<512x1024xf32>
      %eq3A_398 = vector.broadcast %get3A_4 : vector<512x1xf32> to vector<512x1024xf32>
      %eq3A_399 = arith.cmpf oeq, %eq3A, %eq3A_398 : vector<512x1024xf32>
      %lt3A_400 = arith.cmpi slt, %add3A_394, %add3A_390 : vector<512x1024xi32>
      %and3A_401 = arith.andi %eq3A_399, %lt3A_400 : vector<512x1024xi1>
      %or3A_402 = arith.ori %gt3A_397, %and3A_401 : vector<512x1024xi1>
      %get3A_403 = arith.constant 0 : index
      %get3A_404 = arith.constant 3072 : index
      %get3A_405 = vector.load %arg4[%get3A_403, %get3A_404] : memref<1x10240xi32, #tpu.memory_space<vmem>>, vector<1x1024xi32>
      %eq3A_406 = vector.broadcast %get3A_405 : vector<1x1024xi32> to vector<512x1024xi32>
      %eq3A_407 = vector.broadcast %get3A_1 : vector<512x1xi32> to vector<512x1024xi32>
      %eq3A_408 = arith.cmpi eq, %eq3A_406, %eq3A_407 : vector<512x1024xi32>
      %and3A_409 = arith.andi %eq3A_408, %or3A_402 : vector<512x1024xi1>
      %get3A_410 = arith.constant 0 : index
      %get3A_411 = arith.constant 0 : index
      %get3A_412 = vector.load %arg5[%get3A_410, %get3A_411] : memref<512x1xf32, #tpu.memory_space<vmem>>, vector<512x1xf32>
      %convert_element_type3A_413 = arith.extui %and3A_409 : vector<512x1024xi1> to vector<512x1024xi32>
      %convert_element_type3A_414 = arith.sitofp %convert_element_type3A_413 : vector<512x1024xi32> to vector<512x1024xf32>
      %reduce_sum3A = arith.constant dense<0.000000e+00> : vector<512xf32>
      %reduce_sum3A_415 = vector.multi_reduction <add>, %convert_element_type3A_414, %reduce_sum3A [1] : vector<512x1024xf32> to vector<512xf32>
      %broadcast_in_dim3A_416 = vector.shape_cast %reduce_sum3A_415 : vector<512xf32> to vector<512x1xf32>
      %add3A_417 = arith.addf %get3A_412, %broadcast_in_dim3A_416 : vector<512x1xf32>
      %swap3A_418 = arith.constant 0 : index
      %swap3A_419 = arith.constant 0 : index
      %swap3A_420 = vector.load %arg5[%swap3A_418, %swap3A_419] : memref<512x1xf32, #tpu.memory_space<vmem>>, vector<512x1xf32>
      tpu.vector_store %arg5[%swap3A_418, %swap3A_419], %add3A_417 {strides = array<i32>} : memref<512x1xf32, #tpu.memory_space<vmem>>, vector<512x1xf32>,
    } else {
    }
    %get3A_156 = arith.constant 0 : index
    %get3A_157 = arith.constant 4096 : index
    %get3A_158 = vector.load %arg4[%get3A_156, %get3A_157] : memref<1x10240xi32, #tpu.memory_space<vmem>>, vector<1x1xi32>
    %get3A_159 = vector.extract %get3A_158[0, 0] : i32 from vector<1x1xi32>
    %get3A_160 = arith.constant 0 : index
    %get3A_161 = arith.constant 5119 : index
    %get3A_162 = vector.load %arg4[%get3A_160, %get3A_161] : memref<1x10240xi32, #tpu.memory_space<vmem>>, vector<1x1xi32>
    %get3A_163 = vector.extract %get3A_162[0, 0] : i32 from vector<1x1xi32>
    %ge3A_164 = arith.cmpi sge, %get3A_12, %get3A_159 : i32
    %le3A_165 = arith.cmpi sle, %get3A_8, %get3A_163 : i32
    %and3A_166 = arith.andi %ge3A_164, %le3A_165 : i1
    %mul3A_167 = arith.constant 512 : i32
    %mul3A_168 = arith.muli %arg0, %mul3A_167 : i32
    %gt3A_169 = arith.constant 5119 : i32
    %gt3A_170 = arith.cmpi sgt, %mul3A_168, %gt3A_169 : i32
    %mul3A_171 = arith.constant 512 : i32
    %mul3A_172 = arith.muli %arg0, %mul3A_171 : i32
    %add3A_173 = arith.constant 512 : i32
    %add3A_174 = arith.addi %mul3A_172, %add3A_173 : i32
    %sub3A_175 = arith.constant 1 : i32
    %sub3A_176 = arith.subi %add3A_174, %sub3A_175 : i32
    %lt3A_177 = arith.constant 4096 : i32
    %lt3A_178 = arith.cmpi slt, %sub3A_176, %lt3A_177 : i32
    %and3A_179 = arith.andi %and3A_166, %gt3A_170 : i1
    %convert_element_type3A_180 = arith.extui %and3A_179 : i1 to i32
    %cond3A_181 = arith.constant 0 : i32
    %cond3A_182 = arith.cmpi ne, %convert_element_type3A_180, %cond3A_181 : i32
    scf.if %cond3A_182 {
      %get3A_384 = arith.constant 0 : index
      %get3A_385 = arith.constant 4096 : index
      %get3A_386 = vector.load %arg4[%get3A_384, %get3A_385] : memref<1x10240xi32, #tpu.memory_space<vmem>>, vector<1x1024xi32>
      %eq3A = vector.broadcast %get3A_386 : vector<1x1024xi32> to vector<512x1024xi32>
      %eq3A_387 = vector.broadcast %get3A_1 : vector<512x1xi32> to vector<512x1024xi32>
      %eq3A_388 = arith.cmpi eq, %eq3A, %eq3A_387 : vector<512x1024xi32>
      %get3A_389 = arith.constant 0 : index
      %get3A_390 = arith.constant 4096 : index
      %get3A_391 = vector.load %arg2[%get3A_389, %get3A_390] : memref<1x10240xf32, #tpu.memory_space<vmem>>, vector<1x1024xf32>
      %ge3A_392 = vector.broadcast %get3A_391 : vector<1x1024xf32> to vector<512x1024xf32>
      %ge3A_393 = vector.broadcast %get3A_4 : vector<512x1xf32> to vector<512x1024xf32>
      %ge3A_394 = arith.cmpf oge, %ge3A_392, %ge3A_393 : vector<512x1024xf32>
      %and3A_395 = arith.andi %eq3A_388, %ge3A_394 : vector<512x1024xi1>
      %get3A_396 = arith.constant 0 : index
      %get3A_397 = arith.constant 0 : index
      %get3A_398 = vector.load %arg5[%get3A_396, %get3A_397] : memref<512x1xf32, #tpu.memory_space<vmem>>, vector<512x1xf32>
      %convert_element_type3A_399 = arith.extui %and3A_395 : vector<512x1024xi1> to vector<512x1024xi32>
      %convert_element_type3A_400 = arith.sitofp %convert_element_type3A_399 : vector<512x1024xi32> to vector<512x1024xf32>
      %reduce_sum3A = arith.constant dense<0.000000e+00> : vector<512xf32>
      %reduce_sum3A_401 = vector.multi_reduction <add>, %convert_element_type3A_400, %reduce_sum3A [1] : vector<512x1024xf32> to vector<512xf32>
      %broadcast_in_dim3A_402 = vector.shape_cast %reduce_sum3A_401 : vector<512xf32> to vector<512x1xf32>
      %add3A_403 = arith.addf %get3A_398, %broadcast_in_dim3A_402 : vector<512x1xf32>
      %swap3A_404 = arith.constant 0 : index
      %swap3A_405 = arith.constant 0 : index
      %swap3A_406 = vector.load %arg5[%swap3A_404, %swap3A_405] : memref<512x1xf32, #tpu.memory_space<vmem>>, vector<512x1xf32>
      tpu.vector_store %arg5[%swap3A_404, %swap3A_405], %add3A_403 {strides = array<i32>} : memref<512x1xf32, #tpu.memory_space<vmem>>, vector<512x1xf32>,
    } else {
    }
    %and3A_183 = arith.andi %and3A_166, %lt3A_178 : i1
    %convert_element_type3A_184 = arith.extui %and3A_183 : i1 to i32
    %cond3A_185 = arith.constant 0 : i32
    %cond3A_186 = arith.cmpi ne, %convert_element_type3A_184, %cond3A_185 : i32
    scf.if %cond3A_186 {
      %get3A_384 = arith.constant 0 : index
      %get3A_385 = arith.constant 4096 : index
      %get3A_386 = vector.load %arg4[%get3A_384, %get3A_385] : memref<1x10240xi32, #tpu.memory_space<vmem>>, vector<1x1024xi32>
      %eq3A = vector.broadcast %get3A_386 : vector<1x1024xi32> to vector<512x1024xi32>
      %eq3A_387 = vector.broadcast %get3A_1 : vector<512x1xi32> to vector<512x1024xi32>
      %eq3A_388 = arith.cmpi eq, %eq3A, %eq3A_387 : vector<512x1024xi32>
      %get3A_389 = arith.constant 0 : index
      %get3A_390 = arith.constant 4096 : index
      %get3A_391 = vector.load %arg2[%get3A_389, %get3A_390] : memref<1x10240xf32, #tpu.memory_space<vmem>>, vector<1x1024xf32>
      %gt3A_392 = vector.broadcast %get3A_391 : vector<1x1024xf32> to vector<512x1024xf32>
      %gt3A_393 = vector.broadcast %get3A_4 : vector<512x1xf32> to vector<512x1024xf32>
      %gt3A_394 = arith.cmpf ogt, %gt3A_392, %gt3A_393 : vector<512x1024xf32>
      %and3A_395 = arith.andi %eq3A_388, %gt3A_394 : vector<512x1024xi1>
      %get3A_396 = arith.constant 0 : index
      %get3A_397 = arith.constant 0 : index
      %get3A_398 = vector.load %arg5[%get3A_396, %get3A_397] : memref<512x1xf32, #tpu.memory_space<vmem>>, vector<512x1xf32>
      %convert_element_type3A_399 = arith.extui %and3A_395 : vector<512x1024xi1> to vector<512x1024xi32>
      %convert_element_type3A_400 = arith.sitofp %convert_element_type3A_399 : vector<512x1024xi32> to vector<512x1024xf32>
      %reduce_sum3A = arith.constant dense<0.000000e+00> : vector<512xf32>
      %reduce_sum3A_401 = vector.multi_reduction <add>, %convert_element_type3A_400, %reduce_sum3A [1] : vector<512x1024xf32> to vector<512xf32>
      %broadcast_in_dim3A_402 = vector.shape_cast %reduce_sum3A_401 : vector<512xf32> to vector<512x1xf32>
      %add3A_403 = arith.addf %get3A_398, %broadcast_in_dim3A_402 : vector<512x1xf32>
      %swap3A_404 = arith.constant 0 : index
      %swap3A_405 = arith.constant 0 : index
      %swap3A_406 = vector.load %arg5[%swap3A_404, %swap3A_405] : memref<512x1xf32, #tpu.memory_space<vmem>>, vector<512x1xf32>
      tpu.vector_store %arg5[%swap3A_404, %swap3A_405], %add3A_403 {strides = array<i32>} : memref<512x1xf32, #tpu.memory_space<vmem>>, vector<512x1xf32>,
    } else {
    }
    %or3A_187 = arith.ori %gt3A_170, %lt3A_178 : i1
    %not3A_188 = arith.constant true
    %not3A_189 = arith.xori %or3A_187, %not3A_188 : i1
    %and3A_190 = arith.andi %and3A_166, %not3A_189 : i1
    %convert_element_type3A_191 = arith.extui %and3A_190 : i1 to i32
    %cond3A_192 = arith.constant 0 : i32
    %cond3A_193 = arith.cmpi ne, %convert_element_type3A_191, %cond3A_192 : i32
    scf.if %cond3A_193 {
      %get3A_384 = arith.constant 0 : index
      %get3A_385 = arith.constant 4096 : index
      %get3A_386 = vector.load %arg2[%get3A_384, %get3A_385] : memref<1x10240xf32, #tpu.memory_space<vmem>>, vector<1x1024xf32>
      %mul3A_387 = arith.constant 512 : i32
      %mul3A_388 = arith.muli %arg0, %mul3A_387 : i32
      %iota3A = tpu.iota {dimensions = array<i32: 0>} : vector<512x1024xi32>
      %add3A_389 = vector.broadcast %mul3A_388 : i32 to vector<512x1024xi32>
      %add3A_390 = arith.addi %add3A_389, %iota3A : vector<512x1024xi32>
      %iota3A_391 = tpu.iota {dimensions = array<i32: 1>} : vector<512x1024xi32>
      %add3A_392 = arith.constant 4096 : i32
      %add3A_393 = vector.broadcast %add3A_392 : i32 to vector<512x1024xi32>
      %add3A_394 = arith.addi %add3A_393, %iota3A_391 : vector<512x1024xi32>
      %gt3A_395 = vector.broadcast %get3A_386 : vector<1x1024xf32> to vector<512x1024xf32>
      %gt3A_396 = vector.broadcast %get3A_4 : vector<512x1xf32> to vector<512x1024xf32>
      %gt3A_397 = arith.cmpf ogt, %gt3A_395, %gt3A_396 : vector<512x1024xf32>
      %eq3A = vector.broadcast %get3A_386 : vector<1x1024xf32> to vector<512x1024xf32>
      %eq3A_398 = vector.broadcast %get3A_4 : vector<512x1xf32> to vector<512x1024xf32>
      %eq3A_399 = arith.cmpf oeq, %eq3A, %eq3A_398 : vector<512x1024xf32>
      %lt3A_400 = arith.cmpi slt, %add3A_394, %add3A_390 : vector<512x1024xi32>
      %and3A_401 = arith.andi %eq3A_399, %lt3A_400 : vector<512x1024xi1>
      %or3A_402 = arith.ori %gt3A_397, %and3A_401 : vector<512x1024xi1>
      %get3A_403 = arith.constant 0 : index
      %get3A_404 = arith.constant 4096 : index
      %get3A_405 = vector.load %arg4[%get3A_403, %get3A_404] : memref<1x10240xi32, #tpu.memory_space<vmem>>, vector<1x1024xi32>
      %eq3A_406 = vector.broadcast %get3A_405 : vector<1x1024xi32> to vector<512x1024xi32>
      %eq3A_407 = vector.broadcast %get3A_1 : vector<512x1xi32> to vector<512x1024xi32>
      %eq3A_408 = arith.cmpi eq, %eq3A_406, %eq3A_407 : vector<512x1024xi32>
      %and3A_409 = arith.andi %eq3A_408, %or3A_402 : vector<512x1024xi1>
      %get3A_410 = arith.constant 0 : index
      %get3A_411 = arith.constant 0 : index
      %get3A_412 = vector.load %arg5[%get3A_410, %get3A_411] : memref<512x1xf32, #tpu.memory_space<vmem>>, vector<512x1xf32>
      %convert_element_type3A_413 = arith.extui %and3A_409 : vector<512x1024xi1> to vector<512x1024xi32>
      %convert_element_type3A_414 = arith.sitofp %convert_element_type3A_413 : vector<512x1024xi32> to vector<512x1024xf32>
      %reduce_sum3A = arith.constant dense<0.000000e+00> : vector<512xf32>
      %reduce_sum3A_415 = vector.multi_reduction <add>, %convert_element_type3A_414, %reduce_sum3A [1] : vector<512x1024xf32> to vector<512xf32>
      %broadcast_in_dim3A_416 = vector.shape_cast %reduce_sum3A_415 : vector<512xf32> to vector<512x1xf32>
      %add3A_417 = arith.addf %get3A_412, %broadcast_in_dim3A_416 : vector<512x1xf32>
      %swap3A_418 = arith.constant 0 : index
      %swap3A_419 = arith.constant 0 : index
      %swap3A_420 = vector.load %arg5[%swap3A_418, %swap3A_419] : memref<512x1xf32, #tpu.memory_space<vmem>>, vector<512x1xf32>
      tpu.vector_store %arg5[%swap3A_418, %swap3A_419], %add3A_417 {strides = array<i32>} : memref<512x1xf32, #tpu.memory_space<vmem>>, vector<512x1xf32>,
    } else {
    }
    %get3A_194 = arith.constant 0 : index
    %get3A_195 = arith.constant 5120 : index
    %get3A_196 = vector.load %arg4[%get3A_194, %get3A_195] : memref<1x10240xi32, #tpu.memory_space<vmem>>, vector<1x1xi32>
    %get3A_197 = vector.extract %get3A_196[0, 0] : i32 from vector<1x1xi32>
    %get3A_198 = arith.constant 0 : index
    %get3A_199 = arith.constant 6143 : index
    %get3A_200 = vector.load %arg4[%get3A_198, %get3A_199] : memref<1x10240xi32, #tpu.memory_space<vmem>>, vector<1x1xi32>
    %get3A_201 = vector.extract %get3A_200[0, 0] : i32 from vector<1x1xi32>
    %ge3A_202 = arith.cmpi sge, %get3A_12, %get3A_197 : i32
    %le3A_203 = arith.cmpi sle, %get3A_8, %get3A_201 : i32
    %and3A_204 = arith.andi %ge3A_202, %le3A_203 : i1
    %mul3A_205 = arith.constant 512 : i32
    %mul3A_206 = arith.muli %arg0, %mul3A_205 : i32
    %gt3A_207 = arith.constant 6143 : i32
    %gt3A_208 = arith.cmpi sgt, %mul3A_206, %gt3A_207 : i32
    %mul3A_209 = arith.constant 512 : i32
    %mul3A_210 = arith.muli %arg0, %mul3A_209 : i32
    %add3A_211 = arith.constant 512 : i32
    %add3A_212 = arith.addi %mul3A_210, %add3A_211 : i32
    %sub3A_213 = arith.constant 1 : i32
    %sub3A_214 = arith.subi %add3A_212, %sub3A_213 : i32
    %lt3A_215 = arith.constant 5120 : i32
    %lt3A_216 = arith.cmpi slt, %sub3A_214, %lt3A_215 : i32
    %and3A_217 = arith.andi %and3A_204, %gt3A_208 : i1
    %convert_element_type3A_218 = arith.extui %and3A_217 : i1 to i32
    %cond3A_219 = arith.constant 0 : i32
    %cond3A_220 = arith.cmpi ne, %convert_element_type3A_218, %cond3A_219 : i32
    scf.if %cond3A_220 {
      %get3A_384 = arith.constant 0 : index
      %get3A_385 = arith.constant 5120 : index
      %get3A_386 = vector.load %arg4[%get3A_384, %get3A_385] : memref<1x10240xi32, #tpu.memory_space<vmem>>, vector<1x1024xi32>
      %eq3A = vector.broadcast %get3A_386 : vector<1x1024xi32> to vector<512x1024xi32>
      %eq3A_387 = vector.broadcast %get3A_1 : vector<512x1xi32> to vector<512x1024xi32>
      %eq3A_388 = arith.cmpi eq, %eq3A, %eq3A_387 : vector<512x1024xi32>
      %get3A_389 = arith.constant 0 : index
      %get3A_390 = arith.constant 5120 : index
      %get3A_391 = vector.load %arg2[%get3A_389, %get3A_390] : memref<1x10240xf32, #tpu.memory_space<vmem>>, vector<1x1024xf32>
      %ge3A_392 = vector.broadcast %get3A_391 : vector<1x1024xf32> to vector<512x1024xf32>
      %ge3A_393 = vector.broadcast %get3A_4 : vector<512x1xf32> to vector<512x1024xf32>
      %ge3A_394 = arith.cmpf oge, %ge3A_392, %ge3A_393 : vector<512x1024xf32>
      %and3A_395 = arith.andi %eq3A_388, %ge3A_394 : vector<512x1024xi1>
      %get3A_396 = arith.constant 0 : index
      %get3A_397 = arith.constant 0 : index
      %get3A_398 = vector.load %arg5[%get3A_396, %get3A_397] : memref<512x1xf32, #tpu.memory_space<vmem>>, vector<512x1xf32>
      %convert_element_type3A_399 = arith.extui %and3A_395 : vector<512x1024xi1> to vector<512x1024xi32>
      %convert_element_type3A_400 = arith.sitofp %convert_element_type3A_399 : vector<512x1024xi32> to vector<512x1024xf32>
      %reduce_sum3A = arith.constant dense<0.000000e+00> : vector<512xf32>
      %reduce_sum3A_401 = vector.multi_reduction <add>, %convert_element_type3A_400, %reduce_sum3A [1] : vector<512x1024xf32> to vector<512xf32>
      %broadcast_in_dim3A_402 = vector.shape_cast %reduce_sum3A_401 : vector<512xf32> to vector<512x1xf32>
      %add3A_403 = arith.addf %get3A_398, %broadcast_in_dim3A_402 : vector<512x1xf32>
      %swap3A_404 = arith.constant 0 : index
      %swap3A_405 = arith.constant 0 : index
      %swap3A_406 = vector.load %arg5[%swap3A_404, %swap3A_405] : memref<512x1xf32, #tpu.memory_space<vmem>>, vector<512x1xf32>
      tpu.vector_store %arg5[%swap3A_404, %swap3A_405], %add3A_403 {strides = array<i32>} : memref<512x1xf32, #tpu.memory_space<vmem>>, vector<512x1xf32>,
    } else {
    }
    %and3A_221 = arith.andi %and3A_204, %lt3A_216 : i1
    %convert_element_type3A_222 = arith.extui %and3A_221 : i1 to i32
    %cond3A_223 = arith.constant 0 : i32
    %cond3A_224 = arith.cmpi ne, %convert_element_type3A_222, %cond3A_223 : i32
    scf.if %cond3A_224 {
      %get3A_384 = arith.constant 0 : index
      %get3A_385 = arith.constant 5120 : index
      %get3A_386 = vector.load %arg4[%get3A_384, %get3A_385] : memref<1x10240xi32, #tpu.memory_space<vmem>>, vector<1x1024xi32>
      %eq3A = vector.broadcast %get3A_386 : vector<1x1024xi32> to vector<512x1024xi32>
      %eq3A_387 = vector.broadcast %get3A_1 : vector<512x1xi32> to vector<512x1024xi32>
      %eq3A_388 = arith.cmpi eq, %eq3A, %eq3A_387 : vector<512x1024xi32>
      %get3A_389 = arith.constant 0 : index
      %get3A_390 = arith.constant 5120 : index
      %get3A_391 = vector.load %arg2[%get3A_389, %get3A_390] : memref<1x10240xf32, #tpu.memory_space<vmem>>, vector<1x1024xf32>
      %gt3A_392 = vector.broadcast %get3A_391 : vector<1x1024xf32> to vector<512x1024xf32>
      %gt3A_393 = vector.broadcast %get3A_4 : vector<512x1xf32> to vector<512x1024xf32>
      %gt3A_394 = arith.cmpf ogt, %gt3A_392, %gt3A_393 : vector<512x1024xf32>
      %and3A_395 = arith.andi %eq3A_388, %gt3A_394 : vector<512x1024xi1>
      %get3A_396 = arith.constant 0 : index
      %get3A_397 = arith.constant 0 : index
      %get3A_398 = vector.load %arg5[%get3A_396, %get3A_397] : memref<512x1xf32, #tpu.memory_space<vmem>>, vector<512x1xf32>
      %convert_element_type3A_399 = arith.extui %and3A_395 : vector<512x1024xi1> to vector<512x1024xi32>
      %convert_element_type3A_400 = arith.sitofp %convert_element_type3A_399 : vector<512x1024xi32> to vector<512x1024xf32>
      %reduce_sum3A = arith.constant dense<0.000000e+00> : vector<512xf32>
      %reduce_sum3A_401 = vector.multi_reduction <add>, %convert_element_type3A_400, %reduce_sum3A [1] : vector<512x1024xf32> to vector<512xf32>
      %broadcast_in_dim3A_402 = vector.shape_cast %reduce_sum3A_401 : vector<512xf32> to vector<512x1xf32>
      %add3A_403 = arith.addf %get3A_398, %broadcast_in_dim3A_402 : vector<512x1xf32>
      %swap3A_404 = arith.constant 0 : index
      %swap3A_405 = arith.constant 0 : index
      %swap3A_406 = vector.load %arg5[%swap3A_404, %swap3A_405] : memref<512x1xf32, #tpu.memory_space<vmem>>, vector<512x1xf32>
      tpu.vector_store %arg5[%swap3A_404, %swap3A_405], %add3A_403 {strides = array<i32>} : memref<512x1xf32, #tpu.memory_space<vmem>>, vector<512x1xf32>,
    } else {
    }
    %or3A_225 = arith.ori %gt3A_208, %lt3A_216 : i1
    %not3A_226 = arith.constant true
    %not3A_227 = arith.xori %or3A_225, %not3A_226 : i1
    %and3A_228 = arith.andi %and3A_204, %not3A_227 : i1
    %convert_element_type3A_229 = arith.extui %and3A_228 : i1 to i32
    %cond3A_230 = arith.constant 0 : i32
    %cond3A_231 = arith.cmpi ne, %convert_element_type3A_229, %cond3A_230 : i32
    scf.if %cond3A_231 {
      %get3A_384 = arith.constant 0 : index
      %get3A_385 = arith.constant 5120 : index
      %get3A_386 = vector.load %arg2[%get3A_384, %get3A_385] : memref<1x10240xf32, #tpu.memory_space<vmem>>, vector<1x1024xf32>
      %mul3A_387 = arith.constant 512 : i32
      %mul3A_388 = arith.muli %arg0, %mul3A_387 : i32
      %iota3A = tpu.iota {dimensions = array<i32: 0>} : vector<512x1024xi32>
      %add3A_389 = vector.broadcast %mul3A_388 : i32 to vector<512x1024xi32>
      %add3A_390 = arith.addi %add3A_389, %iota3A : vector<512x1024xi32>
      %iota3A_391 = tpu.iota {dimensions = array<i32: 1>} : vector<512x1024xi32>
      %add3A_392 = arith.constant 5120 : i32
      %add3A_393 = vector.broadcast %add3A_392 : i32 to vector<512x1024xi32>
      %add3A_394 = arith.addi %add3A_393, %iota3A_391 : vector<512x1024xi32>
      %gt3A_395 = vector.broadcast %get3A_386 : vector<1x1024xf32> to vector<512x1024xf32>
      %gt3A_396 = vector.broadcast %get3A_4 : vector<512x1xf32> to vector<512x1024xf32>
      %gt3A_397 = arith.cmpf ogt, %gt3A_395, %gt3A_396 : vector<512x1024xf32>
      %eq3A = vector.broadcast %get3A_386 : vector<1x1024xf32> to vector<512x1024xf32>
      %eq3A_398 = vector.broadcast %get3A_4 : vector<512x1xf32> to vector<512x1024xf32>
      %eq3A_399 = arith.cmpf oeq, %eq3A, %eq3A_398 : vector<512x1024xf32>
      %lt3A_400 = arith.cmpi slt, %add3A_394, %add3A_390 : vector<512x1024xi32>
      %and3A_401 = arith.andi %eq3A_399, %lt3A_400 : vector<512x1024xi1>
      %or3A_402 = arith.ori %gt3A_397, %and3A_401 : vector<512x1024xi1>
      %get3A_403 = arith.constant 0 : index
      %get3A_404 = arith.constant 5120 : index
      %get3A_405 = vector.load %arg4[%get3A_403, %get3A_404] : memref<1x10240xi32, #tpu.memory_space<vmem>>, vector<1x1024xi32>
      %eq3A_406 = vector.broadcast %get3A_405 : vector<1x1024xi32> to vector<512x1024xi32>
      %eq3A_407 = vector.broadcast %get3A_1 : vector<512x1xi32> to vector<512x1024xi32>
      %eq3A_408 = arith.cmpi eq, %eq3A_406, %eq3A_407 : vector<512x1024xi32>
      %and3A_409 = arith.andi %eq3A_408, %or3A_402 : vector<512x1024xi1>
      %get3A_410 = arith.constant 0 : index
      %get3A_411 = arith.constant 0 : index
      %get3A_412 = vector.load %arg5[%get3A_410, %get3A_411] : memref<512x1xf32, #tpu.memory_space<vmem>>, vector<512x1xf32>
      %convert_element_type3A_413 = arith.extui %and3A_409 : vector<512x1024xi1> to vector<512x1024xi32>
      %convert_element_type3A_414 = arith.sitofp %convert_element_type3A_413 : vector<512x1024xi32> to vector<512x1024xf32>
      %reduce_sum3A = arith.constant dense<0.000000e+00> : vector<512xf32>
      %reduce_sum3A_415 = vector.multi_reduction <add>, %convert_element_type3A_414, %reduce_sum3A [1] : vector<512x1024xf32> to vector<512xf32>
      %broadcast_in_dim3A_416 = vector.shape_cast %reduce_sum3A_415 : vector<512xf32> to vector<512x1xf32>
      %add3A_417 = arith.addf %get3A_412, %broadcast_in_dim3A_416 : vector<512x1xf32>
      %swap3A_418 = arith.constant 0 : index
      %swap3A_419 = arith.constant 0 : index
      %swap3A_420 = vector.load %arg5[%swap3A_418, %swap3A_419] : memref<512x1xf32, #tpu.memory_space<vmem>>, vector<512x1xf32>
      tpu.vector_store %arg5[%swap3A_418, %swap3A_419], %add3A_417 {strides = array<i32>} : memref<512x1xf32, #tpu.memory_space<vmem>>, vector<512x1xf32>,
    } else {
    }
    %get3A_232 = arith.constant 0 : index
    %get3A_233 = arith.constant 6144 : index
    %get3A_234 = vector.load %arg4[%get3A_232, %get3A_233] : memref<1x10240xi32, #tpu.memory_space<vmem>>, vector<1x1xi32>
    %get3A_235 = vector.extract %get3A_234[0, 0] : i32 from vector<1x1xi32>
    %get3A_236 = arith.constant 0 : index
    %get3A_237 = arith.constant 7167 : index
    %get3A_238 = vector.load %arg4[%get3A_236, %get3A_237] : memref<1x10240xi32, #tpu.memory_space<vmem>>, vector<1x1xi32>
    %get3A_239 = vector.extract %get3A_238[0, 0] : i32 from vector<1x1xi32>
    %ge3A_240 = arith.cmpi sge, %get3A_12, %get3A_235 : i32
    %le3A_241 = arith.cmpi sle, %get3A_8, %get3A_239 : i32
    %and3A_242 = arith.andi %ge3A_240, %le3A_241 : i1
    %mul3A_243 = arith.constant 512 : i32
    %mul3A_244 = arith.muli %arg0, %mul3A_243 : i32
    %gt3A_245 = arith.constant 7167 : i32
    %gt3A_246 = arith.cmpi sgt, %mul3A_244, %gt3A_245 : i32
    %mul3A_247 = arith.constant 512 : i32
    %mul3A_248 = arith.muli %arg0, %mul3A_247 : i32
    %add3A_249 = arith.constant 512 : i32
    %add3A_250 = arith.addi %mul3A_248, %add3A_249 : i32
    %sub3A_251 = arith.constant 1 : i32
    %sub3A_252 = arith.subi %add3A_250, %sub3A_251 : i32
    %lt3A_253 = arith.constant 6144 : i32
    %lt3A_254 = arith.cmpi slt, %sub3A_252, %lt3A_253 : i32
    %and3A_255 = arith.andi %and3A_242, %gt3A_246 : i1
    %convert_element_type3A_256 = arith.extui %and3A_255 : i1 to i32
    %cond3A_257 = arith.constant 0 : i32
    %cond3A_258 = arith.cmpi ne, %convert_element_type3A_256, %cond3A_257 : i32
    scf.if %cond3A_258 {
      %get3A_384 = arith.constant 0 : index
      %get3A_385 = arith.constant 6144 : index
      %get3A_386 = vector.load %arg4[%get3A_384, %get3A_385] : memref<1x10240xi32, #tpu.memory_space<vmem>>, vector<1x1024xi32>
      %eq3A = vector.broadcast %get3A_386 : vector<1x1024xi32> to vector<512x1024xi32>
      %eq3A_387 = vector.broadcast %get3A_1 : vector<512x1xi32> to vector<512x1024xi32>
      %eq3A_388 = arith.cmpi eq, %eq3A, %eq3A_387 : vector<512x1024xi32>
      %get3A_389 = arith.constant 0 : index
      %get3A_390 = arith.constant 6144 : index
      %get3A_391 = vector.load %arg2[%get3A_389, %get3A_390] : memref<1x10240xf32, #tpu.memory_space<vmem>>, vector<1x1024xf32>
      %ge3A_392 = vector.broadcast %get3A_391 : vector<1x1024xf32> to vector<512x1024xf32>
      %ge3A_393 = vector.broadcast %get3A_4 : vector<512x1xf32> to vector<512x1024xf32>
      %ge3A_394 = arith.cmpf oge, %ge3A_392, %ge3A_393 : vector<512x1024xf32>
      %and3A_395 = arith.andi %eq3A_388, %ge3A_394 : vector<512x1024xi1>
      %get3A_396 = arith.constant 0 : index
      %get3A_397 = arith.constant 0 : index
      %get3A_398 = vector.load %arg5[%get3A_396, %get3A_397] : memref<512x1xf32, #tpu.memory_space<vmem>>, vector<512x1xf32>
      %convert_element_type3A_399 = arith.extui %and3A_395 : vector<512x1024xi1> to vector<512x1024xi32>
      %convert_element_type3A_400 = arith.sitofp %convert_element_type3A_399 : vector<512x1024xi32> to vector<512x1024xf32>
      %reduce_sum3A = arith.constant dense<0.000000e+00> : vector<512xf32>
      %reduce_sum3A_401 = vector.multi_reduction <add>, %convert_element_type3A_400, %reduce_sum3A [1] : vector<512x1024xf32> to vector<512xf32>
      %broadcast_in_dim3A_402 = vector.shape_cast %reduce_sum3A_401 : vector<512xf32> to vector<512x1xf32>
      %add3A_403 = arith.addf %get3A_398, %broadcast_in_dim3A_402 : vector<512x1xf32>
      %swap3A_404 = arith.constant 0 : index
      %swap3A_405 = arith.constant 0 : index
      %swap3A_406 = vector.load %arg5[%swap3A_404, %swap3A_405] : memref<512x1xf32, #tpu.memory_space<vmem>>, vector<512x1xf32>
      tpu.vector_store %arg5[%swap3A_404, %swap3A_405], %add3A_403 {strides = array<i32>} : memref<512x1xf32, #tpu.memory_space<vmem>>, vector<512x1xf32>,
    } else {
    }
    %and3A_259 = arith.andi %and3A_242, %lt3A_254 : i1
    %convert_element_type3A_260 = arith.extui %and3A_259 : i1 to i32
    %cond3A_261 = arith.constant 0 : i32
    %cond3A_262 = arith.cmpi ne, %convert_element_type3A_260, %cond3A_261 : i32
    scf.if %cond3A_262 {
      %get3A_384 = arith.constant 0 : index
      %get3A_385 = arith.constant 6144 : index
      %get3A_386 = vector.load %arg4[%get3A_384, %get3A_385] : memref<1x10240xi32, #tpu.memory_space<vmem>>, vector<1x1024xi32>
      %eq3A = vector.broadcast %get3A_386 : vector<1x1024xi32> to vector<512x1024xi32>
      %eq3A_387 = vector.broadcast %get3A_1 : vector<512x1xi32> to vector<512x1024xi32>
      %eq3A_388 = arith.cmpi eq, %eq3A, %eq3A_387 : vector<512x1024xi32>
      %get3A_389 = arith.constant 0 : index
      %get3A_390 = arith.constant 6144 : index
      %get3A_391 = vector.load %arg2[%get3A_389, %get3A_390] : memref<1x10240xf32, #tpu.memory_space<vmem>>, vector<1x1024xf32>
      %gt3A_392 = vector.broadcast %get3A_391 : vector<1x1024xf32> to vector<512x1024xf32>
      %gt3A_393 = vector.broadcast %get3A_4 : vector<512x1xf32> to vector<512x1024xf32>
      %gt3A_394 = arith.cmpf ogt, %gt3A_392, %gt3A_393 : vector<512x1024xf32>
      %and3A_395 = arith.andi %eq3A_388, %gt3A_394 : vector<512x1024xi1>
      %get3A_396 = arith.constant 0 : index
      %get3A_397 = arith.constant 0 : index
      %get3A_398 = vector.load %arg5[%get3A_396, %get3A_397] : memref<512x1xf32, #tpu.memory_space<vmem>>, vector<512x1xf32>
      %convert_element_type3A_399 = arith.extui %and3A_395 : vector<512x1024xi1> to vector<512x1024xi32>
      %convert_element_type3A_400 = arith.sitofp %convert_element_type3A_399 : vector<512x1024xi32> to vector<512x1024xf32>
      %reduce_sum3A = arith.constant dense<0.000000e+00> : vector<512xf32>
      %reduce_sum3A_401 = vector.multi_reduction <add>, %convert_element_type3A_400, %reduce_sum3A [1] : vector<512x1024xf32> to vector<512xf32>
      %broadcast_in_dim3A_402 = vector.shape_cast %reduce_sum3A_401 : vector<512xf32> to vector<512x1xf32>
      %add3A_403 = arith.addf %get3A_398, %broadcast_in_dim3A_402 : vector<512x1xf32>
      %swap3A_404 = arith.constant 0 : index
      %swap3A_405 = arith.constant 0 : index
      %swap3A_406 = vector.load %arg5[%swap3A_404, %swap3A_405] : memref<512x1xf32, #tpu.memory_space<vmem>>, vector<512x1xf32>
      tpu.vector_store %arg5[%swap3A_404, %swap3A_405], %add3A_403 {strides = array<i32>} : memref<512x1xf32, #tpu.memory_space<vmem>>, vector<512x1xf32>,
    } else {
    }
    %or3A_263 = arith.ori %gt3A_246, %lt3A_254 : i1
    %not3A_264 = arith.constant true
    %not3A_265 = arith.xori %or3A_263, %not3A_264 : i1
    %and3A_266 = arith.andi %and3A_242, %not3A_265 : i1
    %convert_element_type3A_267 = arith.extui %and3A_266 : i1 to i32
    %cond3A_268 = arith.constant 0 : i32
    %cond3A_269 = arith.cmpi ne, %convert_element_type3A_267, %cond3A_268 : i32
    scf.if %cond3A_269 {
      %get3A_384 = arith.constant 0 : index
      %get3A_385 = arith.constant 6144 : index
      %get3A_386 = vector.load %arg2[%get3A_384, %get3A_385] : memref<1x10240xf32, #tpu.memory_space<vmem>>, vector<1x1024xf32>
      %mul3A_387 = arith.constant 512 : i32
      %mul3A_388 = arith.muli %arg0, %mul3A_387 : i32
      %iota3A = tpu.iota {dimensions = array<i32: 0>} : vector<512x1024xi32>
      %add3A_389 = vector.broadcast %mul3A_388 : i32 to vector<512x1024xi32>
      %add3A_390 = arith.addi %add3A_389, %iota3A : vector<512x1024xi32>
      %iota3A_391 = tpu.iota {dimensions = array<i32: 1>} : vector<512x1024xi32>
      %add3A_392 = arith.constant 6144 : i32
      %add3A_393 = vector.broadcast %add3A_392 : i32 to vector<512x1024xi32>
      %add3A_394 = arith.addi %add3A_393, %iota3A_391 : vector<512x1024xi32>
      %gt3A_395 = vector.broadcast %get3A_386 : vector<1x1024xf32> to vector<512x1024xf32>
      %gt3A_396 = vector.broadcast %get3A_4 : vector<512x1xf32> to vector<512x1024xf32>
      %gt3A_397 = arith.cmpf ogt, %gt3A_395, %gt3A_396 : vector<512x1024xf32>
      %eq3A = vector.broadcast %get3A_386 : vector<1x1024xf32> to vector<512x1024xf32>
      %eq3A_398 = vector.broadcast %get3A_4 : vector<512x1xf32> to vector<512x1024xf32>
      %eq3A_399 = arith.cmpf oeq, %eq3A, %eq3A_398 : vector<512x1024xf32>
      %lt3A_400 = arith.cmpi slt, %add3A_394, %add3A_390 : vector<512x1024xi32>
      %and3A_401 = arith.andi %eq3A_399, %lt3A_400 : vector<512x1024xi1>
      %or3A_402 = arith.ori %gt3A_397, %and3A_401 : vector<512x1024xi1>
      %get3A_403 = arith.constant 0 : index
      %get3A_404 = arith.constant 6144 : index
      %get3A_405 = vector.load %arg4[%get3A_403, %get3A_404] : memref<1x10240xi32, #tpu.memory_space<vmem>>, vector<1x1024xi32>
      %eq3A_406 = vector.broadcast %get3A_405 : vector<1x1024xi32> to vector<512x1024xi32>
      %eq3A_407 = vector.broadcast %get3A_1 : vector<512x1xi32> to vector<512x1024xi32>
      %eq3A_408 = arith.cmpi eq, %eq3A_406, %eq3A_407 : vector<512x1024xi32>
      %and3A_409 = arith.andi %eq3A_408, %or3A_402 : vector<512x1024xi1>
      %get3A_410 = arith.constant 0 : index
      %get3A_411 = arith.constant 0 : index
      %get3A_412 = vector.load %arg5[%get3A_410, %get3A_411] : memref<512x1xf32, #tpu.memory_space<vmem>>, vector<512x1xf32>
      %convert_element_type3A_413 = arith.extui %and3A_409 : vector<512x1024xi1> to vector<512x1024xi32>
      %convert_element_type3A_414 = arith.sitofp %convert_element_type3A_413 : vector<512x1024xi32> to vector<512x1024xf32>
      %reduce_sum3A = arith.constant dense<0.000000e+00> : vector<512xf32>
      %reduce_sum3A_415 = vector.multi_reduction <add>, %convert_element_type3A_414, %reduce_sum3A [1] : vector<512x1024xf32> to vector<512xf32>
      %broadcast_in_dim3A_416 = vector.shape_cast %reduce_sum3A_415 : vector<512xf32> to vector<512x1xf32>
      %add3A_417 = arith.addf %get3A_412, %broadcast_in_dim3A_416 : vector<512x1xf32>
      %swap3A_418 = arith.constant 0 : index
      %swap3A_419 = arith.constant 0 : index
      %swap3A_420 = vector.load %arg5[%swap3A_418, %swap3A_419] : memref<512x1xf32, #tpu.memory_space<vmem>>, vector<512x1xf32>
      tpu.vector_store %arg5[%swap3A_418, %swap3A_419], %add3A_417 {strides = array<i32>} : memref<512x1xf32, #tpu.memory_space<vmem>>, vector<512x1xf32>,
    } else {
    }
    %get3A_270 = arith.constant 0 : index
    %get3A_271 = arith.constant 7168 : index
    %get3A_272 = vector.load %arg4[%get3A_270, %get3A_271] : memref<1x10240xi32, #tpu.memory_space<vmem>>, vector<1x1xi32>
    %get3A_273 = vector.extract %get3A_272[0, 0] : i32 from vector<1x1xi32>
    %get3A_274 = arith.constant 0 : index
    %get3A_275 = arith.constant 8191 : index
    %get3A_276 = vector.load %arg4[%get3A_274, %get3A_275] : memref<1x10240xi32, #tpu.memory_space<vmem>>, vector<1x1xi32>
    %get3A_277 = vector.extract %get3A_276[0, 0] : i32 from vector<1x1xi32>
    %ge3A_278 = arith.cmpi sge, %get3A_12, %get3A_273 : i32
    %le3A_279 = arith.cmpi sle, %get3A_8, %get3A_277 : i32
    %and3A_280 = arith.andi %ge3A_278, %le3A_279 : i1
    %mul3A_281 = arith.constant 512 : i32
    %mul3A_282 = arith.muli %arg0, %mul3A_281 : i32
    %gt3A_283 = arith.constant 8191 : i32
    %gt3A_284 = arith.cmpi sgt, %mul3A_282, %gt3A_283 : i32
    %mul3A_285 = arith.constant 512 : i32
    %mul3A_286 = arith.muli %arg0, %mul3A_285 : i32
    %add3A_287 = arith.constant 512 : i32
    %add3A_288 = arith.addi %mul3A_286, %add3A_287 : i32
    %sub3A_289 = arith.constant 1 : i32
    %sub3A_290 = arith.subi %add3A_288, %sub3A_289 : i32
    %lt3A_291 = arith.constant 7168 : i32
    %lt3A_292 = arith.cmpi slt, %sub3A_290, %lt3A_291 : i32
    %and3A_293 = arith.andi %and3A_280, %gt3A_284 : i1
    %convert_element_type3A_294 = arith.extui %and3A_293 : i1 to i32
    %cond3A_295 = arith.constant 0 : i32
    %cond3A_296 = arith.cmpi ne, %convert_element_type3A_294, %cond3A_295 : i32
    scf.if %cond3A_296 {
      %get3A_384 = arith.constant 0 : index
      %get3A_385 = arith.constant 7168 : index
      %get3A_386 = vector.load %arg4[%get3A_384, %get3A_385] : memref<1x10240xi32, #tpu.memory_space<vmem>>, vector<1x1024xi32>
      %eq3A = vector.broadcast %get3A_386 : vector<1x1024xi32> to vector<512x1024xi32>
      %eq3A_387 = vector.broadcast %get3A_1 : vector<512x1xi32> to vector<512x1024xi32>
      %eq3A_388 = arith.cmpi eq, %eq3A, %eq3A_387 : vector<512x1024xi32>
      %get3A_389 = arith.constant 0 : index
      %get3A_390 = arith.constant 7168 : index
      %get3A_391 = vector.load %arg2[%get3A_389, %get3A_390] : memref<1x10240xf32, #tpu.memory_space<vmem>>, vector<1x1024xf32>
      %ge3A_392 = vector.broadcast %get3A_391 : vector<1x1024xf32> to vector<512x1024xf32>
      %ge3A_393 = vector.broadcast %get3A_4 : vector<512x1xf32> to vector<512x1024xf32>
      %ge3A_394 = arith.cmpf oge, %ge3A_392, %ge3A_393 : vector<512x1024xf32>
      %and3A_395 = arith.andi %eq3A_388, %ge3A_394 : vector<512x1024xi1>
      %get3A_396 = arith.constant 0 : index
      %get3A_397 = arith.constant 0 : index
      %get3A_398 = vector.load %arg5[%get3A_396, %get3A_397] : memref<512x1xf32, #tpu.memory_space<vmem>>, vector<512x1xf32>
      %convert_element_type3A_399 = arith.extui %and3A_395 : vector<512x1024xi1> to vector<512x1024xi32>
      %convert_element_type3A_400 = arith.sitofp %convert_element_type3A_399 : vector<512x1024xi32> to vector<512x1024xf32>
      %reduce_sum3A = arith.constant dense<0.000000e+00> : vector<512xf32>
      %reduce_sum3A_401 = vector.multi_reduction <add>, %convert_element_type3A_400, %reduce_sum3A [1] : vector<512x1024xf32> to vector<512xf32>
      %broadcast_in_dim3A_402 = vector.shape_cast %reduce_sum3A_401 : vector<512xf32> to vector<512x1xf32>
      %add3A_403 = arith.addf %get3A_398, %broadcast_in_dim3A_402 : vector<512x1xf32>
      %swap3A_404 = arith.constant 0 : index
      %swap3A_405 = arith.constant 0 : index
      %swap3A_406 = vector.load %arg5[%swap3A_404, %swap3A_405] : memref<512x1xf32, #tpu.memory_space<vmem>>, vector<512x1xf32>
      tpu.vector_store %arg5[%swap3A_404, %swap3A_405], %add3A_403 {strides = array<i32>} : memref<512x1xf32, #tpu.memory_space<vmem>>, vector<512x1xf32>,
    } else {
    }
    %and3A_297 = arith.andi %and3A_280, %lt3A_292 : i1
    %convert_element_type3A_298 = arith.extui %and3A_297 : i1 to i32
    %cond3A_299 = arith.constant 0 : i32
    %cond3A_300 = arith.cmpi ne, %convert_element_type3A_298, %cond3A_299 : i32
    scf.if %cond3A_300 {
      %get3A_384 = arith.constant 0 : index
      %get3A_385 = arith.constant 7168 : index
      %get3A_386 = vector.load %arg4[%get3A_384, %get3A_385] : memref<1x10240xi32, #tpu.memory_space<vmem>>, vector<1x1024xi32>
      %eq3A = vector.broadcast %get3A_386 : vector<1x1024xi32> to vector<512x1024xi32>
      %eq3A_387 = vector.broadcast %get3A_1 : vector<512x1xi32> to vector<512x1024xi32>
      %eq3A_388 = arith.cmpi eq, %eq3A, %eq3A_387 : vector<512x1024xi32>
      %get3A_389 = arith.constant 0 : index
      %get3A_390 = arith.constant 7168 : index
      %get3A_391 = vector.load %arg2[%get3A_389, %get3A_390] : memref<1x10240xf32, #tpu.memory_space<vmem>>, vector<1x1024xf32>
      %gt3A_392 = vector.broadcast %get3A_391 : vector<1x1024xf32> to vector<512x1024xf32>
      %gt3A_393 = vector.broadcast %get3A_4 : vector<512x1xf32> to vector<512x1024xf32>
      %gt3A_394 = arith.cmpf ogt, %gt3A_392, %gt3A_393 : vector<512x1024xf32>
      %and3A_395 = arith.andi %eq3A_388, %gt3A_394 : vector<512x1024xi1>
      %get3A_396 = arith.constant 0 : index
      %get3A_397 = arith.constant 0 : index
      %get3A_398 = vector.load %arg5[%get3A_396, %get3A_397] : memref<512x1xf32, #tpu.memory_space<vmem>>, vector<512x1xf32>
      %convert_element_type3A_399 = arith.extui %and3A_395 : vector<512x1024xi1> to vector<512x1024xi32>
      %convert_element_type3A_400 = arith.sitofp %convert_element_type3A_399 : vector<512x1024xi32> to vector<512x1024xf32>
      %reduce_sum3A = arith.constant dense<0.000000e+00> : vector<512xf32>
      %reduce_sum3A_401 = vector.multi_reduction <add>, %convert_element_type3A_400, %reduce_sum3A [1] : vector<512x1024xf32> to vector<512xf32>
      %broadcast_in_dim3A_402 = vector.shape_cast %reduce_sum3A_401 : vector<512xf32> to vector<512x1xf32>
      %add3A_403 = arith.addf %get3A_398, %broadcast_in_dim3A_402 : vector<512x1xf32>
      %swap3A_404 = arith.constant 0 : index
      %swap3A_405 = arith.constant 0 : index
      %swap3A_406 = vector.load %arg5[%swap3A_404, %swap3A_405] : memref<512x1xf32, #tpu.memory_space<vmem>>, vector<512x1xf32>
      tpu.vector_store %arg5[%swap3A_404, %swap3A_405], %add3A_403 {strides = array<i32>} : memref<512x1xf32, #tpu.memory_space<vmem>>, vector<512x1xf32>,
    } else {
    }
    %or3A_301 = arith.ori %gt3A_284, %lt3A_292 : i1
    %not3A_302 = arith.constant true
    %not3A_303 = arith.xori %or3A_301, %not3A_302 : i1
    %and3A_304 = arith.andi %and3A_280, %not3A_303 : i1
    %convert_element_type3A_305 = arith.extui %and3A_304 : i1 to i32
    %cond3A_306 = arith.constant 0 : i32
    %cond3A_307 = arith.cmpi ne, %convert_element_type3A_305, %cond3A_306 : i32
    scf.if %cond3A_307 {
      %get3A_384 = arith.constant 0 : index
      %get3A_385 = arith.constant 7168 : index
      %get3A_386 = vector.load %arg2[%get3A_384, %get3A_385] : memref<1x10240xf32, #tpu.memory_space<vmem>>, vector<1x1024xf32>
      %mul3A_387 = arith.constant 512 : i32
      %mul3A_388 = arith.muli %arg0, %mul3A_387 : i32
      %iota3A = tpu.iota {dimensions = array<i32: 0>} : vector<512x1024xi32>
      %add3A_389 = vector.broadcast %mul3A_388 : i32 to vector<512x1024xi32>
      %add3A_390 = arith.addi %add3A_389, %iota3A : vector<512x1024xi32>
      %iota3A_391 = tpu.iota {dimensions = array<i32: 1>} : vector<512x1024xi32>
      %add3A_392 = arith.constant 7168 : i32
      %add3A_393 = vector.broadcast %add3A_392 : i32 to vector<512x1024xi32>
      %add3A_394 = arith.addi %add3A_393, %iota3A_391 : vector<512x1024xi32>
      %gt3A_395 = vector.broadcast %get3A_386 : vector<1x1024xf32> to vector<512x1024xf32>
      %gt3A_396 = vector.broadcast %get3A_4 : vector<512x1xf32> to vector<512x1024xf32>
      %gt3A_397 = arith.cmpf ogt, %gt3A_395, %gt3A_396 : vector<512x1024xf32>
      %eq3A = vector.broadcast %get3A_386 : vector<1x1024xf32> to vector<512x1024xf32>
      %eq3A_398 = vector.broadcast %get3A_4 : vector<512x1xf32> to vector<512x1024xf32>
      %eq3A_399 = arith.cmpf oeq, %eq3A, %eq3A_398 : vector<512x1024xf32>
      %lt3A_400 = arith.cmpi slt, %add3A_394, %add3A_390 : vector<512x1024xi32>
      %and3A_401 = arith.andi %eq3A_399, %lt3A_400 : vector<512x1024xi1>
      %or3A_402 = arith.ori %gt3A_397, %and3A_401 : vector<512x1024xi1>
      %get3A_403 = arith.constant 0 : index
      %get3A_404 = arith.constant 7168 : index
      %get3A_405 = vector.load %arg4[%get3A_403, %get3A_404] : memref<1x10240xi32, #tpu.memory_space<vmem>>, vector<1x1024xi32>
      %eq3A_406 = vector.broadcast %get3A_405 : vector<1x1024xi32> to vector<512x1024xi32>
      %eq3A_407 = vector.broadcast %get3A_1 : vector<512x1xi32> to vector<512x1024xi32>
      %eq3A_408 = arith.cmpi eq, %eq3A_406, %eq3A_407 : vector<512x1024xi32>
      %and3A_409 = arith.andi %eq3A_408, %or3A_402 : vector<512x1024xi1>
      %get3A_410 = arith.constant 0 : index
      %get3A_411 = arith.constant 0 : index
      %get3A_412 = vector.load %arg5[%get3A_410, %get3A_411] : memref<512x1xf32, #tpu.memory_space<vmem>>, vector<512x1xf32>
      %convert_element_type3A_413 = arith.extui %and3A_409 : vector<512x1024xi1> to vector<512x1024xi32>
      %convert_element_type3A_414 = arith.sitofp %convert_element_type3A_413 : vector<512x1024xi32> to vector<512x1024xf32>
      %reduce_sum3A = arith.constant dense<0.000000e+00> : vector<512xf32>
      %reduce_sum3A_415 = vector.multi_reduction <add>, %convert_element_type3A_414, %reduce_sum3A [1] : vector<512x1024xf32> to vector<512xf32>
      %broadcast_in_dim3A_416 = vector.shape_cast %reduce_sum3A_415 : vector<512xf32> to vector<512x1xf32>
      %add3A_417 = arith.addf %get3A_412, %broadcast_in_dim3A_416 : vector<512x1xf32>
      %swap3A_418 = arith.constant 0 : index
      %swap3A_419 = arith.constant 0 : index
      %swap3A_420 = vector.load %arg5[%swap3A_418, %swap3A_419] : memref<512x1xf32, #tpu.memory_space<vmem>>, vector<512x1xf32>
      tpu.vector_store %arg5[%swap3A_418, %swap3A_419], %add3A_417 {strides = array<i32>} : memref<512x1xf32, #tpu.memory_space<vmem>>, vector<512x1xf32>,
    } else {
    }
    %get3A_308 = arith.constant 0 : index
    %get3A_309 = arith.constant 8192 : index
    %get3A_310 = vector.load %arg4[%get3A_308, %get3A_309] : memref<1x10240xi32, #tpu.memory_space<vmem>>, vector<1x1xi32>
    %get3A_311 = vector.extract %get3A_310[0, 0] : i32 from vector<1x1xi32>
    %get3A_312 = arith.constant 0 : index
    %get3A_313 = arith.constant 9215 : index
    %get3A_314 = vector.load %arg4[%get3A_312, %get3A_313] : memref<1x10240xi32, #tpu.memory_space<vmem>>, vector<1x1xi32>
    %get3A_315 = vector.extract %get3A_314[0, 0] : i32 from vector<1x1xi32>
    %ge3A_316 = arith.cmpi sge, %get3A_12, %get3A_311 : i32
    %le3A_317 = arith.cmpi sle, %get3A_8, %get3A_315 : i32
    %and3A_318 = arith.andi %ge3A_316, %le3A_317 : i1
    %mul3A_319 = arith.constant 512 : i32
    %mul3A_320 = arith.muli %arg0, %mul3A_319 : i32
    %gt3A_321 = arith.constant 9215 : i32
    %gt3A_322 = arith.cmpi sgt, %mul3A_320, %gt3A_321 : i32
    %mul3A_323 = arith.constant 512 : i32
    %mul3A_324 = arith.muli %arg0, %mul3A_323 : i32
    %add3A_325 = arith.constant 512 : i32
    %add3A_326 = arith.addi %mul3A_324, %add3A_325 : i32
    %sub3A_327 = arith.constant 1 : i32
    %sub3A_328 = arith.subi %add3A_326, %sub3A_327 : i32
    %lt3A_329 = arith.constant 8192 : i32
    %lt3A_330 = arith.cmpi slt, %sub3A_328, %lt3A_329 : i32
    %and3A_331 = arith.andi %and3A_318, %gt3A_322 : i1
    %convert_element_type3A_332 = arith.extui %and3A_331 : i1 to i32
    %cond3A_333 = arith.constant 0 : i32
    %cond3A_334 = arith.cmpi ne, %convert_element_type3A_332, %cond3A_333 : i32
    scf.if %cond3A_334 {
      %get3A_384 = arith.constant 0 : index
      %get3A_385 = arith.constant 8192 : index
      %get3A_386 = vector.load %arg4[%get3A_384, %get3A_385] : memref<1x10240xi32, #tpu.memory_space<vmem>>, vector<1x1024xi32>
      %eq3A = vector.broadcast %get3A_386 : vector<1x1024xi32> to vector<512x1024xi32>
      %eq3A_387 = vector.broadcast %get3A_1 : vector<512x1xi32> to vector<512x1024xi32>
      %eq3A_388 = arith.cmpi eq, %eq3A, %eq3A_387 : vector<512x1024xi32>
      %get3A_389 = arith.constant 0 : index
      %get3A_390 = arith.constant 8192 : index
      %get3A_391 = vector.load %arg2[%get3A_389, %get3A_390] : memref<1x10240xf32, #tpu.memory_space<vmem>>, vector<1x1024xf32>
      %ge3A_392 = vector.broadcast %get3A_391 : vector<1x1024xf32> to vector<512x1024xf32>
      %ge3A_393 = vector.broadcast %get3A_4 : vector<512x1xf32> to vector<512x1024xf32>
      %ge3A_394 = arith.cmpf oge, %ge3A_392, %ge3A_393 : vector<512x1024xf32>
      %and3A_395 = arith.andi %eq3A_388, %ge3A_394 : vector<512x1024xi1>
      %get3A_396 = arith.constant 0 : index
      %get3A_397 = arith.constant 0 : index
      %get3A_398 = vector.load %arg5[%get3A_396, %get3A_397] : memref<512x1xf32, #tpu.memory_space<vmem>>, vector<512x1xf32>
      %convert_element_type3A_399 = arith.extui %and3A_395 : vector<512x1024xi1> to vector<512x1024xi32>
      %convert_element_type3A_400 = arith.sitofp %convert_element_type3A_399 : vector<512x1024xi32> to vector<512x1024xf32>
      %reduce_sum3A = arith.constant dense<0.000000e+00> : vector<512xf32>
      %reduce_sum3A_401 = vector.multi_reduction <add>, %convert_element_type3A_400, %reduce_sum3A [1] : vector<512x1024xf32> to vector<512xf32>
      %broadcast_in_dim3A_402 = vector.shape_cast %reduce_sum3A_401 : vector<512xf32> to vector<512x1xf32>
      %add3A_403 = arith.addf %get3A_398, %broadcast_in_dim3A_402 : vector<512x1xf32>
      %swap3A_404 = arith.constant 0 : index
      %swap3A_405 = arith.constant 0 : index
      %swap3A_406 = vector.load %arg5[%swap3A_404, %swap3A_405] : memref<512x1xf32, #tpu.memory_space<vmem>>, vector<512x1xf32>
      tpu.vector_store %arg5[%swap3A_404, %swap3A_405], %add3A_403 {strides = array<i32>} : memref<512x1xf32, #tpu.memory_space<vmem>>, vector<512x1xf32>,
    } else {
    }
    %and3A_335 = arith.andi %and3A_318, %lt3A_330 : i1
    %convert_element_type3A_336 = arith.extui %and3A_335 : i1 to i32
    %cond3A_337 = arith.constant 0 : i32
    %cond3A_338 = arith.cmpi ne, %convert_element_type3A_336, %cond3A_337 : i32
    scf.if %cond3A_338 {
      %get3A_384 = arith.constant 0 : index
      %get3A_385 = arith.constant 8192 : index
      %get3A_386 = vector.load %arg4[%get3A_384, %get3A_385] : memref<1x10240xi32, #tpu.memory_space<vmem>>, vector<1x1024xi32>
      %eq3A = vector.broadcast %get3A_386 : vector<1x1024xi32> to vector<512x1024xi32>
      %eq3A_387 = vector.broadcast %get3A_1 : vector<512x1xi32> to vector<512x1024xi32>
      %eq3A_388 = arith.cmpi eq, %eq3A, %eq3A_387 : vector<512x1024xi32>
      %get3A_389 = arith.constant 0 : index
      %get3A_390 = arith.constant 8192 : index
      %get3A_391 = vector.load %arg2[%get3A_389, %get3A_390] : memref<1x10240xf32, #tpu.memory_space<vmem>>, vector<1x1024xf32>
      %gt3A_392 = vector.broadcast %get3A_391 : vector<1x1024xf32> to vector<512x1024xf32>
      %gt3A_393 = vector.broadcast %get3A_4 : vector<512x1xf32> to vector<512x1024xf32>
      %gt3A_394 = arith.cmpf ogt, %gt3A_392, %gt3A_393 : vector<512x1024xf32>
      %and3A_395 = arith.andi %eq3A_388, %gt3A_394 : vector<512x1024xi1>
      %get3A_396 = arith.constant 0 : index
      %get3A_397 = arith.constant 0 : index
      %get3A_398 = vector.load %arg5[%get3A_396, %get3A_397] : memref<512x1xf32, #tpu.memory_space<vmem>>, vector<512x1xf32>
      %convert_element_type3A_399 = arith.extui %and3A_395 : vector<512x1024xi1> to vector<512x1024xi32>
      %convert_element_type3A_400 = arith.sitofp %convert_element_type3A_399 : vector<512x1024xi32> to vector<512x1024xf32>
      %reduce_sum3A = arith.constant dense<0.000000e+00> : vector<512xf32>
      %reduce_sum3A_401 = vector.multi_reduction <add>, %convert_element_type3A_400, %reduce_sum3A [1] : vector<512x1024xf32> to vector<512xf32>
      %broadcast_in_dim3A_402 = vector.shape_cast %reduce_sum3A_401 : vector<512xf32> to vector<512x1xf32>
      %add3A_403 = arith.addf %get3A_398, %broadcast_in_dim3A_402 : vector<512x1xf32>
      %swap3A_404 = arith.constant 0 : index
      %swap3A_405 = arith.constant 0 : index
      %swap3A_406 = vector.load %arg5[%swap3A_404, %swap3A_405] : memref<512x1xf32, #tpu.memory_space<vmem>>, vector<512x1xf32>
      tpu.vector_store %arg5[%swap3A_404, %swap3A_405], %add3A_403 {strides = array<i32>} : memref<512x1xf32, #tpu.memory_space<vmem>>, vector<512x1xf32>,
    } else {
    }
    %or3A_339 = arith.ori %gt3A_322, %lt3A_330 : i1
    %not3A_340 = arith.constant true
    %not3A_341 = arith.xori %or3A_339, %not3A_340 : i1
    %and3A_342 = arith.andi %and3A_318, %not3A_341 : i1
    %convert_element_type3A_343 = arith.extui %and3A_342 : i1 to i32
    %cond3A_344 = arith.constant 0 : i32
    %cond3A_345 = arith.cmpi ne, %convert_element_type3A_343, %cond3A_344 : i32
    scf.if %cond3A_345 {
      %get3A_384 = arith.constant 0 : index
      %get3A_385 = arith.constant 8192 : index
      %get3A_386 = vector.load %arg2[%get3A_384, %get3A_385] : memref<1x10240xf32, #tpu.memory_space<vmem>>, vector<1x1024xf32>
      %mul3A_387 = arith.constant 512 : i32
      %mul3A_388 = arith.muli %arg0, %mul3A_387 : i32
      %iota3A = tpu.iota {dimensions = array<i32: 0>} : vector<512x1024xi32>
      %add3A_389 = vector.broadcast %mul3A_388 : i32 to vector<512x1024xi32>
      %add3A_390 = arith.addi %add3A_389, %iota3A : vector<512x1024xi32>
      %iota3A_391 = tpu.iota {dimensions = array<i32: 1>} : vector<512x1024xi32>
      %add3A_392 = arith.constant 8192 : i32
      %add3A_393 = vector.broadcast %add3A_392 : i32 to vector<512x1024xi32>
      %add3A_394 = arith.addi %add3A_393, %iota3A_391 : vector<512x1024xi32>
      %gt3A_395 = vector.broadcast %get3A_386 : vector<1x1024xf32> to vector<512x1024xf32>
      %gt3A_396 = vector.broadcast %get3A_4 : vector<512x1xf32> to vector<512x1024xf32>
      %gt3A_397 = arith.cmpf ogt, %gt3A_395, %gt3A_396 : vector<512x1024xf32>
      %eq3A = vector.broadcast %get3A_386 : vector<1x1024xf32> to vector<512x1024xf32>
      %eq3A_398 = vector.broadcast %get3A_4 : vector<512x1xf32> to vector<512x1024xf32>
      %eq3A_399 = arith.cmpf oeq, %eq3A, %eq3A_398 : vector<512x1024xf32>
      %lt3A_400 = arith.cmpi slt, %add3A_394, %add3A_390 : vector<512x1024xi32>
      %and3A_401 = arith.andi %eq3A_399, %lt3A_400 : vector<512x1024xi1>
      %or3A_402 = arith.ori %gt3A_397, %and3A_401 : vector<512x1024xi1>
      %get3A_403 = arith.constant 0 : index
      %get3A_404 = arith.constant 8192 : index
      %get3A_405 = vector.load %arg4[%get3A_403, %get3A_404] : memref<1x10240xi32, #tpu.memory_space<vmem>>, vector<1x1024xi32>
      %eq3A_406 = vector.broadcast %get3A_405 : vector<1x1024xi32> to vector<512x1024xi32>
      %eq3A_407 = vector.broadcast %get3A_1 : vector<512x1xi32> to vector<512x1024xi32>
      %eq3A_408 = arith.cmpi eq, %eq3A_406, %eq3A_407 : vector<512x1024xi32>
      %and3A_409 = arith.andi %eq3A_408, %or3A_402 : vector<512x1024xi1>
      %get3A_410 = arith.constant 0 : index
      %get3A_411 = arith.constant 0 : index
      %get3A_412 = vector.load %arg5[%get3A_410, %get3A_411] : memref<512x1xf32, #tpu.memory_space<vmem>>, vector<512x1xf32>
      %convert_element_type3A_413 = arith.extui %and3A_409 : vector<512x1024xi1> to vector<512x1024xi32>
      %convert_element_type3A_414 = arith.sitofp %convert_element_type3A_413 : vector<512x1024xi32> to vector<512x1024xf32>
      %reduce_sum3A = arith.constant dense<0.000000e+00> : vector<512xf32>
      %reduce_sum3A_415 = vector.multi_reduction <add>, %convert_element_type3A_414, %reduce_sum3A [1] : vector<512x1024xf32> to vector<512xf32>
      %broadcast_in_dim3A_416 = vector.shape_cast %reduce_sum3A_415 : vector<512xf32> to vector<512x1xf32>
      %add3A_417 = arith.addf %get3A_412, %broadcast_in_dim3A_416 : vector<512x1xf32>
      %swap3A_418 = arith.constant 0 : index
      %swap3A_419 = arith.constant 0 : index
      %swap3A_420 = vector.load %arg5[%swap3A_418, %swap3A_419] : memref<512x1xf32, #tpu.memory_space<vmem>>, vector<512x1xf32>
      tpu.vector_store %arg5[%swap3A_418, %swap3A_419], %add3A_417 {strides = array<i32>} : memref<512x1xf32, #tpu.memory_space<vmem>>, vector<512x1xf32>,
    } else {
    }
    %get3A_346 = arith.constant 0 : index
    %get3A_347 = arith.constant 9216 : index
    %get3A_348 = vector.load %arg4[%get3A_346, %get3A_347] : memref<1x10240xi32, #tpu.memory_space<vmem>>, vector<1x1xi32>
    %get3A_349 = vector.extract %get3A_348[0, 0] : i32 from vector<1x1xi32>
    %get3A_350 = arith.constant 0 : index
    %get3A_351 = arith.constant 10239 : index
    %get3A_352 = vector.load %arg4[%get3A_350, %get3A_351] : memref<1x10240xi32, #tpu.memory_space<vmem>>, vector<1x1xi32>
    %get3A_353 = vector.extract %get3A_352[0, 0] : i32 from vector<1x1xi32>
    %ge3A_354 = arith.cmpi sge, %get3A_12, %get3A_349 : i32
    %le3A_355 = arith.cmpi sle, %get3A_8, %get3A_353 : i32
    %and3A_356 = arith.andi %ge3A_354, %le3A_355 : i1
    %mul3A_357 = arith.constant 512 : i32
    %mul3A_358 = arith.muli %arg0, %mul3A_357 : i32
    %gt3A_359 = arith.constant 10239 : i32
    %gt3A_360 = arith.cmpi sgt, %mul3A_358, %gt3A_359 : i32
    %mul3A_361 = arith.constant 512 : i32
    %mul3A_362 = arith.muli %arg0, %mul3A_361 : i32
    %add3A_363 = arith.constant 512 : i32
    %add3A_364 = arith.addi %mul3A_362, %add3A_363 : i32
    %sub3A_365 = arith.constant 1 : i32
    %sub3A_366 = arith.subi %add3A_364, %sub3A_365 : i32
    %lt3A_367 = arith.constant 9216 : i32
    %lt3A_368 = arith.cmpi slt, %sub3A_366, %lt3A_367 : i32
    %and3A_369 = arith.andi %and3A_356, %gt3A_360 : i1
    %convert_element_type3A_370 = arith.extui %and3A_369 : i1 to i32
    %cond3A_371 = arith.constant 0 : i32
    %cond3A_372 = arith.cmpi ne, %convert_element_type3A_370, %cond3A_371 : i32
    scf.if %cond3A_372 {
      %get3A_384 = arith.constant 0 : index
      %get3A_385 = arith.constant 9216 : index
      %get3A_386 = vector.load %arg4[%get3A_384, %get3A_385] : memref<1x10240xi32, #tpu.memory_space<vmem>>, vector<1x1024xi32>
      %eq3A = vector.broadcast %get3A_386 : vector<1x1024xi32> to vector<512x1024xi32>
      %eq3A_387 = vector.broadcast %get3A_1 : vector<512x1xi32> to vector<512x1024xi32>
      %eq3A_388 = arith.cmpi eq, %eq3A, %eq3A_387 : vector<512x1024xi32>
      %get3A_389 = arith.constant 0 : index
      %get3A_390 = arith.constant 9216 : index
      %get3A_391 = vector.load %arg2[%get3A_389, %get3A_390] : memref<1x10240xf32, #tpu.memory_space<vmem>>, vector<1x1024xf32>
      %ge3A_392 = vector.broadcast %get3A_391 : vector<1x1024xf32> to vector<512x1024xf32>
      %ge3A_393 = vector.broadcast %get3A_4 : vector<512x1xf32> to vector<512x1024xf32>
      %ge3A_394 = arith.cmpf oge, %ge3A_392, %ge3A_393 : vector<512x1024xf32>
      %and3A_395 = arith.andi %eq3A_388, %ge3A_394 : vector<512x1024xi1>
      %get3A_396 = arith.constant 0 : index
      %get3A_397 = arith.constant 0 : index
      %get3A_398 = vector.load %arg5[%get3A_396, %get3A_397] : memref<512x1xf32, #tpu.memory_space<vmem>>, vector<512x1xf32>
      %convert_element_type3A_399 = arith.extui %and3A_395 : vector<512x1024xi1> to vector<512x1024xi32>
      %convert_element_type3A_400 = arith.sitofp %convert_element_type3A_399 : vector<512x1024xi32> to vector<512x1024xf32>
      %reduce_sum3A = arith.constant dense<0.000000e+00> : vector<512xf32>
      %reduce_sum3A_401 = vector.multi_reduction <add>, %convert_element_type3A_400, %reduce_sum3A [1] : vector<512x1024xf32> to vector<512xf32>
      %broadcast_in_dim3A_402 = vector.shape_cast %reduce_sum3A_401 : vector<512xf32> to vector<512x1xf32>
      %add3A_403 = arith.addf %get3A_398, %broadcast_in_dim3A_402 : vector<512x1xf32>
      %swap3A_404 = arith.constant 0 : index
      %swap3A_405 = arith.constant 0 : index
      %swap3A_406 = vector.load %arg5[%swap3A_404, %swap3A_405] : memref<512x1xf32, #tpu.memory_space<vmem>>, vector<512x1xf32>
      tpu.vector_store %arg5[%swap3A_404, %swap3A_405], %add3A_403 {strides = array<i32>} : memref<512x1xf32, #tpu.memory_space<vmem>>, vector<512x1xf32>,
    } else {
    }
    %and3A_373 = arith.andi %and3A_356, %lt3A_368 : i1
    %convert_element_type3A_374 = arith.extui %and3A_373 : i1 to i32
    %cond3A_375 = arith.constant 0 : i32
    %cond3A_376 = arith.cmpi ne, %convert_element_type3A_374, %cond3A_375 : i32
    scf.if %cond3A_376 {
      %get3A_384 = arith.constant 0 : index
      %get3A_385 = arith.constant 9216 : index
      %get3A_386 = vector.load %arg4[%get3A_384, %get3A_385] : memref<1x10240xi32, #tpu.memory_space<vmem>>, vector<1x1024xi32>
      %eq3A = vector.broadcast %get3A_386 : vector<1x1024xi32> to vector<512x1024xi32>
      %eq3A_387 = vector.broadcast %get3A_1 : vector<512x1xi32> to vector<512x1024xi32>
      %eq3A_388 = arith.cmpi eq, %eq3A, %eq3A_387 : vector<512x1024xi32>
      %get3A_389 = arith.constant 0 : index
      %get3A_390 = arith.constant 9216 : index
      %get3A_391 = vector.load %arg2[%get3A_389, %get3A_390] : memref<1x10240xf32, #tpu.memory_space<vmem>>, vector<1x1024xf32>
      %gt3A_392 = vector.broadcast %get3A_391 : vector<1x1024xf32> to vector<512x1024xf32>
      %gt3A_393 = vector.broadcast %get3A_4 : vector<512x1xf32> to vector<512x1024xf32>
      %gt3A_394 = arith.cmpf ogt, %gt3A_392, %gt3A_393 : vector<512x1024xf32>
      %and3A_395 = arith.andi %eq3A_388, %gt3A_394 : vector<512x1024xi1>
      %get3A_396 = arith.constant 0 : index
      %get3A_397 = arith.constant 0 : index
      %get3A_398 = vector.load %arg5[%get3A_396, %get3A_397] : memref<512x1xf32, #tpu.memory_space<vmem>>, vector<512x1xf32>
      %convert_element_type3A_399 = arith.extui %and3A_395 : vector<512x1024xi1> to vector<512x1024xi32>
      %convert_element_type3A_400 = arith.sitofp %convert_element_type3A_399 : vector<512x1024xi32> to vector<512x1024xf32>
      %reduce_sum3A = arith.constant dense<0.000000e+00> : vector<512xf32>
      %reduce_sum3A_401 = vector.multi_reduction <add>, %convert_element_type3A_400, %reduce_sum3A [1] : vector<512x1024xf32> to vector<512xf32>
      %broadcast_in_dim3A_402 = vector.shape_cast %reduce_sum3A_401 : vector<512xf32> to vector<512x1xf32>
      %add3A_403 = arith.addf %get3A_398, %broadcast_in_dim3A_402 : vector<512x1xf32>
      %swap3A_404 = arith.constant 0 : index
      %swap3A_405 = arith.constant 0 : index
      %swap3A_406 = vector.load %arg5[%swap3A_404, %swap3A_405] : memref<512x1xf32, #tpu.memory_space<vmem>>, vector<512x1xf32>
      tpu.vector_store %arg5[%swap3A_404, %swap3A_405], %add3A_403 {strides = array<i32>} : memref<512x1xf32, #tpu.memory_space<vmem>>, vector<512x1xf32>,
    } else {
    }
    %or3A_377 = arith.ori %gt3A_360, %lt3A_368 : i1
    %not3A_378 = arith.constant true
    %not3A_379 = arith.xori %or3A_377, %not3A_378 : i1
    %and3A_380 = arith.andi %and3A_356, %not3A_379 : i1
    %convert_element_type3A_381 = arith.extui %and3A_380 : i1 to i32
    %cond3A_382 = arith.constant 0 : i32
    %cond3A_383 = arith.cmpi ne, %convert_element_type3A_381, %cond3A_382 : i32
    scf.if %cond3A_383 {
      %get3A_384 = arith.constant 0 : index
      %get3A_385 = arith.constant 9216 : index
      %get3A_386 = vector.load %arg2[%get3A_384, %get3A_385] : memref<1x10240xf32, #tpu.memory_space<vmem>>, vector<1x1024xf32>
      %mul3A_387 = arith.constant 512 : i32
      %mul3A_388 = arith.muli %arg0, %mul3A_387 : i32
      %iota3A = tpu.iota {dimensions = array<i32: 0>} : vector<512x1024xi32>
      %add3A_389 = vector.broadcast %mul3A_388 : i32 to vector<512x1024xi32>
      %add3A_390 = arith.addi %add3A_389, %iota3A : vector<512x1024xi32>
      %iota3A_391 = tpu.iota {dimensions = array<i32: 1>} : vector<512x1024xi32>
      %add3A_392 = arith.constant 9216 : i32
      %add3A_393 = vector.broadcast %add3A_392 : i32 to vector<512x1024xi32>
      %add3A_394 = arith.addi %add3A_393, %iota3A_391 : vector<512x1024xi32>
      %gt3A_395 = vector.broadcast %get3A_386 : vector<1x1024xf32> to vector<512x1024xf32>
      %gt3A_396 = vector.broadcast %get3A_4 : vector<512x1xf32> to vector<512x1024xf32>
      %gt3A_397 = arith.cmpf ogt, %gt3A_395, %gt3A_396 : vector<512x1024xf32>
      %eq3A = vector.broadcast %get3A_386 : vector<1x1024xf32> to vector<512x1024xf32>
      %eq3A_398 = vector.broadcast %get3A_4 : vector<512x1xf32> to vector<512x1024xf32>
      %eq3A_399 = arith.cmpf oeq, %eq3A, %eq3A_398 : vector<512x1024xf32>
      %lt3A_400 = arith.cmpi slt, %add3A_394, %add3A_390 : vector<512x1024xi32>
      %and3A_401 = arith.andi %eq3A_399, %lt3A_400 : vector<512x1024xi1>
      %or3A_402 = arith.ori %gt3A_397, %and3A_401 : vector<512x1024xi1>
      %get3A_403 = arith.constant 0 : index
      %get3A_404 = arith.constant 9216 : index
      %get3A_405 = vector.load %arg4[%get3A_403, %get3A_404] : memref<1x10240xi32, #tpu.memory_space<vmem>>, vector<1x1024xi32>
      %eq3A_406 = vector.broadcast %get3A_405 : vector<1x1024xi32> to vector<512x1024xi32>
      %eq3A_407 = vector.broadcast %get3A_1 : vector<512x1xi32> to vector<512x1024xi32>
      %eq3A_408 = arith.cmpi eq, %eq3A_406, %eq3A_407 : vector<512x1024xi32>
      %and3A_409 = arith.andi %eq3A_408, %or3A_402 : vector<512x1024xi1>
      %get3A_410 = arith.constant 0 : index
      %get3A_411 = arith.constant 0 : index
      %get3A_412 = vector.load %arg5[%get3A_410, %get3A_411] : memref<512x1xf32, #tpu.memory_space<vmem>>, vector<512x1xf32>
      %convert_element_type3A_413 = arith.extui %and3A_409 : vector<512x1024xi1> to vector<512x1024xi32>
      %convert_element_type3A_414 = arith.sitofp %convert_element_type3A_413 : vector<512x1024xi32> to vector<512x1024xf32>
      %reduce_sum3A = arith.constant dense<0.000000e+00> : vector<512xf32>
      %reduce_sum3A_415 = vector.multi_reduction <add>, %convert_element_type3A_414, %reduce_sum3A [1] : vector<512x1024xf32> to vector<512xf32>
      %broadcast_in_dim3A_416 = vector.shape_cast %reduce_sum3A_415 : vector<512xf32> to vector<512x1xf32>
      %add3A_417 = arith.addf %get3A_412, %broadcast_in_dim3A_416 : vector<512x1xf32>
      %swap3A_418 = arith.constant 0 : index
      %swap3A_419 = arith.constant 0 : index
      %swap3A_420 = vector.load %arg5[%swap3A_418, %swap3A_419] : memref<512x1xf32, #tpu.memory_space<vmem>>, vector<512x1xf32>
      tpu.vector_store %arg5[%swap3A_418, %swap3A_419], %add3A_417 {strides = array<i32>} : memref<512x1xf32, #tpu.memory_space<vmem>>, vector<512x1xf32>,
    } else {
    }
    return
  }
  func.func @transform_0(%arg0: i32) -> (i32, i32) {
    %c0_i32 = arith.constant 0 : i32
    %c0_i32_0 = arith.constant 0 : i32
    return %arg0, %c0_i32 : i32, i32
  }
  func.func @transform_1(%arg0: i32) -> (i32, i32) {
    %c0_i32 = arith.constant 0 : i32
    %c0_i32_0 = arith.constant 0 : i32
    %c0_i32_1 = arith.constant 0 : i32
    return %c0_i32, %c0_i32_0 : i32, i32
  }
  func.func @transform_2(%arg0: i32) -> (i32, i32) {
    %c0_i32 = arith.constant 0 : i32
    %c0_i32_0 = arith.constant 0 : i32
    return %arg0, %c0_i32 : i32, i32
  }
  func.func @transform_3(%arg0: i32) -> (i32, i32) {
    %c0_i32 = arith.constant 0 : i32
    %c0_i32_0 = arith.constant 0 : i32
    %c0_i32_1 = arith.constant 0 : i32
    return %c0_i32, %c0_i32_0 : i32, i32
  }
  func.func @transform_4(%arg0: i32) -> (i32, i32) {
    %c0_i32 = arith.constant 0 : i32
    %c0_i32_0 = arith.constant 0 : i32
    return %arg0, %c0_i32 : i32, i32
  }
}

</mosaic_0001>

<sc_bundles>
// kernel: kernel.12.cloned.1.call-start
scs
__scs_entry_jumppad:
0x0: {  	(pc) =	sbr.rel $0x88, $3  }
0x1: {  	(tag) =	ssettag $0x0;
	lr =	simm.s32 $0x1  }
0x2: {  	[smem:$0x3F97] =	sst lr;
	_ =	strace $0xD0000000  }
0x3: {  	_ = 	snop  }
0x4: {  	_ = 	snop  }
0x5: {  	_ = 	snop  }
0x6: {  	_ = 	snop  }
0x7: {  	_ = 	snop  }
__scs_overlays_trampoline_lowered:
0x8: {  	[smem:$0x3FA6] =	sst s0  }
0x9: {  	[smem:$0x3FA7] =	sst s1  }
0xa: {  	[smem:$0x3FA8] =	sst s2  }
0xb: {  	[smem:$0x3FA9] =	sst s3  }
0xc: {  	[smem:$0x3FAA] =	sst s4  }
0xd: {  	[smem:$0x3FAB] =	sst s5  }
0xe: {  	[smem:$0x3FAC] =	sst s6  }
0xf: {  	[smem:$0x3FAD] =	sst s7  }
0x10: {  	[smem:$0x3FAE] =	sst s8  }
0x11: {  	[smem:$0x3FAF] =	sst s9;
	s0 =	simm.s32 @!p0 $0x0  }
0x12: {  	s1 =	sld [smem:$0x3F95];
	s0 =	simm.s32 @p0 $0x1  }
0x13: {  	[smem:$0x3FB0] =	sst s0;
	s0 =	simm.s32 @!p1 $0x0  }
0x14: {  	s2 =	sld [smem:$0x3F94];
	s0 =	simm.s32 @p1 $0x1  }
0x15: {  	[smem:$0x3FB1] =	sst s0;
	s0 =	simm.s32 @!p2 $0x0  }
0x16: {  	s3 =	sld [smem:$0x3FDB];
	s0 =	simm.s32 @p2 $0x1  }
0x17: {  	s4 =	simm.s32 $0x1BF5;
	[smem:$0x3FB3] =	sst s0  }
0x18: {  	s0 =	sld [smem:$0x3F96];
	_ =	swait.ge [sflag:s4], $0x0  }
0x19: {  	s7 =	sld [smem:$0x3F97]  }
0x1a: {  	s8 =	sadd.s32 $0xFFFFE003, lr  }
0x1b: {  	s9 =	sadd.s32 $0xFFFFFEF7, lr;
	s5 =	simm.s32 $0xFFFFFFFF;
	p2 =	slt.u32 s8, $0xFFFFF086  }
0x1c: {  	p1 =	slt.u32 s9, $0xF7A;
	s5 =	simm.s32 @!p2 $0x0  }
0x1d: {  	s5 =	simm.s32 @p1 $0x1;
	p0 =	seq.s32 s7, s2  }
0x1e: {  	s7 =	smul.u32 @!p0 $0xF7A, s2;
	p2 =	seq.s32 @!p0 s5, $0x0  }
0x1f: {  	s9 =	smul.u32 $0xF7A, s1;
	s8 =	simm.s32 @!p0 $0x1BF5;
	p2 =	por !p2, p0  }
0x20: {  	[sflag:s8] =	ssyncset.s32 @!p0 $0xFFFFF086;
	s6 =	sadd.s32 @!p0 s3, s7;
	s7 =	simm.s32 @!p0 $0x108  }
0x21: {  	s3 =	sadd.s32 s3, s9;
	s6 =	sadd.s32 @!p0 $0x88, s6;
	s7 =	simm.s32 @p2 $0x1082  }
0x22: {  	[simem:s7], [sflag:s8] =	dma.local @!p0 [hbm:s6], $0xF7A  }
0x23: {  	s9 =	sor.u32 $0xD0000000, s2;
	s6 =	simm.s32 $0x108;
	_ =	swait.ge @!p0 [sflag:s8], $0x0  }
0x24: {  	s3 =	sadd.s32 $0x88, s3;
	s6 =	simm.s32 @!p1 $0x1082;
	[sflag:s4] =	ssyncset.s32 $0xFFFFF086  }
0x25: {  	[simem:s6], [sflag:s4] =	dma.local [hbm:s3], $0xF7A  }
0x26: {  	[smem:$0x3F97] =	sst s1;
	(tag) =	ssettag s2;
	_ =	strace s9  }
0x27: {  	s1 =	sld [smem:$0x3FA7]  }
0x28: {  	s2 =	sld [smem:$0x3FA8]  }
0x29: {  	s4 =	sld [smem:$0x3FAA]  }
0x2a: {  	p0 =	seq.s32 s5, $0x0;
	s5 =	sld [smem:$0x3FAB]  }
0x2b: {  	s6 =	sld [smem:$0x3FAC]  }
0x2c: {  	s7 =	sld [smem:$0x3FAD]  }
0x2d: {  	s3 =	simm.s32 $0x108;
	s8 =	sld [smem:$0x3FAE]  }
0x2e: {  	s3 =	simm.s32 @!p0 $0x1082;
	s9 =	sld [smem:$0x3FAF]  }
0x2f: {  	lr =	sadd.s32 s0, s3;
	s0 =	sld [smem:$0x3FA6]  }
0x30: {  	s3 =	sld [smem:$0x3FA9]  }
0x31: {  	[smem:$0x3FB2] =	sst s10  }
0x32: {  	s10 =	sld [smem:$0x3FB0];
	_ =	sdelay $0x3  }
0x33: {  	p0 =	seq.s32 s10, $0x1;
	s10 =	sld [smem:$0x3FB2];
	_ =	sdelay $0x3  }
0x34: {  	[smem:$0x3FB2] =	sst s10  }
0x35: {  	s10 =	sld [smem:$0x3FB1];
	_ =	sdelay $0x3  }
0x36: {  	p1 =	seq.s32 s10, $0x1;
	s10 =	sld [smem:$0x3FB2];
	_ =	sdelay $0x3  }
0x37: {  	[smem:$0x3FB2] =	sst s10  }
0x38: {  	s10 =	sld [smem:$0x3FB3]  }
0x39: {  	_ = 	snop;
	(pc) =	sbr.ind lr, $3  }
0x3a: {  	_ = 	snop  }
0x3b: {  	_ = 	snop  }
0x3c: {  	p2 =	seq.s32 s10, $0x1;
	s10 =	sld [smem:$0x3FB2]  }
0x3d: {  	_ =	shalt  }
0x3e: {  	_ =	shalt  }
0x3f: {  	_ =	shalt  }
0x40: {  	_ =	shalt  }
0x41: {  	_ =	shalt  }
0x42: {  	_ =	shalt  }
0x43: {  	_ =	shalt  }
0x44: {  	_ =	shalt  }
0x45: {  	_ =	shalt  }
0x46: {  	_ =	shalt  }
0x47: {  	_ =	shalt  }
0x48: {  	_ =	shalt  }
0x49: {  	_ =	shalt  }
0x4a: {  	_ =	shalt  }
0x4b: {  	_ =	shalt  }
0x4c: {  	_ =	shalt  }
0x4d: {  	_ =	shalt  }
0x4e: {  	_ =	shalt  }
0x4f: {  	_ =	shalt  }
0x50: {  	_ =	shalt  }
0x51: {  	_ =	shalt  }
0x52: {  	_ =	shalt  }
0x53: {  	_ =	shalt  }
0x54: {  	_ =	shalt  }
0x55: {  	_ =	shalt  }
0x56: {  	_ =	shalt  }
0x57: {  	_ =	shalt  }
0x58: {  	_ =	shalt  }
0x59: {  	_ =	shalt  }
0x5a: {  	_ =	shalt  }
0x5b: {  	_ =	shalt  }
0x5c: {  	_ =	shalt  }
0x5d: {  	_ =	shalt  }
0x5e: {  	_ =	shalt  }
0x5f: {  	_ =	shalt  }
0x60: {  	_ =	shalt  }
0x61: {  	_ =	shalt  }
0x62: {  	_ =	shalt  }
0x63: {  	_ =	shalt  }
0x64: {  	_ =	shalt  }
0x65: {  	_ =	shalt  }
0x66: {  	_ =	shalt  }
0x67: {  	_ =	shalt  }
0x68: {  	_ =	shalt  }
0x69: {  	_ =	shalt  }
0x6a: {  	_ =	shalt  }
0x6b: {  	_ =	shalt  }
0x6c: {  	_ =	shalt  }
0x6d: {  	_ =	shalt  }
0x6e: {  	_ =	shalt  }
0x6f: {  	_ =	shalt  }
0x70: {  	_ =	shalt  }
0x71: {  	_ =	shalt  }
0x72: {  	_ =	shalt  }
0x73: {  	_ =	shalt  }
0x74: {  	_ =	shalt  }
0x75: {  	_ =	shalt  }
0x76: {  	_ =	shalt  }
0x77: {  	_ =	shalt  }
0x78: {  	_ =	shalt  }
0x79: {  	_ =	shalt  }
0x7a: {  	_ =	shalt  }
0x7b: {  	_ =	shalt  }
0x7c: {  	_ =	shalt  }
0x7d: {  	_ =	shalt  }
0x7e: {  	_ =	shalt  }
0x7f: {  	_ =	shalt  }
0x80: {  	_ =	shalt  }
0x81: {  	_ =	shalt  }
0x82: {  	_ =	shalt  }
0x83: {  	_ =	shalt  }
0x84: {  	_ =	shalt  }
0x85: {  	_ =	shalt  }
0x86: {  	_ =	shalt  }
0x87: {  	_ =	shalt  }
.Lfunc_end0:
.L_simem_size_0:
called_computation_lowered:
.L_overlay_start_0:
0x88: {  	s2 =	sld [smem:$0x3FD9]  }
0x89: {  	s3 =	sld [smem:$0x3FFE];
	_ =	sdelay $0x1  }
0x8a: {  	s1 =	srdreg.scid  }
0x8b: {  	s0 =	sand.u32 $0x1, s1  }
0x8c: {  	s16 =	sshll.u32 s0, $0xA;
	s2 =	sadd.s32 s3, s2  }
0x8d: {  	s2 =	sadd.s32 s2, s16  }
0x8e: {  	[smem:$0x3FBE] =	sst s2  }
0x8f: {  	_ = 	snop  }
0x90: {  	(tm) =	ssettm $0x1  }
0x91: {  	s17 =	sld [smem:$0x3FFB];
	_ =	sdelay $0x3  }
0x92: {  	_ =	strace s17  }
0x93: {  	s2 =	sld [smem:$0x3FFC];
	_ =	sdelay $0x3  }
0x94: {  	_ =	strace s2  }
0x95: {  	s2 =	sld [smem:$0x3FFD];
	_ =	sdelay $0x3  }
0x96: {  	_ =	strace s2  }
0x97: {  	_ =	strace $0x8FFFFFFF  }
0x98: {  	s18 =	sld [smem:$0x3FDB];
	_ =	sdelay $0x1  }
0x99: {  	s19 =	simm.s32 $_scs_section_size  }
0x9a: {  	s4 =	simm.s32 $_size__tile_overlayer_lowered;
	s5 =	simm.s32 $_tile_overlayer_lowered  }
0x9b: {  	s22 =	simm.s32 $0x1BFF;
	s21 =	sshll.u32 s5, $0x1;
	s2 =	sadd.s32 s19, s18  }
0x9c: {  	s6 =	simm.s32 $0x0;
	s20 =	sshll.u32 s4, $0x1;
	s4 =	sadd.s32 s21, s2  }
0x9d: {  	[timem:s6], [sflag:s22] =	dma.local [hbm:s4], s20  }
0x9e: {  	_ =	swait.ge [sflag:s22], s20  }
0x9f: {  	s3 =	ssub.s32 $0x0, s20;
	[sflag:s22] =	ssyncset.done $0x0  }
0xa0: {  	[sflag:s22] =	ssyncadd.s32 s3;
	_ =	sdelay $0x1  }
0xa1: {  	s23 =	simm.s32 $0x1B8B  }
0xa2: {  	_ =	swait.ge [sflag:s23], $0x1  }
0xa3: {  	[sflag:s23] =	ssyncset.done $0x0  }
0xa4: {  	s25 =	simm.s32 $0x1B8E;
	s24 =	sld [smem:$0x3FFE];
	[sflag:s23] =	ssyncadd.s32 $0xFFFFFFFF  }
0xa5: {  	s26 =	simm.s32 $execute0_lowered;
	[smem:$0x3FD2] =	sst s25  }
0xa6: {  	s4 =	sshll.u32 s26, $0x1;
	_ =	strace $0x80000046;
	[dreg:$0x1] =	wrdreg $0xFFFFFFFF  }
0xa7: {  	s28 =	simm.s32 $_size_execute0_lowered;
	s2 =	sadd.s32 s2, s4;
	[dreg:$0x0] =	wrdreg $0x0  }
0xa8: {  	s4 =	sshll.u32 s28, $0x1;
	[dreg:$0x2] =	wrdreg s2  }
0xa9: {  	[dreg:$0x3] =	wrdreg s4  }
0xaa: {  	[dreg:$0x4] =	wrdreg $0xC0  }
0xab: {  	_ =	task [dreg:s6], $0x5FFFF  }
0xac: {  	[dreg:$0x1] =	wrdreg $0xFFFFFFFF  }
0xad: {  	[dreg:$0x0] =	wrdreg $0x60  }
0xae: {  	[dreg:$0x2] =	wrdreg s24  }
0xaf: {  	[dreg:$0x3] =	wrdreg $0x60800  }
0xb0: {  	[dreg:$0x4] =	wrdreg $0x9  }
0xb1: {  	_ =	task.clear_ibuf [dreg:s6], $0x5FFFF;
	_ =	strace $0x90000046  }
0xb2: {  	s29 =	simm.s32 $0x9;
	_ =	strace $0x80000048  }
0xb3: {  	_ =	swait.ge [sflag:s29], $0x1  }
0xb4: {  	[sflag:s29] =	ssyncadd.s32 $0xFFFFFFFF  }
0xb5: {  	_ =	strace $0x90000048  }
0xb6: {  	_ =	sfence  }
0xb7: {  	s30 =	sld [smem:$0x0];
	_ =	sdelay $0x2  }
0xb8: {  	s31 =	sshll.u32 s1, $0xD;
	s1 =	sshrl.u32 s1, $0x2  }
0xb9: {  	s3 =	sand.u32 $0x4000, s31;
	s1 =	sadd.s32 s1, s30  }
0xba: {  	s0 =	sor.u32 s3, s0;
	s1 =	sshll.u32 s1, $0x11  }
0xbb: {  	s0 =	sor.u32 s1, s0  }
0xbc: {  	s0 =	sadd.s32 $0x8F2B, s0  }
0xbd: {  	[sflag:s0] =	ssyncadd.remote.s32 $0x1  }
0xbe: {  	_ =	sfence.sel $0xFFFF  }
0xbf: {  	[dreg:$0x0] =	wrdreg $0xFFFFFFFF;
	(pc) =	sbr.abs _section_cstart, $3  }
0xc0: {  	[dreg:$0x1] =	wrdreg $0xFFFFFFFF  }
0xc1: {  	_ =	task.clear_ibuf [dreg:s6], $0x2FFFF;
	_ =	strace $0x9FFFFFFF  }
0xc2: {  	(tm) =	ssettm $0x7FFFFFFF  }
0xc3: {  	_ =	shalt  }
tec
execute0_lowered:
.L_overlay_start_1:
0x0: {  	(tag) =	ssettag $0x1  }
0x1: {  	s6 =	rddreg [dreg:$0x0]  }
0x2: {  	s1 =	rddreg [dreg:$0x1];
	s2 =	srdreg.scid  }
0x3: {  	s0 =	rddreg [dreg:$0x2];
	s3 =	simm.s32 $0x0;
	s7 =	sand.u32 $0x1, s2  }
0x4: {  	s19 =	simm.s32 $0x80;
	s20 =	simm.s32 $0x1;
	s4 =	smul.u32 $0x5000, s7  }
0x5: {  	s21 =	simm.s32 $0x4080;
	s2 =	stileid.u32;
	s8 =	smul.u32 $0x140000, s7  }
0x6: {  	s24 =	simm.s32 $0x0;
	[smem:$0x7FF] =	sst s3;
	s9 =	smul.u32 $0x14000, s2  }
0x7: {  	s5 =	sadd.s32 $0xC600, s6;
	_ =	strace $0x80000047;
	s10 =	smul.u32 $0x50000, s2  }
0x8: {  	s7 =	ssub.s32 $0x2, s7;
	s18 =	smul.u32 $0x500, s2;
	s22 =	sshll.u32 s2, $0x6  }
0x9: {  	s31 =	sshrl.u32 s7, $0x1;
	s22 =	sor.u32 $0x1C01, s22;
	s17 =	sadd.s32 s4, s6  }
0xa: {  	s4 =	sadd.s32 $0xCA00, s6;
	s8 =	sadd.s32 s9, s8;
	s10 =	sshrl.u32 s10, $0x2  }
0xb: {  	s9 =	ssub.s32 s7, s31;
	s8 =	sshrl.u32 s8, $0x3;
	s18 =	sadd.s32 s18, s17  }
0xc: {  	s8 =	sadd.s32 s8, s6;
	s6 =	sadd.s32 s10, s1;
	s18 =	sadd.s32 $0x2600, s18  }
0xd: {  	s7 =	sadd.s32 $0xD200, s8;
	s8 =	smax.u32 s9, $0x1;
	s9 =	sadd.s32 $0x2000, s6  }
0xe: {  	s10 =	sadd.s32 $0x4000, s6;
	s11 =	sadd.s32 $0x6000, s6;
	s12 =	sadd.s32 $0x8000, s6  }
0xf: {  	s13 =	sadd.s32 $0xA000, s6;
	s14 =	sadd.s32 $0xC000, s6;
	s15 =	sadd.s32 $0xE000, s6  }
0x10: {  	s16 =	sadd.s32 $0x10000, s6;
	s17 =	sadd.s32 $0x12000, s6;
	s23 =	sshrl.u32 s6, $0x3  }
.LBB2_1:
0x11: {  	[tilespmem:s19], [sflag:$0x1] =	stream.linear.gather [hbm4b:s4+s3], $0x4000, $0x38;
	[tilespmem:$0x1A080] =	vst v63  }
0x12: {  	_ =	swait.ge [sflag:s20], $0x4000  }
0x13: {  	[sflag:s20] =	ssyncset.done $0x0  }
0x14: {  	[sflag:s20] =	ssyncadd.s32 $0xFFFFC000  }
0x15: {  	[tilespmem:s21], [sflag:$0x1] =	stream.linear.gather [hbm4b:s5+s3], $0x2000, $0x38;
	[tilespmem:$0x1A080] =	vst v63  }
0x16: {  	_ =	swait.ge [sflag:s20], $0x2000  }
0x17: {  	[sflag:s20] =	ssyncset.done $0x0  }
0x18: {  	[sflag:s20] =	ssyncadd.s32 $0xFFFFE000  }
0x19: {  	[spmem:s6] =	stream.linear.scatter [tilespmem:s21], [sflag:$0x1], $0x2000, $0x38;
	[tilespmem:$0x1A080] =	vst v63  }
0x1a: {  	_ =	swait.ge [sflag:s20], $0x2000  }
0x1b: {  	[sflag:s20] =	ssyncset.done $0x0  }
0x1c: {  	[sflag:s20] =	ssyncadd.s32 $0xFFFFE000  }
0x1d: {  	[spmem:s9] =	stream.linear.scatter [tilespmem:s21], [sflag:$0x1], $0x2000, $0x38;
	[tilespmem:$0x1A080] =	vst v63  }
0x1e: {  	_ =	swait.ge [sflag:s20], $0x2000  }
0x1f: {  	[sflag:s20] =	ssyncset.done $0x0  }
0x20: {  	[sflag:s20] =	ssyncadd.s32 $0xFFFFE000  }
0x21: {  	[spmem:s10] =	stream.linear.scatter [tilespmem:s21], [sflag:$0x1], $0x2000, $0x38;
	[tilespmem:$0x1A080] =	vst v63  }
0x22: {  	_ =	swait.ge [sflag:s20], $0x2000  }
0x23: {  	[sflag:s20] =	ssyncset.done $0x0  }
0x24: {  	[sflag:s20] =	ssyncadd.s32 $0xFFFFE000  }
0x25: {  	[spmem:s11] =	stream.linear.scatter [tilespmem:s21], [sflag:$0x1], $0x2000, $0x38;
	[tilespmem:$0x1A080] =	vst v63  }
0x26: {  	_ =	swait.ge [sflag:s20], $0x2000  }
0x27: {  	[sflag:s20] =	ssyncset.done $0x0  }
0x28: {  	[sflag:s20] =	ssyncadd.s32 $0xFFFFE000  }
0x29: {  	[spmem:s12] =	stream.linear.scatter [tilespmem:s21], [sflag:$0x1], $0x2000, $0x38;
	[tilespmem:$0x1A080] =	vst v63  }
0x2a: {  	_ =	swait.ge [sflag:s20], $0x2000  }
0x2b: {  	[sflag:s20] =	ssyncset.done $0x0  }
0x2c: {  	[sflag:s20] =	ssyncadd.s32 $0xFFFFE000  }
0x2d: {  	[spmem:s13] =	stream.linear.scatter [tilespmem:s21], [sflag:$0x1], $0x2000, $0x38;
	[tilespmem:$0x1A080] =	vst v63  }
0x2e: {  	_ =	swait.ge [sflag:s20], $0x2000  }
0x2f: {  	[sflag:s20] =	ssyncset.done $0x0  }
0x30: {  	[sflag:s20] =	ssyncadd.s32 $0xFFFFE000  }
0x31: {  	[spmem:s14] =	stream.linear.scatter [tilespmem:s21], [sflag:$0x1], $0x2000, $0x38;
	[tilespmem:$0x1A080] =	vst v63  }
0x32: {  	_ =	swait.ge [sflag:s20], $0x2000  }
0x33: {  	[sflag:s20] =	ssyncset.done $0x0  }
0x34: {  	[sflag:s20] =	ssyncadd.s32 $0xFFFFE000  }
0x35: {  	[spmem:s15] =	stream.linear.scatter [tilespmem:s21], [sflag:$0x1], $0x2000, $0x38;
	[tilespmem:$0x1A080] =	vst v63  }
0x36: {  	_ =	swait.ge [sflag:s20], $0x2000  }
0x37: {  	[sflag:s20] =	ssyncset.done $0x0  }
0x38: {  	[sflag:s20] =	ssyncadd.s32 $0xFFFFE000  }
0x39: {  	[spmem:s16] =	stream.linear.scatter [tilespmem:s21], [sflag:$0x1], $0x2000, $0x38;
	[tilespmem:$0x1A080] =	vst v63  }
0x3a: {  	_ =	swait.ge [sflag:s20], $0x2000  }
0x3b: {  	[sflag:s20] =	ssyncset.done $0x0  }
0x3c: {  	[sflag:s20] =	ssyncadd.s32 $0xFFFFE000  }
0x3d: {  	[spmem:s17] =	stream.linear.scatter [tilespmem:s21], [sflag:$0x1], $0x2000, $0x38;
	[tilespmem:$0x1A080] =	vst v63  }
0x3e: {  	_ =	swait.ge [sflag:s20], $0x2000  }
0x3f: {  	[sflag:s20] =	ssyncset.done $0x0  }
0x40: {  	[sflag:s20] =	ssyncadd.s32 $0xFFFFE000  }
0x41: {  	s25 =	sadd.s32 $0x0, s18;
	[bflag:$0x0] =	sbarrier.arrive $0xFFFF  }
0x42: {  	[tilespmem:s3], [sflag:$0x1] =	stream.linear.gather [hbm4b:s25+s3], $0x80, $0x38;
	[tilespmem:$0x1A080] =	vst v63  }
0x43: {  	_ =	swait.ge [sflag:s20], $0x80  }
0x44: {  	[sflag:s20] =	ssyncset.done $0x0  }
0x45: {  	[sflag:s20] =	ssyncadd.s32 $0xFFFFFF80  }
0x46: {  	[spmem:s1] =	stream.indirect.scatter.add.f32 [tilespmem:s19], [sflag:$0x1], $0x80, s3, s19, $0xb8;
	[tilespmem:$0x1A080] =	vst v63  }
0x47: {  	_ =	swait.ge [sflag:s20], $0x4000  }
0x48: {  	s26 =	simm.s32 $0x20;
	s25 =	simm.s32 $0x10;
	[sflag:s20] =	ssyncset.done $0x0  }
.LBB2_2:
0x49: {  	s28 =	sadd.s32 s25, s18  }
0x4a: {  	[sflag:s20] =	ssyncadd.s32 $0xFFFFC000;
	s25 =	smov.u32 s26;
	s29 =	sadd.s32 $0x10, s26  }
0x4b: {  	[tilespmem:s3], [sflag:$0x1] =	stream.linear.gather [hbm4b:s28+s3], $0x80, $0x38;
	[tilespmem:$0x1A080] =	vst v63  }
0x4c: {  	p0 =	sne.s32 s26, $0x4F0;
	_ =	swait.ge [sflag:s20], $0x80  }
.Ltmp0:
0x4d: {  	[sflag:s20] =	ssyncset.done $0x0;
	(pc) =	sbr.rel @p0 .LBB2_2-.Ltmp0, $4  }
0x4e: {  	[sflag:s20] =	ssyncadd.s32 $0xFFFFFF80  }
0x4f: {  	[spmem:s1] =	stream.indirect.scatter.add.f32 [tilespmem:s19], [sflag:$0x1], $0x80, s3, s19, $0xb8;
	[tilespmem:$0x1A080] =	vst v63  }
0x50: {  	_ =	swait.ge [sflag:s20], $0x4000  }
0x51: {  	s26 =	smov.u32 s29;
	[sflag:s20] =	ssyncset.done $0x0  }
0x52: {  	s25 =	sadd.s32 s25, s18;
	[sflag:s20] =	ssyncadd.s32 $0xFFFFC000  }
0x53: {  	[tilespmem:s3], [sflag:$0x1] =	stream.linear.gather [hbm4b:s25+s3], $0x80, $0x38;
	[tilespmem:$0x1A080] =	vst v63  }
0x54: {  	_ =	swait.ge [sflag:s20], $0x80  }
0x55: {  	[sflag:s20] =	ssyncset.done $0x0  }
0x56: {  	[sflag:s20] =	ssyncadd.s32 $0xFFFFFF80  }
0x57: {  	[spmem:s1] =	stream.indirect.scatter.add.f32 [tilespmem:s19], [sflag:$0x1], $0x80, s3, s19, $0xb8;
	[tilespmem:$0x1A080] =	vst v63  }
0x58: {  	_ =	swait.ge [sflag:s20], $0x4000  }
0x59: {  	s24 =	sadd.s32 $0x1, s24;
	[sflag:s20] =	ssyncset.done $0x0  }
0x5a: {  	p0 =	sne.s32 s24, s8;
	[sflag:s20] =	ssyncadd.s32 $0xFFFFC000  }
.Ltmp1:
0x5b: {  	[bflag:$0x0] =	sbarrier.arrive $0xFFFF;
	(pc) =	sbr.rel @p0 .LBB2_1-.Ltmp1, $4  }
0x5c: {  	[hbm:s7], [sflag:s22] =	dma.local [spmem:s23], $0x2800  }
0x5d: {  	_ =	swait.ge [sflag:s20], $0x2800  }
0x5e: {  	[sflag:s20] =	ssyncset.done $0x0  }
0x5f: {  	[sflag:s20] =	ssyncadd.s32 $0xFFFFD800  }
0x60: {  	_ =	sfence.sel $0x180000  }
0x61: {  	[bflag:$0x0] =	sbarrier.arrive $0xFFFF  }
0x62: {  	p0 =	sne.s32 s2, $0x0;
	_ =	strace $0x90000047  }
0x63: {  	s0 =	sadd.s32 @!p0 $0x100000, s0;
	[bflag:$0x2] =	sbarrier.arrive $0xFFFF  }
0x64: {  	[sflag:s0] =	ssyncadd.tile.s32 @!p0 $0x1;
	_ =	shalt  }
.Lfunc_end2:
_tile_overlayer_lowered:
.L_overlay_start_2:
0x65: {  	(tag) =	ssettag $0x2  }
0x66: {  	s0 =	rddreg [dreg:$0x0];
	s2 =	stileid.u32  }
0x67: {  	s1 =	rddreg [dreg:$0x1];
	p0 =	sne.s32 s2, $0x0  }
0x68: {  	s3 =	rddreg [dreg:$0x2];
	[bflag:$0x3] =	sbarrier.arrive $0xFFFF;
	s2 =	simm.s32 @!p0 $0x1C01  }
0x69: {  	[timem:s3], [sflag:s2] =	dma.local @!p0 [hbm:s0], s1  }
0x6a: {  	s0 =	simm.s32 @!p0 $0x1  }
0x6b: {  	_ =	swait.ge @!p0 [sflag:s0], s1  }
0x6c: {  	s1 =	ssub.s32 @!p0 $0x0, s1;
	[sflag:s0] =	ssyncset.done @!p0 $0x0  }
0x6d: {  	[sflag:s0] =	ssyncadd.s32 @!p0 s1  }
0x6e: {  	[bflag:$0x3] =	sbarrier.arrive $0xFFFF  }
0x6f: {  	_ =	shalt  }

// kernel: kernel.15.cloned.1.call-start
scs
__scs_entry_jumppad:
0x0: {  	(pc) =	sbr.rel $0x88, $3  }
0x1: {  	(tag) =	ssettag $0x0;
	lr =	simm.s32 $0x1  }
0x2: {  	[smem:$0x3F97] =	sst lr;
	_ =	strace $0xD0000000  }
0x3: {  	_ = 	snop  }
0x4: {  	_ = 	snop  }
0x5: {  	_ = 	snop  }
0x6: {  	_ = 	snop  }
0x7: {  	_ = 	snop  }
__scs_overlays_trampoline_lowered:
0x8: {  	[smem:$0x3FA6] =	sst s0  }
0x9: {  	[smem:$0x3FA7] =	sst s1  }
0xa: {  	[smem:$0x3FA8] =	sst s2  }
0xb: {  	[smem:$0x3FA9] =	sst s3  }
0xc: {  	[smem:$0x3FAA] =	sst s4  }
0xd: {  	[smem:$0x3FAB] =	sst s5  }
0xe: {  	[smem:$0x3FAC] =	sst s6  }
0xf: {  	[smem:$0x3FAD] =	sst s7  }
0x10: {  	[smem:$0x3FAE] =	sst s8  }
0x11: {  	[smem:$0x3FAF] =	sst s9;
	s0 =	simm.s32 @!p0 $0x0  }
0x12: {  	s1 =	sld [smem:$0x3F95];
	s0 =	simm.s32 @p0 $0x1  }
0x13: {  	[smem:$0x3FB0] =	sst s0;
	s0 =	simm.s32 @!p1 $0x0  }
0x14: {  	s2 =	sld [smem:$0x3F94];
	s0 =	simm.s32 @p1 $0x1  }
0x15: {  	[smem:$0x3FB1] =	sst s0;
	s0 =	simm.s32 @!p2 $0x0  }
0x16: {  	s3 =	sld [smem:$0x3FDB];
	s0 =	simm.s32 @p2 $0x1  }
0x17: {  	s4 =	simm.s32 $0x1BF5;
	[smem:$0x3FB3] =	sst s0  }
0x18: {  	s0 =	sld [smem:$0x3F96];
	_ =	swait.ge [sflag:s4], $0x0  }
0x19: {  	s7 =	sld [smem:$0x3F97]  }
0x1a: {  	s8 =	sadd.s32 $0xFFFFE003, lr  }
0x1b: {  	s9 =	sadd.s32 $0xFFFFFEF7, lr;
	s5 =	simm.s32 $0xFFFFFFFF;
	p2 =	slt.u32 s8, $0xFFFFF086  }
0x1c: {  	p1 =	slt.u32 s9, $0xF7A;
	s5 =	simm.s32 @!p2 $0x0  }
0x1d: {  	s5 =	simm.s32 @p1 $0x1;
	p0 =	seq.s32 s7, s2  }
0x1e: {  	s7 =	smul.u32 @!p0 $0xF7A, s2;
	p2 =	seq.s32 @!p0 s5, $0x0  }
0x1f: {  	s9 =	smul.u32 $0xF7A, s1;
	s8 =	simm.s32 @!p0 $0x1BF5;
	p2 =	por !p2, p0  }
0x20: {  	[sflag:s8] =	ssyncset.s32 @!p0 $0xFFFFF086;
	s6 =	sadd.s32 @!p0 s3, s7;
	s7 =	simm.s32 @!p0 $0x108  }
0x21: {  	s3 =	sadd.s32 s3, s9;
	s6 =	sadd.s32 @!p0 $0x88, s6;
	s7 =	simm.s32 @p2 $0x1082  }
0x22: {  	[simem:s7], [sflag:s8] =	dma.local @!p0 [hbm:s6], $0xF7A  }
0x23: {  	s9 =	sor.u32 $0xD0000000, s2;
	s6 =	simm.s32 $0x108;
	_ =	swait.ge @!p0 [sflag:s8], $0x0  }
0x24: {  	s3 =	sadd.s32 $0x88, s3;
	s6 =	simm.s32 @!p1 $0x1082;
	[sflag:s4] =	ssyncset.s32 $0xFFFFF086  }
0x25: {  	[simem:s6], [sflag:s4] =	dma.local [hbm:s3], $0xF7A  }
0x26: {  	[smem:$0x3F97] =	sst s1;
	(tag) =	ssettag s2;
	_ =	strace s9  }
0x27: {  	s1 =	sld [smem:$0x3FA7]  }
0x28: {  	s2 =	sld [smem:$0x3FA8]  }
0x29: {  	s4 =	sld [smem:$0x3FAA]  }
0x2a: {  	p0 =	seq.s32 s5, $0x0;
	s5 =	sld [smem:$0x3FAB]  }
0x2b: {  	s6 =	sld [smem:$0x3FAC]  }
0x2c: {  	s7 =	sld [smem:$0x3FAD]  }
0x2d: {  	s3 =	simm.s32 $0x108;
	s8 =	sld [smem:$0x3FAE]  }
0x2e: {  	s3 =	simm.s32 @!p0 $0x1082;
	s9 =	sld [smem:$0x3FAF]  }
0x2f: {  	lr =	sadd.s32 s0, s3;
	s0 =	sld [smem:$0x3FA6]  }
0x30: {  	s3 =	sld [smem:$0x3FA9]  }
0x31: {  	[smem:$0x3FB2] =	sst s10  }
0x32: {  	s10 =	sld [smem:$0x3FB0];
	_ =	sdelay $0x3  }
0x33: {  	p0 =	seq.s32 s10, $0x1;
	s10 =	sld [smem:$0x3FB2];
	_ =	sdelay $0x3  }
0x34: {  	[smem:$0x3FB2] =	sst s10  }
0x35: {  	s10 =	sld [smem:$0x3FB1];
	_ =	sdelay $0x3  }
0x36: {  	p1 =	seq.s32 s10, $0x1;
	s10 =	sld [smem:$0x3FB2];
	_ =	sdelay $0x3  }
0x37: {  	[smem:$0x3FB2] =	sst s10  }
0x38: {  	s10 =	sld [smem:$0x3FB3]  }
0x39: {  	_ = 	snop;
	(pc) =	sbr.ind lr, $3  }
0x3a: {  	_ = 	snop  }
0x3b: {  	_ = 	snop  }
0x3c: {  	p2 =	seq.s32 s10, $0x1;
	s10 =	sld [smem:$0x3FB2]  }
0x3d: {  	_ =	shalt  }
0x3e: {  	_ =	shalt  }
0x3f: {  	_ =	shalt  }
0x40: {  	_ =	shalt  }
0x41: {  	_ =	shalt  }
0x42: {  	_ =	shalt  }
0x43: {  	_ =	shalt  }
0x44: {  	_ =	shalt  }
0x45: {  	_ =	shalt  }
0x46: {  	_ =	shalt  }
0x47: {  	_ =	shalt  }
0x48: {  	_ =	shalt  }
0x49: {  	_ =	shalt  }
0x4a: {  	_ =	shalt  }
0x4b: {  	_ =	shalt  }
0x4c: {  	_ =	shalt  }
0x4d: {  	_ =	shalt  }
0x4e: {  	_ =	shalt  }
0x4f: {  	_ =	shalt  }
0x50: {  	_ =	shalt  }
0x51: {  	_ =	shalt  }
0x52: {  	_ =	shalt  }
0x53: {  	_ =	shalt  }
0x54: {  	_ =	shalt  }
0x55: {  	_ =	shalt  }
0x56: {  	_ =	shalt  }
0x57: {  	_ =	shalt  }
0x58: {  	_ =	shalt  }
0x59: {  	_ =	shalt  }
0x5a: {  	_ =	shalt  }
0x5b: {  	_ =	shalt  }
0x5c: {  	_ =	shalt  }
0x5d: {  	_ =	shalt  }
0x5e: {  	_ =	shalt  }
0x5f: {  	_ =	shalt  }
0x60: {  	_ =	shalt  }
0x61: {  	_ =	shalt  }
0x62: {  	_ =	shalt  }
0x63: {  	_ =	shalt  }
0x64: {  	_ =	shalt  }
0x65: {  	_ =	shalt  }
0x66: {  	_ =	shalt  }
0x67: {  	_ =	shalt  }
0x68: {  	_ =	shalt  }
0x69: {  	_ =	shalt  }
0x6a: {  	_ =	shalt  }
0x6b: {  	_ =	shalt  }
0x6c: {  	_ =	shalt  }
0x6d: {  	_ =	shalt  }
0x6e: {  	_ =	shalt  }
0x6f: {  	_ =	shalt  }
0x70: {  	_ =	shalt  }
0x71: {  	_ =	shalt  }
0x72: {  	_ =	shalt  }
0x73: {  	_ =	shalt  }
0x74: {  	_ =	shalt  }
0x75: {  	_ =	shalt  }
0x76: {  	_ =	shalt  }
0x77: {  	_ =	shalt  }
0x78: {  	_ =	shalt  }
0x79: {  	_ =	shalt  }
0x7a: {  	_ =	shalt  }
0x7b: {  	_ =	shalt  }
0x7c: {  	_ =	shalt  }
0x7d: {  	_ =	shalt  }
0x7e: {  	_ =	shalt  }
0x7f: {  	_ =	shalt  }
0x80: {  	_ =	shalt  }
0x81: {  	_ =	shalt  }
0x82: {  	_ =	shalt  }
0x83: {  	_ =	shalt  }
0x84: {  	_ =	shalt  }
0x85: {  	_ =	shalt  }
0x86: {  	_ =	shalt  }
0x87: {  	_ =	shalt  }
.Lfunc_end0:
.L_simem_size_0:
called_computation.1_lowered:
.L_overlay_start_0:
0x88: {  	s2 =	sld [smem:$0x3FD9]  }
0x89: {  	s3 =	sld [smem:$0x3FFE];
	_ =	sdelay $0x1  }
0x8a: {  	s1 =	srdreg.scid  }
0x8b: {  	s0 =	sand.u32 $0x1, s1  }
0x8c: {  	s16 =	sshll.u32 s0, $0xA;
	s2 =	sadd.s32 s3, s2  }
0x8d: {  	s2 =	sadd.s32 s2, s16  }
0x8e: {  	[smem:$0x3FBE] =	sst s2  }
0x8f: {  	_ = 	snop  }
0x90: {  	(tm) =	ssettm $0x1  }
0x91: {  	s17 =	sld [smem:$0x3FFB];
	_ =	sdelay $0x3  }
0x92: {  	_ =	strace s17  }
0x93: {  	s2 =	sld [smem:$0x3FFC];
	_ =	sdelay $0x3  }
0x94: {  	_ =	strace s2  }
0x95: {  	s2 =	sld [smem:$0x3FFD];
	_ =	sdelay $0x3  }
0x96: {  	_ =	strace s2  }
0x97: {  	_ =	strace $0x8FFFFFFF  }
0x98: {  	s18 =	sld [smem:$0x3FDB];
	_ =	sdelay $0x1  }
0x99: {  	s19 =	simm.s32 $_scs_section_size  }
0x9a: {  	s4 =	simm.s32 $_size__tile_overlayer_lowered;
	s5 =	simm.s32 $_tile_overlayer_lowered  }
0x9b: {  	s22 =	simm.s32 $0x1BFF;
	s21 =	sshll.u32 s5, $0x1;
	s2 =	sadd.s32 s19, s18  }
0x9c: {  	s6 =	simm.s32 $0x0;
	s20 =	sshll.u32 s4, $0x1;
	s4 =	sadd.s32 s21, s2  }
0x9d: {  	[timem:s6], [sflag:s22] =	dma.local [hbm:s4], s20  }
0x9e: {  	_ =	swait.ge [sflag:s22], s20  }
0x9f: {  	s3 =	ssub.s32 $0x0, s20;
	[sflag:s22] =	ssyncset.done $0x0  }
0xa0: {  	[sflag:s22] =	ssyncadd.s32 s3;
	_ =	sdelay $0x1  }
0xa1: {  	s23 =	simm.s32 $0x1B8B  }
0xa2: {  	_ =	swait.ge [sflag:s23], $0x1  }
0xa3: {  	[sflag:s23] =	ssyncset.done $0x0  }
0xa4: {  	s25 =	simm.s32 $0x1B8E;
	s24 =	sld [smem:$0x3FFE];
	[sflag:s23] =	ssyncadd.s32 $0xFFFFFFFF  }
0xa5: {  	s26 =	simm.s32 $execute0_lowered;
	[smem:$0x3FD2] =	sst s25  }
0xa6: {  	s4 =	sshll.u32 s26, $0x1;
	_ =	strace $0x80000049;
	[dreg:$0x1] =	wrdreg $0xFFFFFFFF  }
0xa7: {  	s28 =	simm.s32 $_size_execute0_lowered;
	s2 =	sadd.s32 s2, s4;
	[dreg:$0x0] =	wrdreg $0x0  }
0xa8: {  	s4 =	sshll.u32 s28, $0x1;
	[dreg:$0x2] =	wrdreg s2  }
0xa9: {  	[dreg:$0x3] =	wrdreg s4  }
0xaa: {  	[dreg:$0x4] =	wrdreg $0xC0  }
0xab: {  	_ =	task [dreg:s6], $0x5FFFF  }
0xac: {  	[dreg:$0x1] =	wrdreg $0xFFFFFFFF  }
0xad: {  	[dreg:$0x0] =	wrdreg $0x60  }
0xae: {  	[dreg:$0x2] =	wrdreg s24  }
0xaf: {  	[dreg:$0x3] =	wrdreg $0xA2000  }
0xb0: {  	[dreg:$0x4] =	wrdreg $0x9  }
0xb1: {  	_ =	task.clear_ibuf [dreg:s6], $0x5FFFF;
	_ =	strace $0x90000049  }
0xb2: {  	s29 =	simm.s32 $0x9;
	_ =	strace $0x8000004B  }
0xb3: {  	_ =	swait.ge [sflag:s29], $0x1  }
0xb4: {  	[sflag:s29] =	ssyncadd.s32 $0xFFFFFFFF  }
0xb5: {  	_ =	strace $0x9000004B  }
0xb6: {  	_ =	sfence  }
0xb7: {  	s30 =	sld [smem:$0x0];
	_ =	sdelay $0x2  }
0xb8: {  	s31 =	sshll.u32 s1, $0xD;
	s1 =	sshrl.u32 s1, $0x2  }
0xb9: {  	s3 =	sand.u32 $0x4000, s31;
	s1 =	sadd.s32 s1, s30  }
0xba: {  	s0 =	sor.u32 s3, s0;
	s1 =	sshll.u32 s1, $0x11  }
0xbb: {  	s0 =	sor.u32 s1, s0  }
0xbc: {  	s0 =	sadd.s32 $0x8F2B, s0  }
0xbd: {  	[sflag:s0] =	ssyncadd.remote.s32 $0x1  }
0xbe: {  	_ =	sfence.sel $0xFFFF  }
0xbf: {  	[dreg:$0x0] =	wrdreg $0xFFFFFFFF;
	(pc) =	sbr.abs _section_cstart, $3  }
0xc0: {  	[dreg:$0x1] =	wrdreg $0xFFFFFFFF  }
0xc1: {  	_ =	task.clear_ibuf [dreg:s6], $0x2FFFF;
	_ =	strace $0x9FFFFFFF  }
0xc2: {  	(tm) =	ssettm $0x7FFFFFFF  }
0xc3: {  	_ =	shalt  }
tec
execute0_lowered:
.L_overlay_start_1:
0x0: {  	(tag) =	ssettag $0x1  }
0x1: {  	s0 =	rddreg [dreg:$0x0]  }
0x2: {  	s1 =	rddreg [dreg:$0x1]  }
0x3: {  	s2 =	srdreg.scid;
	s3 =	simm.s32 $0x0;
	s11 =	stileid.u32  }
0x4: {  	s28 =	simm.s32 $0x2;
	s29 =	simm.s32 $0x3;
	s31 =	simm.s32 $0x80  }
0x5: {  	s30 =	simm.s32 $0x0;
	s2 =	sand.u32 $0x1, s2;
	s6 =	smul.u32 $0x14000, s11  }
0x6: {  	[smem:$0x7FF] =	sst s3;
	s4 =	sadd.s32 $0xCA00, s0;
	s7 =	smul.u32 $0x50000, s11  }
0x7: {  	s8 =	sadd.s32 $0x5D200, s0;
	s9 =	sadd.s32 $0x2600, s0;
	s15 =	smul.u32 $0x1580, s11  }
0x8: {  	s10 =	sadd.s32 $0xC600, s0;
	s5 =	smul.u32 $0x140000, s2;
	_ =	strace $0x8000004A  }
0x9: {  	s13 =	ssub.s32 $0x2, s2;
	[dreg:$0x3] =	wrdreg s10;
	p0 =	seq.s32 s2, $0x0  }
0xa: {  	s2 =	smul.u32 $0x3A80, s11;
	s14 =	sshrl.u32 s13, $0x1;
	s7 =	sshrl.u32 s7, $0x2  }
0xb: {  	s18 =	sadd.s32 $0x3A800, s15;
	s5 =	sadd.s32 s6, s5;
	s6 =	simm.s32 $0x75  }
0xc: {  	s7 =	sadd.s32 s7, s1;
	s18 =	smov.u32 @p0 s2;
	s2 =	simm.s32 $0x1  }
0xd: {  	s5 =	sshrl.u32 s5, $0x3;
	s6 =	simm.s32 @!p0 $0x2B;
	s17 =	sadd.s32 $0x2000, s7  }
0xe: {  	s19 =	sadd.s32 $0x4000, s7;
	s20 =	sadd.s32 $0x6000, s7;
	[dreg:$0x6] =	wrdreg s17  }
0xf: {  	s21 =	sadd.s32 $0x8000, s7;
	s22 =	sadd.s32 $0xA000, s7;
	[dreg:$0x7] =	wrdreg s19  }
0x10: {  	s15 =	sadd.s32 $0xC000, s7;
	s23 =	sshrl.u32 s18, $0x3;
	[dreg:$0x8] =	wrdreg s20  }
0x11: {  	s0 =	sadd.s32 s5, s0;
	s5 =	ssub.s32 s13, s14;
	[dreg:$0x9] =	wrdreg s21  }
0x12: {  	[dreg:$0xa] =	wrdreg s22;
	s17 =	sadd.s32 $0x10000, s7;
	s18 =	sadd.s32 s8, s23  }
0x13: {  	s19 =	sadd.s32 s9, s23;
	s24 =	sadd.s32 $0x10, s23;
	s25 =	sshll.u32 s6, $0x4  }
0x14: {  	s22 =	sadd.s32 $0x12000, s7;
	s0 =	sadd.s32 $0x67200, s0;
	s16 =	smax.u32 s5, $0x1  }
0x15: {  	s20 =	sadd.s32 s24, s9;
	s21 =	sadd.s32 s24, s8;
	[dreg:$0x4] =	wrdreg s0  }
0x16: {  	[dreg:$0x5] =	wrdreg s16;
	s16 =	sadd.s32 $0xE000, s7;
	s0 =	sadd.s32 $0x20, s23  }
0x17: {  	s23 =	sadd.s32 $0xFFFFFFF0, s25;
	s26 =	sadd.s32 s0, s9;
	s0 =	sadd.s32 s0, s8  }
0x18: {  	s24 =	sadd.s32 $0xFFFFFFF0, s26;
	s25 =	sadd.s32 $0xFFFFFFF0, s0;
	s26 =	simm.s32 $0x8200  }
.LBB2_1:
0x19: {  	s0 =	rddreg [dreg:$0x3]  }
0x1a: {  	[tilespmem:s26], [sflag:$0x2] =	stream.linear.gather [hbm4b:s0+s3], $0x2000, $0x38;
	[tilespmem:$0x1E200] =	vst v63  }
0x1b: {  	_ =	swait.ge [sflag:s28], $0x2000  }
0x1c: {  	[sflag:s28] =	ssyncset.done $0x0  }
0x1d: {  	[sflag:s28] =	ssyncadd.s32 $0xFFFFE000  }
0x1e: {  	[spmem:s7] =	stream.linear.scatter [tilespmem:s26], [sflag:$0x2], $0x2000, $0x38;
	[tilespmem:$0x1E200] =	vst v63  }
0x1f: {  	_ =	swait.ge [sflag:s28], $0x2000  }
0x20: {  	[sflag:s28] =	ssyncset.done $0x0  }
0x21: {  	s8 =	rddreg [dreg:$0x6];
	[sflag:s28] =	ssyncadd.s32 $0xFFFFE000  }
0x22: {  	[spmem:s8] =	stream.linear.scatter [tilespmem:s26], [sflag:$0x2], $0x2000, $0x38;
	[tilespmem:$0x1E200] =	vst v63  }
0x23: {  	_ =	swait.ge [sflag:s28], $0x2000  }
0x24: {  	[sflag:s28] =	ssyncset.done $0x0  }
0x25: {  	s9 =	rddreg [dreg:$0x7];
	[sflag:s28] =	ssyncadd.s32 $0xFFFFE000  }
0x26: {  	[spmem:s9] =	stream.linear.scatter [tilespmem:s26], [sflag:$0x2], $0x2000, $0x38;
	[tilespmem:$0x1E200] =	vst v63  }
0x27: {  	_ =	swait.ge [sflag:s28], $0x2000  }
0x28: {  	[sflag:s28] =	ssyncset.done $0x0  }
0x29: {  	s10 =	rddreg [dreg:$0x8];
	[sflag:s28] =	ssyncadd.s32 $0xFFFFE000  }
0x2a: {  	[spmem:s10] =	stream.linear.scatter [tilespmem:s26], [sflag:$0x2], $0x2000, $0x38;
	[tilespmem:$0x1E200] =	vst v63  }
0x2b: {  	_ =	swait.ge [sflag:s28], $0x2000  }
0x2c: {  	[sflag:s28] =	ssyncset.done $0x0  }
0x2d: {  	s11 =	rddreg [dreg:$0x9];
	[sflag:s28] =	ssyncadd.s32 $0xFFFFE000  }
0x2e: {  	[spmem:s11] =	stream.linear.scatter [tilespmem:s26], [sflag:$0x2], $0x2000, $0x38;
	[tilespmem:$0x1E200] =	vst v63  }
0x2f: {  	_ =	swait.ge [sflag:s28], $0x2000  }
0x30: {  	[sflag:s28] =	ssyncset.done $0x0  }
0x31: {  	s12 =	rddreg [dreg:$0xa];
	[sflag:s28] =	ssyncadd.s32 $0xFFFFE000  }
0x32: {  	[spmem:s12] =	stream.linear.scatter [tilespmem:s26], [sflag:$0x2], $0x2000, $0x38;
	[tilespmem:$0x1E200] =	vst v63  }
0x33: {  	_ =	swait.ge [sflag:s28], $0x2000  }
0x34: {  	[sflag:s28] =	ssyncset.done $0x0  }
0x35: {  	[sflag:s28] =	ssyncadd.s32 $0xFFFFE000  }
0x36: {  	[spmem:s15] =	stream.linear.scatter [tilespmem:s26], [sflag:$0x2], $0x2000, $0x38;
	[tilespmem:$0x1E200] =	vst v63  }
0x37: {  	_ =	swait.ge [sflag:s28], $0x2000  }
0x38: {  	[sflag:s28] =	ssyncset.done $0x0  }
0x39: {  	[sflag:s28] =	ssyncadd.s32 $0xFFFFE000  }
0x3a: {  	[spmem:s16] =	stream.linear.scatter [tilespmem:s26], [sflag:$0x2], $0x2000, $0x38;
	[tilespmem:$0x1E200] =	vst v63  }
0x3b: {  	_ =	swait.ge [sflag:s28], $0x2000  }
0x3c: {  	[sflag:s28] =	ssyncset.done $0x0  }
0x3d: {  	[sflag:s28] =	ssyncadd.s32 $0xFFFFE000  }
0x3e: {  	[spmem:s17] =	stream.linear.scatter [tilespmem:s26], [sflag:$0x2], $0x2000, $0x38;
	[tilespmem:$0x1E200] =	vst v63  }
0x3f: {  	_ =	swait.ge [sflag:s28], $0x2000  }
0x40: {  	[sflag:s28] =	ssyncset.done $0x0  }
0x41: {  	[sflag:s28] =	ssyncadd.s32 $0xFFFFE000  }
0x42: {  	[spmem:s22] =	stream.linear.scatter [tilespmem:s26], [sflag:$0x2], $0x2000, $0x38;
	[tilespmem:$0x1E200] =	vst v63  }
0x43: {  	_ =	swait.ge [sflag:s28], $0x2000  }
0x44: {  	[sflag:s28] =	ssyncset.done $0x0  }
0x45: {  	[sflag:s28] =	ssyncadd.s32 $0xFFFFE000  }
0x46: {  	[bflag:$0x0] =	sbarrier.arrive $0xFFFF  }
0x47: {  	[tilespmem:s3], [sflag:$0x3] =	stream.linear.gather [hbm4b:s18+s3], $0x80, $0x38;
	[tilespmem:$0x1E200] =	vst v63  }
0x48: {  	_ =	swait.ge [sflag:s29], $0x80  }
0x49: {  	[sflag:s29] =	ssyncset.done $0x0  }
0x4a: {  	s13 =	simm.s32 $0x100;
	p1 =	sne.s32 s23, $0x10;
	[sflag:s29] =	ssyncadd.s32 $0xFFFFFF80  }
0x4b: {  	[tilespmem:s13], [sflag:$0x3] =	stream.linear.gather [hbm4b:s19+s3], $0x80, $0x38;
	[tilespmem:$0x1E200] =	vst v63  }
.Ltmp0:
0x4c: {  	_ = 	snop;
	(pc) =	sbr.rel @!p1 .LBB2_2-.Ltmp0, $4  }
0x4d: {  	_ =	swait.ge [sflag:s29], $0x80  }
0x4e: {  	s14 =	simm.s32 $0x200;
	[sflag:s29] =	ssyncset.done $0x0  }
0x4f: {  	p0 =	por $0x0, $0x0;
	s8 =	simm.s32 $0x10;
	[sflag:s29] =	ssyncadd.s32 $0xFFFFFF80  }
0x50: {  	[tilespmem:s14], [sflag:$0x1] =	stream.indirect.gather [hbm4b:s4+s31], $0x80, s3, s31, $0xb8;
	[tilespmem:$0x1E200] =	vst v63  }
0x51: {  	s0 =	sand.u32 $0x1, s2  }
0x52: {  	s5 =	sadd.s32 $0x0, s21;
	s9 =	sshll.u32 s0, $0x7  }
0x53: {  	[tilespmem:s9], [sflag:$0x3] =	stream.linear.gather [hbm4b:s5+s3], $0x80, $0x38;
	[tilespmem:$0x1E200] =	vst v63  }
0x54: {  	_ =	swait.ge [sflag:s29], $0x80  }
0x55: {  	[sflag:s29] =	ssyncset.done $0x0  }
0x56: {  	s10 =	sadd.s32 $0x0, s20;
	s12 =	sor.u32 $0x100, s9;
	[sflag:s29] =	ssyncadd.s32 $0xFFFFFF80  }
0x57: {  	[tilespmem:s12], [sflag:$0x3] =	stream.linear.gather [hbm4b:s10+s3], $0x80, $0x38;
	[tilespmem:$0x1E200] =	vst v63  }
0x58: {  	_ =	swait.ge [sflag:s29], $0x80  }
0x59: {  	s13 =	sshll.u32 s0, $0xE;
	[sflag:s29] =	ssyncset.done $0x0  }
0x5a: {  	s0 =	sxor.u32 $0x1, s0;
	s5 =	sor.u32 $0x200, s13;
	[sflag:s29] =	ssyncadd.s32 $0xFFFFFF80  }
0x5b: {  	[tilespmem:s5], [sflag:$0x1] =	stream.indirect.gather [hbm4b:s4+s31], $0x80, s9, s31, $0xb8;
	[tilespmem:$0x1E200] =	vst v63  }
0x5c: {  	p1 =	sne.s32 s23, $0x20;
	s14 =	sshll.u32 s0, $0xE;
	_ =	swait.ge [sflag:s2], $0x4000  }
.Ltmp1:
0x5d: {  	s0 =	sshll.u32 s0, $0x7;
	[sflag:s2] =	ssyncset.done $0x0;
	(pc) =	sbr.rel @!p1 .LBB2_4-.Ltmp1, $4  }
0x5e: {  	s0 =	sor.u32 $0x100, s0;
	s5 =	sor.u32 $0x200, s14;
	[sflag:s2] =	ssyncadd.s32 $0xFFFFC000  }
0x5f: {  	[spmem:s1] =	stream.indirect.scatter.add.f32 [tilespmem:s5], [sflag:$0x2], $0x80, s0, s31, $0xb8;
	[tilespmem:$0x1E200] =	vst v63  }
0x60: {  	p0 =	por $0x1, $0x1;
	_ =	swait.ge [sflag:s28], $0x4000  }
0x61: {  	s0 =	simm.s32 $0x20;
	s5 =	simm.s32 $0x2;
	[sflag:s28] =	ssyncset.done $0x0  }
.LBB2_5:
0x62: {  	s9 =	sand.u32 $0x1, s5;
	s10 =	sadd.s32 s8, s21;
	[sflag:s28] =	ssyncadd.s32 $0xFFFFC000  }
0x63: {  	s11 =	sshll.u32 s9, $0x7;
	s12 =	sshll.u32 s9, $0xE;
	s9 =	sxor.u32 $0x1, s9  }
0x64: {  	[tilespmem:s11], [sflag:$0x3] =	stream.linear.gather [hbm4b:s10+s3], $0x80, $0x38;
	[tilespmem:$0x1E200] =	vst v63  }
0x65: {  	s10 =	sshll.u32 s9, $0xE;
	s9 =	sshll.u32 s9, $0x7;
	_ =	swait.ge [sflag:s29], $0x80  }
0x66: {  	s13 =	smov.u32 s0;
	s0 =	sadd.s32 $0x10, s0;
	[sflag:s29] =	ssyncset.done $0x0  }
0x67: {  	s8 =	sadd.s32 s8, s20;
	s14 =	sor.u32 $0x100, s11;
	[sflag:s29] =	ssyncadd.s32 $0xFFFFFF80  }
0x68: {  	[tilespmem:s14], [sflag:$0x3] =	stream.linear.gather [hbm4b:s8+s3], $0x80, $0x38;
	[tilespmem:$0x1E200] =	vst v63  }
0x69: {  	p1 =	sne.s32 s23, s0;
	s8 =	smov.u32 s13;
	_ =	swait.ge [sflag:s29], $0x80  }
0x6a: {  	[sflag:s29] =	ssyncset.done $0x0  }
0x6b: {  	s12 =	sor.u32 $0x200, s12;
	[sflag:s29] =	ssyncadd.s32 $0xFFFFFF80  }
0x6c: {  	[tilespmem:s12], [sflag:$0x1] =	stream.indirect.gather [hbm4b:s4+s31], $0x80, s11, s31, $0xb8;
	[tilespmem:$0x1E200] =	vst v63  }
0x6d: {  	_ =	swait.ge [sflag:s2], $0x4000  }
.Ltmp2:
0x6e: {  	[sflag:s2] =	ssyncset.done $0x0;
	(pc) =	sbr.rel @p1 .LBB2_5-.Ltmp2, $4  }
0x6f: {  	s10 =	sor.u32 $0x200, s10;
	s9 =	sor.u32 $0x100, s9;
	[sflag:s2] =	ssyncadd.s32 $0xFFFFC000  }
0x70: {  	[spmem:s1] =	stream.indirect.scatter.add.f32 [tilespmem:s10], [sflag:$0x2], $0x80, s9, s31, $0xb8;
	[tilespmem:$0x1E200] =	vst v63  }
0x71: {  	_ =	swait.ge [sflag:s28], $0x4000  }
0x72: {  	s5 =	sadd.s32 $0x1, s5;
	[sflag:s28] =	ssyncset.done $0x0  }
0x73: {  	s9 =	smov.u32 s8;
	s8 =	smov.u32 s0  }
.LBB2_7:
0x74: {  	s0 =	sand.u32 $0x1, s5  }
0x75: {  	s10 =	sadd.s32 s9, s21;
	[sflag:s28] =	ssyncadd.s32 @p0 $0xFFFFC000;
	s11 =	sshll.u32 s0, $0x7  }
0x76: {  	[tilespmem:s11], [sflag:$0x3] =	stream.linear.gather [hbm4b:s10+s3], $0x80, $0x38;
	[tilespmem:$0x1E200] =	vst v63  }
0x77: {  	_ =	swait.ge [sflag:s29], $0x80  }
0x78: {  	[sflag:s29] =	ssyncset.done $0x0  }
0x79: {  	s12 =	sadd.s32 s9, s20;
	s14 =	sor.u32 $0x100, s11;
	[sflag:s29] =	ssyncadd.s32 $0xFFFFFF80  }
0x7a: {  	[tilespmem:s14], [sflag:$0x3] =	stream.linear.gather [hbm4b:s12+s3], $0x80, $0x38;
	[tilespmem:$0x1E200] =	vst v63  }
0x7b: {  	_ =	swait.ge [sflag:s29], $0x80  }
0x7c: {  	s13 =	sshll.u32 s0, $0xE;
	[sflag:s29] =	ssyncset.done $0x0  }
0x7d: {  	s9 =	sor.u32 $0x200, s13;
	[sflag:s29] =	ssyncadd.s32 $0xFFFFFF80  }
0x7e: {  	[tilespmem:s9], [sflag:$0x1] =	stream.indirect.gather [hbm4b:s4+s31], $0x80, s11, s31, $0xb8;
	[tilespmem:$0x1E200] =	vst v63  }
0x7f: {  	s0 =	sxor.u32 $0x1, s0;
	_ =	swait.ge [sflag:s2], $0x4000  }
0x80: {  	s14 =	sshll.u32 s0, $0xE;
	s0 =	sshll.u32 s0, $0x7;
	[sflag:s2] =	ssyncset.done $0x0  }
0x81: {  	s0 =	sor.u32 $0x100, s0;
	s9 =	sor.u32 $0x200, s14;
	[sflag:s2] =	ssyncadd.s32 $0xFFFFC000  }
0x82: {  	[spmem:s1] =	stream.indirect.scatter.add.f32 [tilespmem:s9], [sflag:$0x2], $0x80, s0, s31, $0xb8;
	[tilespmem:$0x1E200] =	vst v63  }
0x83: {  	s9 =	sadd.s32 $0x1, s5  }
0x84: {  	_ =	swait.ge [sflag:s28], $0x4000;
	s5 =	sand.u32 $0x1, s9;
	p0 =	sge.u32 s9, s6  }
0x85: {  	[sflag:s28] =	ssyncset.done $0x0;
	s0 =	sshll.u32 @!p0 s5, $0x7  }
0x86: {  	s9 =	sadd.s32 @!p0 s8, s25;
	s10 =	simm.s32 @!p0 $0x0;
	[sflag:s28] =	ssyncadd.s32 $0xFFFFC000  }
0x87: {  	[tilespmem:s0], [sflag:$0x3] =	stream.linear.gather @!p0 [hbm4b:s9+s10], $0x80, $0x38;
	[tilespmem:$0x1E200] =	vst v63  }
0x88: {  	s9 =	simm.s32 @!p0 $0x3  }
0x89: {  	_ =	swait.ge @!p0 [sflag:s9], $0x80  }
0x8a: {  	[sflag:s9] =	ssyncset.done @!p0 $0x0  }
0x8b: {  	s8 =	sadd.s32 @!p0 s8, s24;
	s11 =	sor.u32 @!p0 $0x100, s0;
	[sflag:s9] =	ssyncadd.s32 @!p0 $0xFFFFFF80  }
0x8c: {  	[tilespmem:s11], [sflag:$0x3] =	stream.linear.gather @!p0 [hbm4b:s8+s10], $0x80, $0x38;
	[tilespmem:$0x1E200] =	vst v63  }
0x8d: {  	_ =	swait.ge @!p0 [sflag:s9], $0x80  }
0x8e: {  	s8 =	sshll.u32 @!p0 s5, $0xE;
	[sflag:s9] =	ssyncset.done @!p0 $0x0  }
0x8f: {  	s8 =	sor.u32 @!p0 $0x200, s8;
	[sflag:s9] =	ssyncadd.s32 @!p0 $0xFFFFFF80;
	s9 =	simm.s32 @!p0 $0x80  }
0x90: {  	[tilespmem:s8], [sflag:$0x1] =	stream.indirect.gather @!p0 [hbm4b:s4+s9], $0x80, s0, s9, $0xb8;
	[tilespmem:$0x1E200] =	vst v63  }
0x91: {  	s10 =	sxor.u32 $0x1, s5;
	_ =	swait.ge [sflag:s2], $0x4000  }
0x92: {  	s5 =	sshll.u32 s10, $0xE;
	s0 =	sshll.u32 s10, $0x7;
	[sflag:s2] =	ssyncset.done $0x0  }
0x93: {  	s5 =	sor.u32 $0x200, s5;
	s0 =	sor.u32 $0x100, s0;
	[sflag:s2] =	ssyncadd.s32 $0xFFFFC000  }
0x94: {  	[spmem:s1] =	stream.indirect.scatter.add.f32 [tilespmem:s5], [sflag:$0x2], $0x80, s0, s31, $0xb8;
	[tilespmem:$0x1E200] =	vst v63  }
0x95: {  	_ =	swait.ge [sflag:s28], $0x4000  }
0x96: {  	[sflag:s28] =	ssyncset.done $0x0  }
0x97: {  	s11 =	stileid.u32;
	[sflag:s28] =	ssyncadd.s32 $0xFFFFC000  }
0x98: {  	s0 =	sshll.u32 s11, $0x6;
	[bflag:$0x0] =	sbarrier.arrive $0xFFFF  }
0x99: {  	s12 =	sshrl.u32 s7, $0x3;
	s0 =	sor.u32 $0x1C02, s0;
	s13 =	rddreg [dreg:$0x4]  }
0x9a: {  	[hbm:s13], [sflag:s0] =	dma.local [spmem:s12], $0x2800  }
0x9b: {  	_ =	swait.ge [sflag:s28], $0x2800  }
0x9c: {  	s30 =	sadd.s32 $0x1, s30;
	s14 =	rddreg [dreg:$0x5]  }
0x9d: {  	p0 =	sne.s32 s30, s14  }
.Ltmp3:
0x9e: {  	_ = 	snop;
	(pc) =	sbr.rel @p0 .LBB2_1-.Ltmp3, $4  }
.Ltmp4:
0x9f: {  	_ = 	snop;
	(pc) =	sbr.rel @!p0 .LBB2_8-.Ltmp4, $4  }
0xa0: {  	_ = 	snop  }
0xa1: {  	[sflag:s28] =	ssyncset.done $0x0  }
0xa2: {  	[sflag:s28] =	ssyncadd.s32 $0xFFFFD800  }
0xa3: {  	_ = 	snop  }
.LBB2_2:
.Ltmp5:
0xa4: {  	(pc) =	sbr.rel .LBB2_7-.Ltmp5, $2  }
0xa5: {  	_ =	sdelay $0x2  }
0xa6: {  	s5 =	simm.s32 $0x1;
	s9 =	simm.s32 $0x0  }
.LBB2_4:
.Ltmp6:
0xa7: {  	(pc) =	sbr.rel .LBB2_7-.Ltmp6, $2  }
0xa8: {  	_ =	sdelay $0x2  }
0xa9: {  	s9 =	simm.s32 $0x10;
	s8 =	simm.s32 $0x20  }
.LBB2_8:
0xaa: {  	_ =	sfence.sel $0x180000  }
0xab: {  	[bflag:$0x0] =	sbarrier.arrive $0xFFFF  }
0xac: {  	_ =	strace $0x9000004A  }
0xad: {  	s0 =	stileid.u32;
	[bflag:$0x2] =	sbarrier.arrive $0xFFFF  }
0xae: {  	p0 =	sne.s32 s0, $0x0;
	s0 =	rddreg [dreg:$0x2]  }
0xaf: {  	s0 =	sadd.s32 @!p0 $0x100000, s0  }
0xb0: {  	[sflag:s0] =	ssyncadd.tile.s32 @!p0 $0x1;
	_ =	shalt  }
.Lfunc_end2:
_tile_overlayer_lowered:
.L_overlay_start_2:
0xb1: {  	(tag) =	ssettag $0x2  }
0xb2: {  	s0 =	rddreg [dreg:$0x0];
	s2 =	stileid.u32  }
0xb3: {  	s1 =	rddreg [dreg:$0x1];
	p0 =	sne.s32 s2, $0x0  }
0xb4: {  	s3 =	rddreg [dreg:$0x2];
	[bflag:$0x3] =	sbarrier.arrive $0xFFFF;
	s2 =	simm.s32 @!p0 $0x1C02  }
0xb5: {  	[timem:s3], [sflag:s2] =	dma.local @!p0 [hbm:s0], s1  }
0xb6: {  	s0 =	simm.s32 @!p0 $0x2  }
0xb7: {  	_ =	swait.ge @!p0 [sflag:s0], s1  }
0xb8: {  	s1 =	ssub.s32 @!p0 $0x0, s1;
	[sflag:s0] =	ssyncset.done @!p0 $0x0  }
0xb9: {  	[sflag:s0] =	ssyncadd.s32 @!p0 s1  }
0xba: {  	[bflag:$0x3] =	sbarrier.arrive $0xFFFF  }
0xbb: {  	_ =	shalt  }

// kernel: kernel.18.cloned.1.call-start
scs
__scs_entry_jumppad:
0x0: {  	(pc) =	sbr.rel $0x88, $3  }
0x1: {  	(tag) =	ssettag $0x0;
	lr =	simm.s32 $0x1  }
0x2: {  	[smem:$0x3F97] =	sst lr;
	_ =	strace $0xD0000000  }
0x3: {  	_ = 	snop  }
0x4: {  	_ = 	snop  }
0x5: {  	_ = 	snop  }
0x6: {  	_ = 	snop  }
0x7: {  	_ = 	snop  }
__scs_overlays_trampoline_lowered:
0x8: {  	[smem:$0x3FA6] =	sst s0  }
0x9: {  	[smem:$0x3FA7] =	sst s1  }
0xa: {  	[smem:$0x3FA8] =	sst s2  }
0xb: {  	[smem:$0x3FA9] =	sst s3  }
0xc: {  	[smem:$0x3FAA] =	sst s4  }
0xd: {  	[smem:$0x3FAB] =	sst s5  }
0xe: {  	[smem:$0x3FAC] =	sst s6  }
0xf: {  	[smem:$0x3FAD] =	sst s7  }
0x10: {  	[smem:$0x3FAE] =	sst s8  }
0x11: {  	[smem:$0x3FAF] =	sst s9;
	s0 =	simm.s32 @!p0 $0x0  }
0x12: {  	s1 =	sld [smem:$0x3F95];
	s0 =	simm.s32 @p0 $0x1  }
0x13: {  	[smem:$0x3FB0] =	sst s0;
	s0 =	simm.s32 @!p1 $0x0  }
0x14: {  	s2 =	sld [smem:$0x3F94];
	s0 =	simm.s32 @p1 $0x1  }
0x15: {  	[smem:$0x3FB1] =	sst s0;
	s0 =	simm.s32 @!p2 $0x0  }
0x16: {  	s3 =	sld [smem:$0x3FDB];
	s0 =	simm.s32 @p2 $0x1  }
0x17: {  	s4 =	simm.s32 $0x1BF5;
	[smem:$0x3FB3] =	sst s0  }
0x18: {  	s0 =	sld [smem:$0x3F96];
	_ =	swait.ge [sflag:s4], $0x0  }
0x19: {  	s7 =	sld [smem:$0x3F97]  }
0x1a: {  	s8 =	sadd.s32 $0xFFFFE003, lr  }
0x1b: {  	s9 =	sadd.s32 $0xFFFFFEF7, lr;
	s5 =	simm.s32 $0xFFFFFFFF;
	p2 =	slt.u32 s8, $0xFFFFF086  }
0x1c: {  	p1 =	slt.u32 s9, $0xF7A;
	s5 =	simm.s32 @!p2 $0x0  }
0x1d: {  	s5 =	simm.s32 @p1 $0x1;
	p0 =	seq.s32 s7, s2  }
0x1e: {  	s7 =	smul.u32 @!p0 $0xF7A, s2;
	p2 =	seq.s32 @!p0 s5, $0x0  }
0x1f: {  	s9 =	smul.u32 $0xF7A, s1;
	s8 =	simm.s32 @!p0 $0x1BF5;
	p2 =	por !p2, p0  }
0x20: {  	[sflag:s8] =	ssyncset.s32 @!p0 $0xFFFFF086;
	s6 =	sadd.s32 @!p0 s3, s7;
	s7 =	simm.s32 @!p0 $0x108  }
0x21: {  	s3 =	sadd.s32 s3, s9;
	s6 =	sadd.s32 @!p0 $0x88, s6;
	s7 =	simm.s32 @p2 $0x1082  }
0x22: {  	[simem:s7], [sflag:s8] =	dma.local @!p0 [hbm:s6], $0xF7A  }
0x23: {  	s9 =	sor.u32 $0xD0000000, s2;
	s6 =	simm.s32 $0x108;
	_ =	swait.ge @!p0 [sflag:s8], $0x0  }
0x24: {  	s3 =	sadd.s32 $0x88, s3;
	s6 =	simm.s32 @!p1 $0x1082;
	[sflag:s4] =	ssyncset.s32 $0xFFFFF086  }
0x25: {  	[simem:s6], [sflag:s4] =	dma.local [hbm:s3], $0xF7A  }
0x26: {  	[smem:$0x3F97] =	sst s1;
	(tag) =	ssettag s2;
	_ =	strace s9  }
0x27: {  	s1 =	sld [smem:$0x3FA7]  }
0x28: {  	s2 =	sld [smem:$0x3FA8]  }
0x29: {  	s4 =	sld [smem:$0x3FAA]  }
0x2a: {  	p0 =	seq.s32 s5, $0x0;
	s5 =	sld [smem:$0x3FAB]  }
0x2b: {  	s6 =	sld [smem:$0x3FAC]  }
0x2c: {  	s7 =	sld [smem:$0x3FAD]  }
0x2d: {  	s3 =	simm.s32 $0x108;
	s8 =	sld [smem:$0x3FAE]  }
0x2e: {  	s3 =	simm.s32 @!p0 $0x1082;
	s9 =	sld [smem:$0x3FAF]  }
0x2f: {  	lr =	sadd.s32 s0, s3;
	s0 =	sld [smem:$0x3FA6]  }
0x30: {  	s3 =	sld [smem:$0x3FA9]  }
0x31: {  	[smem:$0x3FB2] =	sst s10  }
0x32: {  	s10 =	sld [smem:$0x3FB0];
	_ =	sdelay $0x3  }
0x33: {  	p0 =	seq.s32 s10, $0x1;
	s10 =	sld [smem:$0x3FB2];
	_ =	sdelay $0x3  }
0x34: {  	[smem:$0x3FB2] =	sst s10  }
0x35: {  	s10 =	sld [smem:$0x3FB1];
	_ =	sdelay $0x3  }
0x36: {  	p1 =	seq.s32 s10, $0x1;
	s10 =	sld [smem:$0x3FB2];
	_ =	sdelay $0x3  }
0x37: {  	[smem:$0x3FB2] =	sst s10  }
0x38: {  	s10 =	sld [smem:$0x3FB3]  }
0x39: {  	_ = 	snop;
	(pc) =	sbr.ind lr, $3  }
0x3a: {  	_ = 	snop  }
0x3b: {  	_ = 	snop  }
0x3c: {  	p2 =	seq.s32 s10, $0x1;
	s10 =	sld [smem:$0x3FB2]  }
0x3d: {  	_ =	shalt  }
0x3e: {  	_ =	shalt  }
0x3f: {  	_ =	shalt  }
0x40: {  	_ =	shalt  }
0x41: {  	_ =	shalt  }
0x42: {  	_ =	shalt  }
0x43: {  	_ =	shalt  }
0x44: {  	_ =	shalt  }
0x45: {  	_ =	shalt  }
0x46: {  	_ =	shalt  }
0x47: {  	_ =	shalt  }
0x48: {  	_ =	shalt  }
0x49: {  	_ =	shalt  }
0x4a: {  	_ =	shalt  }
0x4b: {  	_ =	shalt  }
0x4c: {  	_ =	shalt  }
0x4d: {  	_ =	shalt  }
0x4e: {  	_ =	shalt  }
0x4f: {  	_ =	shalt  }
0x50: {  	_ =	shalt  }
0x51: {  	_ =	shalt  }
0x52: {  	_ =	shalt  }
0x53: {  	_ =	shalt  }
0x54: {  	_ =	shalt  }
0x55: {  	_ =	shalt  }
0x56: {  	_ =	shalt  }
0x57: {  	_ =	shalt  }
0x58: {  	_ =	shalt  }
0x59: {  	_ =	shalt  }
0x5a: {  	_ =	shalt  }
0x5b: {  	_ =	shalt  }
0x5c: {  	_ =	shalt  }
0x5d: {  	_ =	shalt  }
0x5e: {  	_ =	shalt  }
0x5f: {  	_ =	shalt  }
0x60: {  	_ =	shalt  }
0x61: {  	_ =	shalt  }
0x62: {  	_ =	shalt  }
0x63: {  	_ =	shalt  }
0x64: {  	_ =	shalt  }
0x65: {  	_ =	shalt  }
0x66: {  	_ =	shalt  }
0x67: {  	_ =	shalt  }
0x68: {  	_ =	shalt  }
0x69: {  	_ =	shalt  }
0x6a: {  	_ =	shalt  }
0x6b: {  	_ =	shalt  }
0x6c: {  	_ =	shalt  }
0x6d: {  	_ =	shalt  }
0x6e: {  	_ =	shalt  }
0x6f: {  	_ =	shalt  }
0x70: {  	_ =	shalt  }
0x71: {  	_ =	shalt  }
0x72: {  	_ =	shalt  }
0x73: {  	_ =	shalt  }
0x74: {  	_ =	shalt  }
0x75: {  	_ =	shalt  }
0x76: {  	_ =	shalt  }
0x77: {  	_ =	shalt  }
0x78: {  	_ =	shalt  }
0x79: {  	_ =	shalt  }
0x7a: {  	_ =	shalt  }
0x7b: {  	_ =	shalt  }
0x7c: {  	_ =	shalt  }
0x7d: {  	_ =	shalt  }
0x7e: {  	_ =	shalt  }
0x7f: {  	_ =	shalt  }
0x80: {  	_ =	shalt  }
0x81: {  	_ =	shalt  }
0x82: {  	_ =	shalt  }
0x83: {  	_ =	shalt  }
0x84: {  	_ =	shalt  }
0x85: {  	_ =	shalt  }
0x86: {  	_ =	shalt  }
0x87: {  	_ =	shalt  }
.Lfunc_end0:
.L_simem_size_0:
called_computation.2_lowered:
.L_overlay_start_0:
0x88: {  	s2 =	sld [smem:$0x3FD9]  }
0x89: {  	s3 =	sld [smem:$0x3FFE];
	_ =	sdelay $0x1  }
0x8a: {  	s1 =	srdreg.scid  }
0x8b: {  	s0 =	sand.u32 $0x1, s1  }
0x8c: {  	s16 =	sshll.u32 s0, $0xA;
	s2 =	sadd.s32 s3, s2  }
0x8d: {  	s2 =	sadd.s32 s2, s16  }
0x8e: {  	[smem:$0x3FBE] =	sst s2  }
0x8f: {  	_ = 	snop  }
0x90: {  	(tm) =	ssettm $0x1  }
0x91: {  	s17 =	sld [smem:$0x3FFB];
	_ =	sdelay $0x3  }
0x92: {  	_ =	strace s17  }
0x93: {  	s2 =	sld [smem:$0x3FFC];
	_ =	sdelay $0x3  }
0x94: {  	_ =	strace s2  }
0x95: {  	s2 =	sld [smem:$0x3FFD];
	_ =	sdelay $0x3  }
0x96: {  	_ =	strace s2  }
0x97: {  	_ =	strace $0x8FFFFFFF  }
0x98: {  	s18 =	sld [smem:$0x3FDB];
	_ =	sdelay $0x1  }
0x99: {  	s19 =	simm.s32 $_scs_section_size  }
0x9a: {  	s4 =	simm.s32 $_size__tile_overlayer_lowered;
	s5 =	simm.s32 $_tile_overlayer_lowered  }
0x9b: {  	s22 =	simm.s32 $0x1BFF;
	s21 =	sshll.u32 s5, $0x1;
	s2 =	sadd.s32 s19, s18  }
0x9c: {  	s6 =	simm.s32 $0x0;
	s20 =	sshll.u32 s4, $0x1;
	s4 =	sadd.s32 s21, s2  }
0x9d: {  	[timem:s6], [sflag:s22] =	dma.local [hbm:s4], s20  }
0x9e: {  	_ =	swait.ge [sflag:s22], s20  }
0x9f: {  	s3 =	ssub.s32 $0x0, s20;
	[sflag:s22] =	ssyncset.done $0x0  }
0xa0: {  	[sflag:s22] =	ssyncadd.s32 s3;
	_ =	sdelay $0x1  }
0xa1: {  	s23 =	simm.s32 $0x1B8B  }
0xa2: {  	_ =	swait.ge [sflag:s23], $0x1  }
0xa3: {  	[sflag:s23] =	ssyncset.done $0x0  }
0xa4: {  	s25 =	simm.s32 $0x1B8E;
	s24 =	sld [smem:$0x3FFE];
	[sflag:s23] =	ssyncadd.s32 $0xFFFFFFFF  }
0xa5: {  	s26 =	simm.s32 $execute0_lowered;
	[smem:$0x3FD2] =	sst s25  }
0xa6: {  	s4 =	sshll.u32 s26, $0x1;
	_ =	strace $0x8000004C;
	[dreg:$0x1] =	wrdreg $0xFFFFFFFF  }
0xa7: {  	s28 =	simm.s32 $_size_execute0_lowered;
	s2 =	sadd.s32 s2, s4;
	[dreg:$0x0] =	wrdreg $0x0  }
0xa8: {  	s4 =	sshll.u32 s28, $0x1;
	[dreg:$0x2] =	wrdreg s2  }
0xa9: {  	[dreg:$0x3] =	wrdreg s4  }
0xaa: {  	[dreg:$0x4] =	wrdreg $0xC0  }
0xab: {  	_ =	task [dreg:s6], $0x5FFFF  }
0xac: {  	[dreg:$0x1] =	wrdreg $0xFFFFFFFF  }
0xad: {  	[dreg:$0x0] =	wrdreg $0x60  }
0xae: {  	[dreg:$0x2] =	wrdreg s24  }
0xaf: {  	[dreg:$0x3] =	wrdreg $0xA2000  }
0xb0: {  	[dreg:$0x4] =	wrdreg $0x9  }
0xb1: {  	_ =	task.clear_ibuf [dreg:s6], $0x5FFFF;
	_ =	strace $0x9000004C  }
0xb2: {  	s29 =	simm.s32 $0x9;
	_ =	strace $0x8000004E  }
0xb3: {  	_ =	swait.ge [sflag:s29], $0x1  }
0xb4: {  	[sflag:s29] =	ssyncadd.s32 $0xFFFFFFFF  }
0xb5: {  	_ =	strace $0x9000004E  }
0xb6: {  	_ =	sfence  }
0xb7: {  	s30 =	sld [smem:$0x0];
	_ =	sdelay $0x2  }
0xb8: {  	s31 =	sshll.u32 s1, $0xD;
	s1 =	sshrl.u32 s1, $0x2  }
0xb9: {  	s3 =	sand.u32 $0x4000, s31;
	s1 =	sadd.s32 s1, s30  }
0xba: {  	s0 =	sor.u32 s3, s0;
	s1 =	sshll.u32 s1, $0x11  }
0xbb: {  	s0 =	sor.u32 s1, s0  }
0xbc: {  	s0 =	sadd.s32 $0x8F2B, s0  }
0xbd: {  	[sflag:s0] =	ssyncadd.remote.s32 $0x1  }
0xbe: {  	_ =	sfence.sel $0xFFFF  }
0xbf: {  	[dreg:$0x0] =	wrdreg $0xFFFFFFFF;
	(pc) =	sbr.abs _section_cstart, $3  }
0xc0: {  	[dreg:$0x1] =	wrdreg $0xFFFFFFFF  }
0xc1: {  	_ =	task.clear_ibuf [dreg:s6], $0x2FFFF;
	_ =	strace $0x9FFFFFFF  }
0xc2: {  	(tm) =	ssettm $0x7FFFFFFF  }
0xc3: {  	_ =	shalt  }
tec
execute0_lowered:
.L_overlay_start_1:
0x0: {  	(tag) =	ssettag $0x1  }
0x1: {  	s0 =	rddreg [dreg:$0x0]  }
0x2: {  	s1 =	rddreg [dreg:$0x1]  }
0x3: {  	s2 =	srdreg.scid;
	s3 =	simm.s32 $0x0;
	s11 =	stileid.u32  }
0x4: {  	s28 =	simm.s32 $0x2;
	s29 =	simm.s32 $0x3;
	s31 =	simm.s32 $0x80  }
0x5: {  	s30 =	simm.s32 $0x0;
	s2 =	sand.u32 $0x1, s2;
	s6 =	smul.u32 $0x14000, s11  }
0x6: {  	[smem:$0x7FF] =	sst s3;
	s4 =	sadd.s32 $0xCA00, s0;
	s7 =	smul.u32 $0x50000, s11  }
0x7: {  	s8 =	sadd.s32 $0x5D200, s0;
	s9 =	sadd.s32 $0x2600, s0;
	s15 =	smul.u32 $0x1580, s11  }
0x8: {  	s10 =	sadd.s32 $0xC600, s0;
	s5 =	smul.u32 $0x140000, s2;
	_ =	strace $0x8000004D  }
0x9: {  	s13 =	ssub.s32 $0x2, s2;
	[dreg:$0x3] =	wrdreg s10;
	p0 =	seq.s32 s2, $0x0  }
0xa: {  	s2 =	smul.u32 $0x3A80, s11;
	s14 =	sshrl.u32 s13, $0x1;
	s7 =	sshrl.u32 s7, $0x2  }
0xb: {  	s18 =	sadd.s32 $0x3A800, s15;
	s5 =	sadd.s32 s6, s5;
	s6 =	simm.s32 $0x75  }
0xc: {  	s7 =	sadd.s32 s7, s1;
	s18 =	smov.u32 @p0 s2;
	s2 =	simm.s32 $0x1  }
0xd: {  	s5 =	sshrl.u32 s5, $0x3;
	s6 =	simm.s32 @!p0 $0x2B;
	s17 =	sadd.s32 $0x2000, s7  }
0xe: {  	s19 =	sadd.s32 $0x4000, s7;
	s20 =	sadd.s32 $0x6000, s7;
	[dreg:$0x6] =	wrdreg s17  }
0xf: {  	s21 =	sadd.s32 $0x8000, s7;
	s22 =	sadd.s32 $0xA000, s7;
	[dreg:$0x7] =	wrdreg s19  }
0x10: {  	s15 =	sadd.s32 $0xC000, s7;
	s23 =	sshrl.u32 s18, $0x3;
	[dreg:$0x8] =	wrdreg s20  }
0x11: {  	s0 =	sadd.s32 s5, s0;
	s5 =	ssub.s32 s13, s14;
	[dreg:$0x9] =	wrdreg s21  }
0x12: {  	[dreg:$0xa] =	wrdreg s22;
	s17 =	sadd.s32 $0x10000, s7;
	s18 =	sadd.s32 s8, s23  }
0x13: {  	s19 =	sadd.s32 s9, s23;
	s24 =	sadd.s32 $0x10, s23;
	s25 =	sshll.u32 s6, $0x4  }
0x14: {  	s22 =	sadd.s32 $0x12000, s7;
	s0 =	sadd.s32 $0x67200, s0;
	s16 =	smax.u32 s5, $0x1  }
0x15: {  	s20 =	sadd.s32 s24, s9;
	s21 =	sadd.s32 s24, s8;
	[dreg:$0x4] =	wrdreg s0  }
0x16: {  	[dreg:$0x5] =	wrdreg s16;
	s16 =	sadd.s32 $0xE000, s7;
	s0 =	sadd.s32 $0x20, s23  }
0x17: {  	s23 =	sadd.s32 $0xFFFFFFF0, s25;
	s26 =	sadd.s32 s0, s9;
	s0 =	sadd.s32 s0, s8  }
0x18: {  	s24 =	sadd.s32 $0xFFFFFFF0, s26;
	s25 =	sadd.s32 $0xFFFFFFF0, s0;
	s26 =	simm.s32 $0x8200  }
.LBB2_1:
0x19: {  	s0 =	rddreg [dreg:$0x3]  }
0x1a: {  	[tilespmem:s26], [sflag:$0x2] =	stream.linear.gather [hbm4b:s0+s3], $0x2000, $0x38;
	[tilespmem:$0x1E200] =	vst v63  }
0x1b: {  	_ =	swait.ge [sflag:s28], $0x2000  }
0x1c: {  	[sflag:s28] =	ssyncset.done $0x0  }
0x1d: {  	[sflag:s28] =	ssyncadd.s32 $0xFFFFE000  }
0x1e: {  	[spmem:s7] =	stream.linear.scatter [tilespmem:s26], [sflag:$0x2], $0x2000, $0x38;
	[tilespmem:$0x1E200] =	vst v63  }
0x1f: {  	_ =	swait.ge [sflag:s28], $0x2000  }
0x20: {  	[sflag:s28] =	ssyncset.done $0x0  }
0x21: {  	s8 =	rddreg [dreg:$0x6];
	[sflag:s28] =	ssyncadd.s32 $0xFFFFE000  }
0x22: {  	[spmem:s8] =	stream.linear.scatter [tilespmem:s26], [sflag:$0x2], $0x2000, $0x38;
	[tilespmem:$0x1E200] =	vst v63  }
0x23: {  	_ =	swait.ge [sflag:s28], $0x2000  }
0x24: {  	[sflag:s28] =	ssyncset.done $0x0  }
0x25: {  	s9 =	rddreg [dreg:$0x7];
	[sflag:s28] =	ssyncadd.s32 $0xFFFFE000  }
0x26: {  	[spmem:s9] =	stream.linear.scatter [tilespmem:s26], [sflag:$0x2], $0x2000, $0x38;
	[tilespmem:$0x1E200] =	vst v63  }
0x27: {  	_ =	swait.ge [sflag:s28], $0x2000  }
0x28: {  	[sflag:s28] =	ssyncset.done $0x0  }
0x29: {  	s10 =	rddreg [dreg:$0x8];
	[sflag:s28] =	ssyncadd.s32 $0xFFFFE000  }
0x2a: {  	[spmem:s10] =	stream.linear.scatter [tilespmem:s26], [sflag:$0x2], $0x2000, $0x38;
	[tilespmem:$0x1E200] =	vst v63  }
0x2b: {  	_ =	swait.ge [sflag:s28], $0x2000  }
0x2c: {  	[sflag:s28] =	ssyncset.done $0x0  }
0x2d: {  	s11 =	rddreg [dreg:$0x9];
	[sflag:s28] =	ssyncadd.s32 $0xFFFFE000  }
0x2e: {  	[spmem:s11] =	stream.linear.scatter [tilespmem:s26], [sflag:$0x2], $0x2000, $0x38;
	[tilespmem:$0x1E200] =	vst v63  }
0x2f: {  	_ =	swait.ge [sflag:s28], $0x2000  }
0x30: {  	[sflag:s28] =	ssyncset.done $0x0  }
0x31: {  	s12 =	rddreg [dreg:$0xa];
	[sflag:s28] =	ssyncadd.s32 $0xFFFFE000  }
0x32: {  	[spmem:s12] =	stream.linear.scatter [tilespmem:s26], [sflag:$0x2], $0x2000, $0x38;
	[tilespmem:$0x1E200] =	vst v63  }
0x33: {  	_ =	swait.ge [sflag:s28], $0x2000  }
0x34: {  	[sflag:s28] =	ssyncset.done $0x0  }
0x35: {  	[sflag:s28] =	ssyncadd.s32 $0xFFFFE000  }
0x36: {  	[spmem:s15] =	stream.linear.scatter [tilespmem:s26], [sflag:$0x2], $0x2000, $0x38;
	[tilespmem:$0x1E200] =	vst v63  }
0x37: {  	_ =	swait.ge [sflag:s28], $0x2000  }
0x38: {  	[sflag:s28] =	ssyncset.done $0x0  }
0x39: {  	[sflag:s28] =	ssyncadd.s32 $0xFFFFE000  }
0x3a: {  	[spmem:s16] =	stream.linear.scatter [tilespmem:s26], [sflag:$0x2], $0x2000, $0x38;
	[tilespmem:$0x1E200] =	vst v63  }
0x3b: {  	_ =	swait.ge [sflag:s28], $0x2000  }
0x3c: {  	[sflag:s28] =	ssyncset.done $0x0  }
0x3d: {  	[sflag:s28] =	ssyncadd.s32 $0xFFFFE000  }
0x3e: {  	[spmem:s17] =	stream.linear.scatter [tilespmem:s26], [sflag:$0x2], $0x2000, $0x38;
	[tilespmem:$0x1E200] =	vst v63  }
0x3f: {  	_ =	swait.ge [sflag:s28], $0x2000  }
0x40: {  	[sflag:s28] =	ssyncset.done $0x0  }
0x41: {  	[sflag:s28] =	ssyncadd.s32 $0xFFFFE000  }
0x42: {  	[spmem:s22] =	stream.linear.scatter [tilespmem:s26], [sflag:$0x2], $0x2000, $0x38;
	[tilespmem:$0x1E200] =	vst v63  }
0x43: {  	_ =	swait.ge [sflag:s28], $0x2000  }
0x44: {  	[sflag:s28] =	ssyncset.done $0x0  }
0x45: {  	[sflag:s28] =	ssyncadd.s32 $0xFFFFE000  }
0x46: {  	[bflag:$0x0] =	sbarrier.arrive $0xFFFF  }
0x47: {  	[tilespmem:s3], [sflag:$0x3] =	stream.linear.gather [hbm4b:s18+s3], $0x80, $0x38;
	[tilespmem:$0x1E200] =	vst v63  }
0x48: {  	_ =	swait.ge [sflag:s29], $0x80  }
0x49: {  	[sflag:s29] =	ssyncset.done $0x0  }
0x4a: {  	s13 =	simm.s32 $0x100;
	p1 =	sne.s32 s23, $0x10;
	[sflag:s29] =	ssyncadd.s32 $0xFFFFFF80  }
0x4b: {  	[tilespmem:s13], [sflag:$0x3] =	stream.linear.gather [hbm4b:s19+s3], $0x80, $0x38;
	[tilespmem:$0x1E200] =	vst v63  }
.Ltmp0:
0x4c: {  	_ = 	snop;
	(pc) =	sbr.rel @!p1 .LBB2_2-.Ltmp0, $4  }
0x4d: {  	_ =	swait.ge [sflag:s29], $0x80  }
0x4e: {  	s14 =	simm.s32 $0x200;
	[sflag:s29] =	ssyncset.done $0x0  }
0x4f: {  	p0 =	por $0x0, $0x0;
	s8 =	simm.s32 $0x10;
	[sflag:s29] =	ssyncadd.s32 $0xFFFFFF80  }
0x50: {  	[tilespmem:s14], [sflag:$0x1] =	stream.indirect.gather [hbm4b:s4+s31], $0x80, s3, s31, $0xb8;
	[tilespmem:$0x1E200] =	vst v63  }
0x51: {  	s0 =	sand.u32 $0x1, s2  }
0x52: {  	s5 =	sadd.s32 $0x0, s21;
	s9 =	sshll.u32 s0, $0x7  }
0x53: {  	[tilespmem:s9], [sflag:$0x3] =	stream.linear.gather [hbm4b:s5+s3], $0x80, $0x38;
	[tilespmem:$0x1E200] =	vst v63  }
0x54: {  	_ =	swait.ge [sflag:s29], $0x80  }
0x55: {  	[sflag:s29] =	ssyncset.done $0x0  }
0x56: {  	s10 =	sadd.s32 $0x0, s20;
	s12 =	sor.u32 $0x100, s9;
	[sflag:s29] =	ssyncadd.s32 $0xFFFFFF80  }
0x57: {  	[tilespmem:s12], [sflag:$0x3] =	stream.linear.gather [hbm4b:s10+s3], $0x80, $0x38;
	[tilespmem:$0x1E200] =	vst v63  }
0x58: {  	_ =	swait.ge [sflag:s29], $0x80  }
0x59: {  	s13 =	sshll.u32 s0, $0xE;
	[sflag:s29] =	ssyncset.done $0x0  }
0x5a: {  	s0 =	sxor.u32 $0x1, s0;
	s5 =	sor.u32 $0x200, s13;
	[sflag:s29] =	ssyncadd.s32 $0xFFFFFF80  }
0x5b: {  	[tilespmem:s5], [sflag:$0x1] =	stream.indirect.gather [hbm4b:s4+s31], $0x80, s9, s31, $0xb8;
	[tilespmem:$0x1E200] =	vst v63  }
0x5c: {  	p1 =	sne.s32 s23, $0x20;
	s14 =	sshll.u32 s0, $0xE;
	_ =	swait.ge [sflag:s2], $0x4000  }
.Ltmp1:
0x5d: {  	s0 =	sshll.u32 s0, $0x7;
	[sflag:s2] =	ssyncset.done $0x0;
	(pc) =	sbr.rel @!p1 .LBB2_4-.Ltmp1, $4  }
0x5e: {  	s0 =	sor.u32 $0x100, s0;
	s5 =	sor.u32 $0x200, s14;
	[sflag:s2] =	ssyncadd.s32 $0xFFFFC000  }
0x5f: {  	[spmem:s1] =	stream.indirect.scatter.add.f32 [tilespmem:s5], [sflag:$0x2], $0x80, s0, s31, $0xb8;
	[tilespmem:$0x1E200] =	vst v63  }
0x60: {  	p0 =	por $0x1, $0x1;
	_ =	swait.ge [sflag:s28], $0x4000  }
0x61: {  	s0 =	simm.s32 $0x20;
	s5 =	simm.s32 $0x2;
	[sflag:s28] =	ssyncset.done $0x0  }
.LBB2_5:
0x62: {  	s9 =	sand.u32 $0x1, s5;
	s10 =	sadd.s32 s8, s21;
	[sflag:s28] =	ssyncadd.s32 $0xFFFFC000  }
0x63: {  	s11 =	sshll.u32 s9, $0x7;
	s12 =	sshll.u32 s9, $0xE;
	s9 =	sxor.u32 $0x1, s9  }
0x64: {  	[tilespmem:s11], [sflag:$0x3] =	stream.linear.gather [hbm4b:s10+s3], $0x80, $0x38;
	[tilespmem:$0x1E200] =	vst v63  }
0x65: {  	s10 =	sshll.u32 s9, $0xE;
	s9 =	sshll.u32 s9, $0x7;
	_ =	swait.ge [sflag:s29], $0x80  }
0x66: {  	s13 =	smov.u32 s0;
	s0 =	sadd.s32 $0x10, s0;
	[sflag:s29] =	ssyncset.done $0x0  }
0x67: {  	s8 =	sadd.s32 s8, s20;
	s14 =	sor.u32 $0x100, s11;
	[sflag:s29] =	ssyncadd.s32 $0xFFFFFF80  }
0x68: {  	[tilespmem:s14], [sflag:$0x3] =	stream.linear.gather [hbm4b:s8+s3], $0x80, $0x38;
	[tilespmem:$0x1E200] =	vst v63  }
0x69: {  	p1 =	sne.s32 s23, s0;
	s8 =	smov.u32 s13;
	_ =	swait.ge [sflag:s29], $0x80  }
0x6a: {  	[sflag:s29] =	ssyncset.done $0x0  }
0x6b: {  	s12 =	sor.u32 $0x200, s12;
	[sflag:s29] =	ssyncadd.s32 $0xFFFFFF80  }
0x6c: {  	[tilespmem:s12], [sflag:$0x1] =	stream.indirect.gather [hbm4b:s4+s31], $0x80, s11, s31, $0xb8;
	[tilespmem:$0x1E200] =	vst v63  }
0x6d: {  	_ =	swait.ge [sflag:s2], $0x4000  }
.Ltmp2:
0x6e: {  	[sflag:s2] =	ssyncset.done $0x0;
	(pc) =	sbr.rel @p1 .LBB2_5-.Ltmp2, $4  }
0x6f: {  	s10 =	sor.u32 $0x200, s10;
	s9 =	sor.u32 $0x100, s9;
	[sflag:s2] =	ssyncadd.s32 $0xFFFFC000  }
0x70: {  	[spmem:s1] =	stream.indirect.scatter.add.f32 [tilespmem:s10], [sflag:$0x2], $0x80, s9, s31, $0xb8;
	[tilespmem:$0x1E200] =	vst v63  }
0x71: {  	_ =	swait.ge [sflag:s28], $0x4000  }
0x72: {  	s5 =	sadd.s32 $0x1, s5;
	[sflag:s28] =	ssyncset.done $0x0  }
0x73: {  	s9 =	smov.u32 s8;
	s8 =	smov.u32 s0  }
.LBB2_7:
0x74: {  	s0 =	sand.u32 $0x1, s5  }
0x75: {  	s10 =	sadd.s32 s9, s21;
	[sflag:s28] =	ssyncadd.s32 @p0 $0xFFFFC000;
	s11 =	sshll.u32 s0, $0x7  }
0x76: {  	[tilespmem:s11], [sflag:$0x3] =	stream.linear.gather [hbm4b:s10+s3], $0x80, $0x38;
	[tilespmem:$0x1E200] =	vst v63  }
0x77: {  	_ =	swait.ge [sflag:s29], $0x80  }
0x78: {  	[sflag:s29] =	ssyncset.done $0x0  }
0x79: {  	s12 =	sadd.s32 s9, s20;
	s14 =	sor.u32 $0x100, s11;
	[sflag:s29] =	ssyncadd.s32 $0xFFFFFF80  }
0x7a: {  	[tilespmem:s14], [sflag:$0x3] =	stream.linear.gather [hbm4b:s12+s3], $0x80, $0x38;
	[tilespmem:$0x1E200] =	vst v63  }
0x7b: {  	_ =	swait.ge [sflag:s29], $0x80  }
0x7c: {  	s13 =	sshll.u32 s0, $0xE;
	[sflag:s29] =	ssyncset.done $0x0  }
0x7d: {  	s9 =	sor.u32 $0x200, s13;
	[sflag:s29] =	ssyncadd.s32 $0xFFFFFF80  }
0x7e: {  	[tilespmem:s9], [sflag:$0x1] =	stream.indirect.gather [hbm4b:s4+s31], $0x80, s11, s31, $0xb8;
	[tilespmem:$0x1E200] =	vst v63  }
0x7f: {  	s0 =	sxor.u32 $0x1, s0;
	_ =	swait.ge [sflag:s2], $0x4000  }
0x80: {  	s14 =	sshll.u32 s0, $0xE;
	s0 =	sshll.u32 s0, $0x7;
	[sflag:s2] =	ssyncset.done $0x0  }
0x81: {  	s0 =	sor.u32 $0x100, s0;
	s9 =	sor.u32 $0x200, s14;
	[sflag:s2] =	ssyncadd.s32 $0xFFFFC000  }
0x82: {  	[spmem:s1] =	stream.indirect.scatter.add.f32 [tilespmem:s9], [sflag:$0x2], $0x80, s0, s31, $0xb8;
	[tilespmem:$0x1E200] =	vst v63  }
0x83: {  	s9 =	sadd.s32 $0x1, s5  }
0x84: {  	_ =	swait.ge [sflag:s28], $0x4000;
	s5 =	sand.u32 $0x1, s9;
	p0 =	sge.u32 s9, s6  }
0x85: {  	[sflag:s28] =	ssyncset.done $0x0;
	s0 =	sshll.u32 @!p0 s5, $0x7  }
0x86: {  	s9 =	sadd.s32 @!p0 s8, s25;
	s10 =	simm.s32 @!p0 $0x0;
	[sflag:s28] =	ssyncadd.s32 $0xFFFFC000  }
0x87: {  	[tilespmem:s0], [sflag:$0x3] =	stream.linear.gather @!p0 [hbm4b:s9+s10], $0x80, $0x38;
	[tilespmem:$0x1E200] =	vst v63  }
0x88: {  	s9 =	simm.s32 @!p0 $0x3  }
0x89: {  	_ =	swait.ge @!p0 [sflag:s9], $0x80  }
0x8a: {  	[sflag:s9] =	ssyncset.done @!p0 $0x0  }
0x8b: {  	s8 =	sadd.s32 @!p0 s8, s24;
	s11 =	sor.u32 @!p0 $0x100, s0;
	[sflag:s9] =	ssyncadd.s32 @!p0 $0xFFFFFF80  }
0x8c: {  	[tilespmem:s11], [sflag:$0x3] =	stream.linear.gather @!p0 [hbm4b:s8+s10], $0x80, $0x38;
	[tilespmem:$0x1E200] =	vst v63  }
0x8d: {  	_ =	swait.ge @!p0 [sflag:s9], $0x80  }
0x8e: {  	s8 =	sshll.u32 @!p0 s5, $0xE;
	[sflag:s9] =	ssyncset.done @!p0 $0x0  }
0x8f: {  	s8 =	sor.u32 @!p0 $0x200, s8;
	[sflag:s9] =	ssyncadd.s32 @!p0 $0xFFFFFF80;
	s9 =	simm.s32 @!p0 $0x80  }
0x90: {  	[tilespmem:s8], [sflag:$0x1] =	stream.indirect.gather @!p0 [hbm4b:s4+s9], $0x80, s0, s9, $0xb8;
	[tilespmem:$0x1E200] =	vst v63  }
0x91: {  	s10 =	sxor.u32 $0x1, s5;
	_ =	swait.ge [sflag:s2], $0x4000  }
0x92: {  	s5 =	sshll.u32 s10, $0xE;
	s0 =	sshll.u32 s10, $0x7;
	[sflag:s2] =	ssyncset.done $0x0  }
0x93: {  	s5 =	sor.u32 $0x200, s5;
	s0 =	sor.u32 $0x100, s0;
	[sflag:s2] =	ssyncadd.s32 $0xFFFFC000  }
0x94: {  	[spmem:s1] =	stream.indirect.scatter.add.f32 [tilespmem:s5], [sflag:$0x2], $0x80, s0, s31, $0xb8;
	[tilespmem:$0x1E200] =	vst v63  }
0x95: {  	_ =	swait.ge [sflag:s28], $0x4000  }
0x96: {  	[sflag:s28] =	ssyncset.done $0x0  }
0x97: {  	s11 =	stileid.u32;
	[sflag:s28] =	ssyncadd.s32 $0xFFFFC000  }
0x98: {  	s0 =	sshll.u32 s11, $0x6;
	[bflag:$0x0] =	sbarrier.arrive $0xFFFF  }
0x99: {  	s12 =	sshrl.u32 s7, $0x3;
	s0 =	sor.u32 $0x1C02, s0;
	s13 =	rddreg [dreg:$0x4]  }
0x9a: {  	[hbm:s13], [sflag:s0] =	dma.local [spmem:s12], $0x2800  }
0x9b: {  	_ =	swait.ge [sflag:s28], $0x2800  }
0x9c: {  	s30 =	sadd.s32 $0x1, s30;
	s14 =	rddreg [dreg:$0x5]  }
0x9d: {  	p0 =	sne.s32 s30, s14  }
.Ltmp3:
0x9e: {  	_ = 	snop;
	(pc) =	sbr.rel @p0 .LBB2_1-.Ltmp3, $4  }
.Ltmp4:
0x9f: {  	_ = 	snop;
	(pc) =	sbr.rel @!p0 .LBB2_8-.Ltmp4, $4  }
0xa0: {  	_ = 	snop  }
0xa1: {  	[sflag:s28] =	ssyncset.done $0x0  }
0xa2: {  	[sflag:s28] =	ssyncadd.s32 $0xFFFFD800  }
0xa3: {  	_ = 	snop  }
.LBB2_2:
.Ltmp5:
0xa4: {  	(pc) =	sbr.rel .LBB2_7-.Ltmp5, $2  }
0xa5: {  	_ =	sdelay $0x2  }
0xa6: {  	s5 =	simm.s32 $0x1;
	s9 =	simm.s32 $0x0  }
.LBB2_4:
.Ltmp6:
0xa7: {  	(pc) =	sbr.rel .LBB2_7-.Ltmp6, $2  }
0xa8: {  	_ =	sdelay $0x2  }
0xa9: {  	s9 =	simm.s32 $0x10;
	s8 =	simm.s32 $0x20  }
.LBB2_8:
0xaa: {  	_ =	sfence.sel $0x180000  }
0xab: {  	[bflag:$0x0] =	sbarrier.arrive $0xFFFF  }
0xac: {  	_ =	strace $0x9000004D  }
0xad: {  	s0 =	stileid.u32;
	[bflag:$0x2] =	sbarrier.arrive $0xFFFF  }
0xae: {  	p0 =	sne.s32 s0, $0x0;
	s0 =	rddreg [dreg:$0x2]  }
0xaf: {  	s0 =	sadd.s32 @!p0 $0x100000, s0  }
0xb0: {  	[sflag:s0] =	ssyncadd.tile.s32 @!p0 $0x1;
	_ =	shalt  }
.Lfunc_end2:
_tile_overlayer_lowered:
.L_overlay_start_2:
0xb1: {  	(tag) =	ssettag $0x2  }
0xb2: {  	s0 =	rddreg [dreg:$0x0];
	s2 =	stileid.u32  }
0xb3: {  	s1 =	rddreg [dreg:$0x1];
	p0 =	sne.s32 s2, $0x0  }
0xb4: {  	s3 =	rddreg [dreg:$0x2];
	[bflag:$0x3] =	sbarrier.arrive $0xFFFF;
	s2 =	simm.s32 @!p0 $0x1C02  }
0xb5: {  	[timem:s3], [sflag:s2] =	dma.local @!p0 [hbm:s0], s1  }
0xb6: {  	s0 =	simm.s32 @!p0 $0x2  }
0xb7: {  	_ =	swait.ge @!p0 [sflag:s0], s1  }
0xb8: {  	s1 =	ssub.s32 @!p0 $0x0, s1;
	[sflag:s0] =	ssyncset.done @!p0 $0x0  }
0xb9: {  	[sflag:s0] =	ssyncadd.s32 @!p0 s1  }
0xba: {  	[bflag:$0x3] =	sbarrier.arrive $0xFFFF  }
0xbb: {  	_ =	shalt  }

</sc_bundles>
